<compile_context>
chip_gen: v7x
topology: tpu7x:2x2x1
jax: 0.10.2.dev20260603
libtpu: 0.0.44.dev20260713+nightly
codegen_flags: <defaults>
</compile_context>

<pallas_src>
import functools

import jax
import jax.numpy as jnp
from jax import lax
from jax.experimental import pallas as pl
from jax.experimental.pallas import tpu as pltpu
from jax.experimental.pallas import tpu_sc as plsc

N = 10000
E = 320000
D = 128
G = 64
NC = 2
NS = 16
NW = NC * NS
CHUNK = 125
NCHUNK = 80
HALFC = NCHUNK // 2
EPW = CHUNK * NCHUNK
E_PAD = EPW * NW
ACC_ROWS = N
SCAT_BYTES = CHUNK * D * 4
STRIPE = 640
TAIL = N - 15 * STRIPE

@functools.cache
def _make_sc_agg():
    mesh = plsc.VectorSubcoreMesh(core_axis_name="c", subcore_axis_name="s")

    @functools.partial(
        pl.kernel,
        mesh=mesh,
        out_type=jax.ShapeDtypeStruct((NC, N, D), jnp.float32),
        scratch_types=[
            pltpu.VMEM((HALFC, CHUNK), jnp.int32),
            pltpu.VMEM((HALFC, CHUNK), jnp.int32),
            pltpu.VMEM((CHUNK, D), jnp.float32),
            pltpu.VMEM((CHUNK, D), jnp.float32),
            pltpu.VMEM_SHARED((ACC_ROWS, D), jnp.float32),
            pltpu.SemaphoreType.DMA,
            pltpu.SemaphoreType.DMA,
            pltpu.SemaphoreType.DMA,
        ],
    )
    def _sc_agg(h_hbm, src_hbm, dst_hbm, zeros_hbm, out_hbm,
                src_v, dst_v, rows0_v, rows1_v, acc_sh,
                semg, sems0, sems1):
        c = lax.axis_index("c")
        s = lax.axis_index("s")
        w = c * NS + s

        pltpu.async_copy(src_hbm.at[w, 0], src_v, semg)
        pltpu.async_copy(dst_hbm.at[w, 0], dst_v, semg)

        @pl.when(s < 15)
        def _():
            pltpu.sync_copy(zeros_hbm.at[pl.ds(s * STRIPE, STRIPE)],
                            acc_sh.at[pl.ds(s * STRIPE, STRIPE)])

        @pl.when(s == 15)
        def _():
            pltpu.sync_copy(zeros_hbm.at[pl.ds(15 * STRIPE, TAIL)],
                            acc_sh.at[pl.ds(15 * STRIPE, TAIL)])

        pltpu.make_async_copy(src_hbm.at[w, 0], src_v, semg).wait()
        pltpu.make_async_copy(dst_hbm.at[w, 0], dst_v, semg).wait()
        plsc.subcore_barrier()

        for p in range(2):
            pltpu.async_copy(h_hbm.at[src_v.at[0]], rows0_v, semg).wait()
            pltpu.async_copy(rows0_v, acc_sh.at[dst_v.at[0]],
                             sems0, add=True)
            pltpu.async_copy(h_hbm.at[src_v.at[1]], rows1_v, semg).wait()
            pltpu.async_copy(rows1_v, acc_sh.at[dst_v.at[1]],
                             sems1, add=True)

            def body(j, carry):
                i0 = 2 * j
                i1 = i0 + 1
                pltpu.make_async_copy(rows0_v, acc_sh.at[dst_v.at[i0]],
                                      sems0).wait()
                pltpu.async_copy(h_hbm.at[src_v.at[i0]], rows0_v,
                                 semg).wait()
                pltpu.async_copy(rows0_v, acc_sh.at[dst_v.at[i0]],
                                 sems0, add=True)
                pltpu.make_async_copy(rows1_v, acc_sh.at[dst_v.at[i1]],
                                      sems1).wait()
                pltpu.async_copy(h_hbm.at[src_v.at[i1]], rows1_v,
                                 semg).wait()
                pltpu.async_copy(rows1_v, acc_sh.at[dst_v.at[i1]],
                                 sems1, add=True)
                return carry

            lax.fori_loop(1, HALFC // 2, body, 0)
            pltpu.make_async_copy(rows0_v, acc_sh.at[dst_v.at[0]],
                                  sems0).wait()
            pltpu.make_async_copy(rows1_v, acc_sh.at[dst_v.at[1]],
                                  sems1).wait()
            if p == 0:
                pltpu.sync_copy(src_hbm.at[w, 1], src_v)
                pltpu.sync_copy(dst_hbm.at[w, 1], dst_v)

        plsc.subcore_barrier()

        @pl.when(s < 15)
        def _():
            pltpu.sync_copy(acc_sh.at[pl.ds(s * STRIPE, STRIPE)],
                            out_hbm.at[c, pl.ds(s * STRIPE, STRIPE)])

        @pl.when(s == 15)
        def _():
            pltpu.sync_copy(acc_sh.at[pl.ds(15 * STRIPE, TAIL)],
                            out_hbm.at[c, pl.ds(15 * STRIPE, TAIL)])

    return _sc_agg


def _tc_layer_body(h_ref, agg_ref, w1_ref, b1_ref, w2_ref, b2_ref,
                   gamma_ref, beta_ref, eps_ref, out_ref):
    z = (1.0 + eps_ref[0, 0]) * h_ref[...] + agg_ref[0] + agg_ref[1]
    z = jnp.maximum(
        jnp.dot(z, w1_ref[...], preferred_element_type=jnp.float32)
        + b1_ref[...], 0.0)
    z = jnp.maximum(
        jnp.dot(z, w2_ref[...], preferred_element_type=jnp.float32)
        + b2_ref[...], 0.0)
    mean = jnp.mean(z, axis=0, keepdims=True)
    var = jnp.mean((z - mean) * (z - mean), axis=0, keepdims=True)
    out_ref[...] = ((z - mean) * lax.rsqrt(var + 1e-5) * gamma_ref[...]
                    + beta_ref[...])


_tc_layer = pl.pallas_call(
    _tc_layer_body,
    out_shape=jax.ShapeDtypeStruct((N, D), jnp.float32),
)


def _tc_last_body(h_ref, agg_ref, w1_ref, b1_ref, w2_ref, b2_ref,
                  gamma_ref, beta_ref, eps_ref, batch_ref,
                  l1w_ref, l1b_ref, l2w_ref, l2b_ref, out_ref):
    z = (1.0 + eps_ref[0, 0]) * h_ref[...] + agg_ref[0] + agg_ref[1]
    z = jnp.maximum(
        jnp.dot(z, w1_ref[...], preferred_element_type=jnp.float32)
        + b1_ref[...], 0.0)
    z = jnp.maximum(
        jnp.dot(z, w2_ref[...], preferred_element_type=jnp.float32)
        + b2_ref[...], 0.0)
    mean = jnp.mean(z, axis=0, keepdims=True)
    var = jnp.mean((z - mean) * (z - mean), axis=0, keepdims=True)
    h3 = ((z - mean) * lax.rsqrt(var + 1e-5) * gamma_ref[...]
          + beta_ref[...])
    gids = lax.broadcasted_iota(jnp.int32, (G, N), 0)
    onehot = (gids == batch_ref[...]).astype(jnp.float32)
    counts = jnp.sum(onehot, axis=1, keepdims=True)
    pooled = jnp.dot(onehot, h3, preferred_element_type=jnp.float32)
    pooled = pooled / jnp.maximum(counts, 1.0)
    t = jnp.maximum(
        jnp.dot(pooled, l1w_ref[...], preferred_element_type=jnp.float32)
        + l1b_ref[...], 0.0)
    o = (jnp.dot(t, l2w_ref[...], preferred_element_type=jnp.float32)
         + l2b_ref[...])
    m = jnp.max(o, axis=1, keepdims=True)
    e = o - m
    out_ref[...] = e - jnp.log(jnp.sum(jnp.exp(e), axis=1, keepdims=True))


_tc_last = pl.pallas_call(
    _tc_last_body,
    out_shape=jax.ShapeDtypeStruct((G, 40), jnp.float32),
)


def kernel(x, edge_index, batch, params):
    src = edge_index[0].reshape(NW, 2, HALFC, CHUNK)
    dst = edge_index[1].reshape(NW, 2, HALFC, CHUNK)
    zeros = jnp.zeros((N, D), jnp.float32)
    sc_agg = _make_sc_agg()
    h = x
    for lp in params['convs'][:-1]:
        agg = sc_agg(h, src, dst, zeros)
        h = _tc_layer(h, agg,
                      lp['W1'], lp['b1'].reshape(1, D),
                      lp['W2'], lp['b2'].reshape(1, D),
                      lp['gamma'].reshape(1, D), lp['beta'].reshape(1, D),
                      lp['eps'].reshape(1, 1))
    lp = params['convs'][-1]
    agg = sc_agg(h, src, dst, zeros)
    return _tc_last(h, agg,
                    lp['W1'], lp['b1'].reshape(1, D),
                    lp['W2'], lp['b2'].reshape(1, D),
                    lp['gamma'].reshape(1, D), lp['beta'].reshape(1, D),
                    lp['eps'].reshape(1, 1), batch.reshape(1, N),
                    params['lin1_W'], params['lin1_b'].reshape(1, D),
                    params['lin2_W'], params['lin2_b'].reshape(1, 40))

# --- scband reference (transcript-rebuilt; emitter-appended) ---
"""Pipeline reference for scband-gin-59854664237550 (READ-ONLY COPY).

The authoritative reference and input builder live on the scoring server;
editing this copy changes nothing except your own understanding.
"""

import jax, jax.numpy as jnp
import numpy as np

N = 10000
E = 320000
IN_DIM = 128
HID = 128
OUT_DIM = 40
NUM_LAYERS = 3
NUM_GRAPHS = 64


def setup_inputs(seed: int = 0) -> dict:
    key = jax.random.key(seed)
    ks = jax.random.split(key, 64)
    x = jax.random.normal(ks[0], (N, IN_DIM), dtype=jnp.float32)
    edge_index = jax.random.randint(ks[1], (2, E), 0, N, dtype=jnp.int32)
    batch = jnp.sort(jax.random.randint(ks[2], (N,), 0, NUM_GRAPHS, dtype=jnp.int32))
    convs = []
    kidx = 3
    in_d = IN_DIM
    for i in range(NUM_LAYERS):
        lp = {
            'eps': jnp.zeros((), jnp.float32),
            'W1': jax.random.normal(ks[kidx + 0], (in_d, HID), jnp.float32) * 0.02,
            'b1': jnp.zeros((HID,), jnp.float32),
            'W2': jax.random.normal(ks[kidx + 1], (HID, HID), jnp.float32) * 0.02,
            'b2': jnp.zeros((HID,), jnp.float32),
            'gamma': jnp.ones((HID,), jnp.float32),
            'beta': jnp.zeros((HID,), jnp.float32),
        }
        convs.append(lp)
        kidx += 2
        in_d = HID
    params = {
        'convs': convs,
        'lin1_W': jax.random.normal(ks[kidx + 0], (HID, HID), jnp.float32) * 0.02,
        'lin1_b': jnp.zeros((HID,), jnp.float32),
        'lin2_W': jax.random.normal(ks[kidx + 1], (HID, OUT_DIM), jnp.float32) * 0.02,
        'lin2_b': jnp.zeros((OUT_DIM,), jnp.float32),
    }
    return {'x': x, 'edge_index': edge_index, 'batch': batch, 'params': params}


def reference(x, edge_index, batch, params):
    src = edge_index[0]
    dst = edge_index[1]
    h = x
    for lp in params['convs']:
        # GINConv: nn((1 + eps) * x + sum_{j in N(i)} x_j)
        msgs = jnp.take(h, src, axis=0)
        agg = jax.ops.segment_sum(msgs, dst, num_segments=N)
        z = (1.0 + lp['eps']) * h + agg
        # MLP: lin1 -> ReLU -> lin2 -> ReLU -> BatchNorm1d (training stats)
        z = jnp.maximum(z @ lp['W1'] + lp['b1'], 0.0)
        z = jnp.maximum(z @ lp['W2'] + lp['b2'], 0.0)
        mean = jnp.mean(z, axis=0)
        var = jnp.var(z, axis=0)
        z = (z - mean) / jnp.sqrt(var + 1e-5) * lp['gamma'] + lp['beta']
        h = z
    # global_mean_pool over graph ids in `batch`
    counts = jax.ops.segment_sum(jnp.ones((N,), jnp.float32), batch, num_segments=NUM_GRAPHS)
    pooled = jax.ops.segment_sum(h, batch, num_segments=NUM_GRAPHS) / jnp.maximum(counts, 1.0)[:, None]
    out = jnp.maximum(pooled @ params['lin1_W'] + params['lin1_b'], 0.0)
    # dropout is identity in eval mode
    out = out @ params['lin2_W'] + params['lin2_b']
    return jax.nn.log_softmax(out, axis=-1)

if __name__ == "__main__":
    import jax
    _d = setup_inputs()
    print(jax.jit(kernel)(*tuple(_d.values())))

</pallas_src>

<mosaic_0001>
#map = affine_map<(d0, d1) -> (0, 0)>
#map1 = affine_map<(d0, d1) -> (0, 0, 0, 0)>
#map2 = affine_map<(d0, d1) -> (0, 0, 0)>
module attributes {stable_mosaic.version = 14 : i64} {
  func.func @_sc_agg(%arg0: i32, %arg1: i32, %arg2: memref<10000x128xf32, #tpu.memory_space<hbm>>, %arg3: memref<32x2x40x125xi32, #tpu.memory_space<hbm>>, %arg4: memref<32x2x40x125xi32, #tpu.memory_space<hbm>>, %arg5: memref<10000x128xf32, #tpu.memory_space<hbm>>, %arg6: memref<2x10000x128xf32, #tpu.memory_space<hbm>>, %arg7: memref<40x125xi32, #tpu.memory_space<vmem>>, %arg8: memref<40x125xi32, #tpu.memory_space<vmem>>, %arg9: memref<125x128xf32, #tpu.memory_space<vmem>>, %arg10: memref<125x128xf32, #tpu.memory_space<vmem>>, %arg11: memref<10000x128xf32, #tpu.memory_space<vmem_shared>>, %arg12: memref<!tpu.dma_semaphore, #tpu.memory_space<semaphore_mem>>, %arg13: memref<!tpu.dma_semaphore, #tpu.memory_space<semaphore_mem>>, %arg14: memref<!tpu.dma_semaphore, #tpu.memory_space<semaphore_mem>>) attributes {dimension_semantics = [#tpu.dimension_semantics<core_parallel>, #tpu.dimension_semantics<subcore_parallel>], iteration_bounds = array<i64: 2, 16>, scalar_prefetch = 0 : i64, scratch_operands = 8 : i64, tpu.core_type = #tpu.core_type<sc_vector_subcore>, window_params = [{transform_indices = #map}, {transform_indices = #map1}, {transform_indices = #map1}, {transform_indices = #map}, {transform_indices = #map2}]} {
    %mul3A = arith.constant 16 : i32
    %mul3A_0 = arith.muli %arg0, %mul3A : i32
    %add3A = arith.addi %mul3A_0, %arg1 : i32
    %dma_start3A = arith.constant 0 : i32
    %dma_start3A_1 = arith.constant 0 : i32
    %dma_start3A_2 = arith.constant 0 : i32
    %dma_start3A_3 = tpu.memref_slice %arg3[%add3A, %dma_start3A, %dma_start3A_1, %dma_start3A_2] : memref<32x2x40x125xi32, #tpu.memory_space<hbm>> -> memref<1x1x40x125xi32, #tpu.memory_space<hbm>>
    %dma_start3A_4 = tpu.memref_squeeze %dma_start3A_3 : memref<1x1x40x125xi32, #tpu.memory_space<hbm>> -> memref<40x125xi32, #tpu.memory_space<hbm>>
    %dma_start3A_5 = arith.constant 0 : i32
    %dma_start3A_6 = arith.constant 0 : i32
    %dma_start3A_7 = tpu.memref_slice %arg3[%add3A, %dma_start3A, %dma_start3A_5, %dma_start3A_6] : memref<32x2x40x125xi32, #tpu.memory_space<hbm>> -> memref<1x1x40x125xi32, #tpu.memory_space<hbm>>
    %dma_start3A_8 = tpu.memref_squeeze %dma_start3A_7 : memref<1x1x40x125xi32, #tpu.memory_space<hbm>> -> memref<40x125xi32, #tpu.memory_space<hbm>>
    tpu.enqueue_dma source(%dma_start3A_8 : memref<40x125xi32, #tpu.memory_space<hbm>>) target(%arg7 : memref<40x125xi32, #tpu.memory_space<vmem>>) target_semaphore(%arg12 : memref<!tpu.dma_semaphore, #tpu.memory_space<semaphore_mem>>)
    %dma_start3A_9 = arith.constant 0 : i32
    %dma_start3A_10 = arith.constant 0 : i32
    %dma_start3A_11 = arith.constant 0 : i32
    %dma_start3A_12 = tpu.memref_slice %arg4[%add3A, %dma_start3A_9, %dma_start3A_10, %dma_start3A_11] : memref<32x2x40x125xi32, #tpu.memory_space<hbm>> -> memref<1x1x40x125xi32, #tpu.memory_space<hbm>>
    %dma_start3A_13 = tpu.memref_squeeze %dma_start3A_12 : memref<1x1x40x125xi32, #tpu.memory_space<hbm>> -> memref<40x125xi32, #tpu.memory_space<hbm>>
    %dma_start3A_14 = arith.constant 0 : i32
    %dma_start3A_15 = arith.constant 0 : i32
    %dma_start3A_16 = tpu.memref_slice %arg4[%add3A, %dma_start3A_9, %dma_start3A_14, %dma_start3A_15] : memref<32x2x40x125xi32, #tpu.memory_space<hbm>> -> memref<1x1x40x125xi32, #tpu.memory_space<hbm>>
    %dma_start3A_17 = tpu.memref_squeeze %dma_start3A_16 : memref<1x1x40x125xi32, #tpu.memory_space<hbm>> -> memref<40x125xi32, #tpu.memory_space<hbm>>
    tpu.enqueue_dma source(%dma_start3A_17 : memref<40x125xi32, #tpu.memory_space<hbm>>) target(%arg8 : memref<40x125xi32, #tpu.memory_space<vmem>>) target_semaphore(%arg12 : memref<!tpu.dma_semaphore, #tpu.memory_space<semaphore_mem>>)
    %lt3A = arith.constant 15 : i32
    %lt3A_18 = arith.cmpi slt, %arg1, %lt3A : i32
    %convert_element_type3A = arith.extui %lt3A_18 : i1 to i32
    %cond3A = arith.constant 0 : i32
    %cond3A_19 = arith.cmpi ne, %convert_element_type3A, %cond3A : i32
    scf.if %cond3A_19 {
      %mul3A_176 = arith.constant 640 : i32
      %mul3A_177 = arith.muli %arg1, %mul3A_176 : i32
      %mul3A_178 = arith.constant 640 : i32
      %mul3A_179 = arith.muli %arg1, %mul3A_178 : i32
      "tpu.region"() ({
        %run_scoped3A_180 = tpu.sem_alloc : memref<!tpu.dma_semaphore, #tpu.memory_space<semaphore_mem>>
        %dma_start3A_181 = arith.constant 0 : i32
        %dma_start3A_182 = tpu.memref_slice %arg11[%mul3A_179, %dma_start3A_181] : memref<10000x128xf32, #tpu.memory_space<vmem_shared>> -> memref<640x128xf32, #tpu.memory_space<vmem_shared>>
        %dma_start3A_183 = arith.constant 0 : i32
        %dma_start3A_184 = tpu.memref_slice %arg5[%mul3A_177, %dma_start3A_183] : memref<10000x128xf32, #tpu.memory_space<hbm>> -> memref<640x128xf32, #tpu.memory_space<hbm>>
        tpu.enqueue_dma source(%dma_start3A_184 : memref<640x128xf32, #tpu.memory_space<hbm>>) target(%dma_start3A_182 : memref<640x128xf32, #tpu.memory_space<vmem_shared>>) target_semaphore(%run_scoped3A_180 : memref<!tpu.dma_semaphore, #tpu.memory_space<semaphore_mem>>)
        %dma_wait3A_185 = arith.constant 0 : i32
        %dma_wait3A_186 = tpu.memref_slice %arg11[%mul3A_179, %dma_wait3A_185] : memref<10000x128xf32, #tpu.memory_space<vmem_shared>> -> memref<640x128xf32, #tpu.memory_space<vmem_shared>>
        %dma_wait3A_187 = arith.constant 0 : i32
        %dma_wait3A_188 = tpu.memref_slice %arg5[%mul3A_177, %dma_wait3A_187] : memref<10000x128xf32, #tpu.memory_space<hbm>> -> memref<640x128xf32, #tpu.memory_space<hbm>>
        tpu.wait_dma2 semaphore(%run_scoped3A_180 : memref<!tpu.dma_semaphore, #tpu.memory_space<semaphore_mem>>) src(%dma_wait3A_188 : memref<640x128xf32, #tpu.memory_space<hbm>>) dst(%dma_wait3A_186 : memref<640x128xf32, #tpu.memory_space<vmem_shared>>)
        tpu.yield
      }) : () -> ()
    } else {
    }
    %eq3A = arith.constant 15 : i32
    %eq3A_20 = arith.cmpi eq, %arg1, %eq3A : i32
    %convert_element_type3A_21 = arith.extui %eq3A_20 : i1 to i32
    %cond3A_22 = arith.constant 0 : i32
    %cond3A_23 = arith.cmpi ne, %convert_element_type3A_21, %cond3A_22 : i32
    scf.if %cond3A_23 {
      "tpu.region"() ({
        %run_scoped3A_176 = tpu.sem_alloc : memref<!tpu.dma_semaphore, #tpu.memory_space<semaphore_mem>>
        %dma_start3A_177 = arith.constant 9600 : i32
        %dma_start3A_178 = arith.constant 0 : i32
        %dma_start3A_179 = tpu.memref_slice %arg11[%dma_start3A_177, %dma_start3A_178] : memref<10000x128xf32, #tpu.memory_space<vmem_shared>> -> memref<400x128xf32, #tpu.memory_space<vmem_shared>>
        %dma_start3A_180 = arith.constant 9600 : i32
        %dma_start3A_181 = arith.constant 0 : i32
        %dma_start3A_182 = tpu.memref_slice %arg5[%dma_start3A_180, %dma_start3A_181] : memref<10000x128xf32, #tpu.memory_space<hbm>> -> memref<400x128xf32, #tpu.memory_space<hbm>>
        tpu.enqueue_dma source(%dma_start3A_182 : memref<400x128xf32, #tpu.memory_space<hbm>>) target(%dma_start3A_179 : memref<400x128xf32, #tpu.memory_space<vmem_shared>>) target_semaphore(%run_scoped3A_176 : memref<!tpu.dma_semaphore, #tpu.memory_space<semaphore_mem>>)
        %dma_wait3A_183 = arith.constant 9600 : i32
        %dma_wait3A_184 = arith.constant 0 : i32
        %dma_wait3A_185 = tpu.memref_slice %arg11[%dma_wait3A_183, %dma_wait3A_184] : memref<10000x128xf32, #tpu.memory_space<vmem_shared>> -> memref<400x128xf32, #tpu.memory_space<vmem_shared>>
        %dma_wait3A_186 = arith.constant 9600 : i32
        %dma_wait3A_187 = arith.constant 0 : i32
        %dma_wait3A_188 = tpu.memref_slice %arg5[%dma_wait3A_186, %dma_wait3A_187] : memref<10000x128xf32, #tpu.memory_space<hbm>> -> memref<400x128xf32, #tpu.memory_space<hbm>>
        tpu.wait_dma2 semaphore(%run_scoped3A_176 : memref<!tpu.dma_semaphore, #tpu.memory_space<semaphore_mem>>) src(%dma_wait3A_188 : memref<400x128xf32, #tpu.memory_space<hbm>>) dst(%dma_wait3A_185 : memref<400x128xf32, #tpu.memory_space<vmem_shared>>)
        tpu.yield
      }) : () -> ()
    } else {
    }
    %dma_wait3A = arith.constant 0 : i32
    %dma_wait3A_24 = arith.constant 0 : i32
    %dma_wait3A_25 = arith.constant 0 : i32
    %dma_wait3A_26 = tpu.memref_slice %arg3[%add3A, %dma_wait3A, %dma_wait3A_24, %dma_wait3A_25] : memref<32x2x40x125xi32, #tpu.memory_space<hbm>> -> memref<1x1x40x125xi32, #tpu.memory_space<hbm>>
    %dma_wait3A_27 = tpu.memref_squeeze %dma_wait3A_26 : memref<1x1x40x125xi32, #tpu.memory_space<hbm>> -> memref<40x125xi32, #tpu.memory_space<hbm>>
    %dma_wait3A_28 = arith.constant 0 : i32
    %dma_wait3A_29 = arith.constant 0 : i32
    %dma_wait3A_30 = tpu.memref_slice %arg3[%add3A, %dma_wait3A, %dma_wait3A_28, %dma_wait3A_29] : memref<32x2x40x125xi32, #tpu.memory_space<hbm>> -> memref<1x1x40x125xi32, #tpu.memory_space<hbm>>
    %dma_wait3A_31 = tpu.memref_squeeze %dma_wait3A_30 : memref<1x1x40x125xi32, #tpu.memory_space<hbm>> -> memref<40x125xi32, #tpu.memory_space<hbm>>
    tpu.wait_dma2 semaphore(%arg12 : memref<!tpu.dma_semaphore, #tpu.memory_space<semaphore_mem>>) src(%dma_wait3A_31 : memref<40x125xi32, #tpu.memory_space<hbm>>) dst(%arg7 : memref<40x125xi32, #tpu.memory_space<vmem>>)
    %dma_wait3A_32 = arith.constant 0 : i32
    %dma_wait3A_33 = arith.constant 0 : i32
    %dma_wait3A_34 = arith.constant 0 : i32
    %dma_wait3A_35 = tpu.memref_slice %arg4[%add3A, %dma_wait3A_32, %dma_wait3A_33, %dma_wait3A_34] : memref<32x2x40x125xi32, #tpu.memory_space<hbm>> -> memref<1x1x40x125xi32, #tpu.memory_space<hbm>>
    %dma_wait3A_36 = tpu.memref_squeeze %dma_wait3A_35 : memref<1x1x40x125xi32, #tpu.memory_space<hbm>> -> memref<40x125xi32, #tpu.memory_space<hbm>>
    %dma_wait3A_37 = arith.constant 0 : i32
    %dma_wait3A_38 = arith.constant 0 : i32
    %dma_wait3A_39 = tpu.memref_slice %arg4[%add3A, %dma_wait3A_32, %dma_wait3A_37, %dma_wait3A_38] : memref<32x2x40x125xi32, #tpu.memory_space<hbm>> -> memref<1x1x40x125xi32, #tpu.memory_space<hbm>>
    %dma_wait3A_40 = tpu.memref_squeeze %dma_wait3A_39 : memref<1x1x40x125xi32, #tpu.memory_space<hbm>> -> memref<40x125xi32, #tpu.memory_space<hbm>>
    tpu.wait_dma2 semaphore(%arg12 : memref<!tpu.dma_semaphore, #tpu.memory_space<semaphore_mem>>) src(%dma_wait3A_40 : memref<40x125xi32, #tpu.memory_space<hbm>>) dst(%arg8 : memref<40x125xi32, #tpu.memory_space<vmem>>)
    %barrier3A = arith.constant 0 : index
    tpu.barrier barrier_id(%barrier3A)
    %dma_start3A_41 = arith.constant 0 : i32
    %dma_start3A_42 = arith.constant 0 : i32
    %dma_start3A_43 = tpu.memref_slice %arg7[%dma_start3A_41, %dma_start3A_42] : memref<40x125xi32, #tpu.memory_space<vmem>> -> memref<1x125xi32, #tpu.memory_space<vmem>>
    %dma_start3A_44 = tpu.memref_squeeze %dma_start3A_43 : memref<1x125xi32, #tpu.memory_space<vmem>> -> memref<125xi32, #tpu.memory_space<vmem>>
    %dma_start3A_45 = arith.constant 0 : i32
    %dma_start3A_46 = arith.constant 0 : i32
    %dma_start3A_47 = tpu.memref_slice %arg2[%dma_start3A_45, %dma_start3A_46] : memref<10000x128xf32, #tpu.memory_space<hbm>> -> memref<10000x128xf32, #tpu.memory_space<hbm>>
    tpu.enqueue_indirect_dma source(%dma_start3A_47 : memref<10000x128xf32, #tpu.memory_space<hbm>>) target(%arg9 : memref<125x128xf32, #tpu.memory_space<vmem>>) offsets(%dma_start3A_44 : memref<125xi32, #tpu.memory_space<vmem>>) semaphore(%arg12 : memref<!tpu.dma_semaphore, #tpu.memory_space<semaphore_mem>>)
    %dma_wait3A_48 = arith.constant 0 : i32
    %dma_wait3A_49 = arith.constant 0 : i32
    %dma_wait3A_50 = tpu.memref_slice %arg7[%dma_wait3A_48, %dma_wait3A_49] : memref<40x125xi32, #tpu.memory_space<vmem>> -> memref<1x125xi32, #tpu.memory_space<vmem>>
    %dma_wait3A_51 = tpu.memref_squeeze %dma_wait3A_50 : memref<1x125xi32, #tpu.memory_space<vmem>> -> memref<125xi32, #tpu.memory_space<vmem>>
    %dma_wait3A_52 = arith.constant 0 : i32
    %dma_wait3A_53 = arith.constant 0 : i32
    %dma_wait3A_54 = tpu.memref_slice %arg2[%dma_wait3A_52, %dma_wait3A_53] : memref<10000x128xf32, #tpu.memory_space<hbm>> -> memref<10000x128xf32, #tpu.memory_space<hbm>>
    tpu.wait_indirect_dma semaphore(%arg12 : memref<!tpu.dma_semaphore, #tpu.memory_space<semaphore_mem>>) src(%dma_wait3A_54 : memref<10000x128xf32, #tpu.memory_space<hbm>>) dst(%arg9 : memref<125x128xf32, #tpu.memory_space<vmem>>)
    %dma_start3A_55 = arith.constant 0 : i32
    %dma_start3A_56 = arith.constant 0 : i32
    %dma_start3A_57 = tpu.memref_slice %arg8[%dma_start3A_55, %dma_start3A_56] : memref<40x125xi32, #tpu.memory_space<vmem>> -> memref<1x125xi32, #tpu.memory_space<vmem>>
    %dma_start3A_58 = tpu.memref_squeeze %dma_start3A_57 : memref<1x125xi32, #tpu.memory_space<vmem>> -> memref<125xi32, #tpu.memory_space<vmem>>
    %dma_start3A_59 = arith.constant 0 : i32
    %dma_start3A_60 = arith.constant 0 : i32
    %dma_start3A_61 = tpu.memref_slice %arg11[%dma_start3A_59, %dma_start3A_60] : memref<10000x128xf32, #tpu.memory_space<vmem_shared>> -> memref<10000x128xf32, #tpu.memory_space<vmem_shared>>
    tpu.enqueue_indirect_dma source(%arg9 : memref<125x128xf32, #tpu.memory_space<vmem>>) target(%dma_start3A_61 : memref<10000x128xf32, #tpu.memory_space<vmem_shared>>) offsets(%dma_start3A_58 : memref<125xi32, #tpu.memory_space<vmem>>) semaphore(%arg13 : memref<!tpu.dma_semaphore, #tpu.memory_space<semaphore_mem>>) {add = true}
    %dma_start3A_62 = arith.constant 1 : i32
    %dma_start3A_63 = arith.constant 0 : i32
    %dma_start3A_64 = tpu.memref_slice %arg7[%dma_start3A_62, %dma_start3A_63] : memref<40x125xi32, #tpu.memory_space<vmem>> -> memref<1x125xi32, #tpu.memory_space<vmem>>
    %dma_start3A_65 = tpu.memref_squeeze %dma_start3A_64 : memref<1x125xi32, #tpu.memory_space<vmem>> -> memref<125xi32, #tpu.memory_space<vmem>>
    %dma_start3A_66 = arith.constant 0 : i32
    %dma_start3A_67 = arith.constant 0 : i32
    %dma_start3A_68 = tpu.memref_slice %arg2[%dma_start3A_66, %dma_start3A_67] : memref<10000x128xf32, #tpu.memory_space<hbm>> -> memref<10000x128xf32, #tpu.memory_space<hbm>>
    tpu.enqueue_indirect_dma source(%dma_start3A_68 : memref<10000x128xf32, #tpu.memory_space<hbm>>) target(%arg10 : memref<125x128xf32, #tpu.memory_space<vmem>>) offsets(%dma_start3A_65 : memref<125xi32, #tpu.memory_space<vmem>>) semaphore(%arg12 : memref<!tpu.dma_semaphore, #tpu.memory_space<semaphore_mem>>)
    %dma_wait3A_69 = arith.constant 1 : i32
    %dma_wait3A_70 = arith.constant 0 : i32
    %dma_wait3A_71 = tpu.memref_slice %arg7[%dma_wait3A_69, %dma_wait3A_70] : memref<40x125xi32, #tpu.memory_space<vmem>> -> memref<1x125xi32, #tpu.memory_space<vmem>>
    %dma_wait3A_72 = tpu.memref_squeeze %dma_wait3A_71 : memref<1x125xi32, #tpu.memory_space<vmem>> -> memref<125xi32, #tpu.memory_space<vmem>>
    %dma_wait3A_73 = arith.constant 0 : i32
    %dma_wait3A_74 = arith.constant 0 : i32
    %dma_wait3A_75 = tpu.memref_slice %arg2[%dma_wait3A_73, %dma_wait3A_74] : memref<10000x128xf32, #tpu.memory_space<hbm>> -> memref<10000x128xf32, #tpu.memory_space<hbm>>
    tpu.wait_indirect_dma semaphore(%arg12 : memref<!tpu.dma_semaphore, #tpu.memory_space<semaphore_mem>>) src(%dma_wait3A_75 : memref<10000x128xf32, #tpu.memory_space<hbm>>) dst(%arg10 : memref<125x128xf32, #tpu.memory_space<vmem>>)
    %dma_start3A_76 = arith.constant 1 : i32
    %dma_start3A_77 = arith.constant 0 : i32
    %dma_start3A_78 = tpu.memref_slice %arg8[%dma_start3A_76, %dma_start3A_77] : memref<40x125xi32, #tpu.memory_space<vmem>> -> memref<1x125xi32, #tpu.memory_space<vmem>>
    %dma_start3A_79 = tpu.memref_squeeze %dma_start3A_78 : memref<1x125xi32, #tpu.memory_space<vmem>> -> memref<125xi32, #tpu.memory_space<vmem>>
    %dma_start3A_80 = arith.constant 0 : i32
    %dma_start3A_81 = arith.constant 0 : i32
    %dma_start3A_82 = tpu.memref_slice %arg11[%dma_start3A_80, %dma_start3A_81] : memref<10000x128xf32, #tpu.memory_space<vmem_shared>> -> memref<10000x128xf32, #tpu.memory_space<vmem_shared>>
    tpu.enqueue_indirect_dma source(%arg10 : memref<125x128xf32, #tpu.memory_space<vmem>>) target(%dma_start3A_82 : memref<10000x128xf32, #tpu.memory_space<vmem_shared>>) offsets(%dma_start3A_79 : memref<125xi32, #tpu.memory_space<vmem>>) semaphore(%arg14 : memref<!tpu.dma_semaphore, #tpu.memory_space<semaphore_mem>>) {add = true}
    %scan3A = arith.constant 0 : i32
    %scan3A_83 = arith.constant 1 : i32
    %scan3A_84 = arith.constant 19 : i32
    %scan3A_85 = arith.addi %scan3A_83, %scan3A_84 : i32
    %scan3A_86 = arith.constant 1 : i32
    scf.for %scan3A_176 = %scan3A_83 to %scan3A_85 step %scan3A_86  : i32 {
      %mul3A_177 = arith.constant 2 : i32
      %mul3A_178 = arith.muli %mul3A_177, %scan3A_176 : i32
      %add3A_179 = arith.constant 1 : i32
      %add3A_180 = arith.addi %mul3A_178, %add3A_179 : i32
      %dma_wait3A_181 = arith.constant 0 : i32
      %dma_wait3A_182 = tpu.memref_slice %arg8[%mul3A_178, %dma_wait3A_181] : memref<40x125xi32, #tpu.memory_space<vmem>> -> memref<1x125xi32, #tpu.memory_space<vmem>>
      %dma_wait3A_183 = tpu.memref_squeeze %dma_wait3A_182 : memref<1x125xi32, #tpu.memory_space<vmem>> -> memref<125xi32, #tpu.memory_space<vmem>>
      %dma_wait3A_184 = arith.constant 0 : i32
      %dma_wait3A_185 = arith.constant 0 : i32
      %dma_wait3A_186 = tpu.memref_slice %arg11[%dma_wait3A_184, %dma_wait3A_185] : memref<10000x128xf32, #tpu.memory_space<vmem_shared>> -> memref<10000x128xf32, #tpu.memory_space<vmem_shared>>
      tpu.wait_indirect_dma semaphore(%arg13 : memref<!tpu.dma_semaphore, #tpu.memory_space<semaphore_mem>>) src(%arg9 : memref<125x128xf32, #tpu.memory_space<vmem>>) dst(%dma_wait3A_186 : memref<10000x128xf32, #tpu.memory_space<vmem_shared>>)
      %dma_start3A_187 = arith.constant 0 : i32
      %dma_start3A_188 = tpu.memref_slice %arg7[%mul3A_178, %dma_start3A_187] : memref<40x125xi32, #tpu.memory_space<vmem>> -> memref<1x125xi32, #tpu.memory_space<vmem>>
      %dma_start3A_189 = tpu.memref_squeeze %dma_start3A_188 : memref<1x125xi32, #tpu.memory_space<vmem>> -> memref<125xi32, #tpu.memory_space<vmem>>
      %dma_start3A_190 = arith.constant 0 : i32
      %dma_start3A_191 = arith.constant 0 : i32
      %dma_start3A_192 = tpu.memref_slice %arg2[%dma_start3A_190, %dma_start3A_191] : memref<10000x128xf32, #tpu.memory_space<hbm>> -> memref<10000x128xf32, #tpu.memory_space<hbm>>
      tpu.enqueue_indirect_dma source(%dma_start3A_192 : memref<10000x128xf32, #tpu.memory_space<hbm>>) target(%arg9 : memref<125x128xf32, #tpu.memory_space<vmem>>) offsets(%dma_start3A_189 : memref<125xi32, #tpu.memory_space<vmem>>) semaphore(%arg12 : memref<!tpu.dma_semaphore, #tpu.memory_space<semaphore_mem>>)
      %dma_wait3A_193 = arith.constant 0 : i32
      %dma_wait3A_194 = tpu.memref_slice %arg7[%mul3A_178, %dma_wait3A_193] : memref<40x125xi32, #tpu.memory_space<vmem>> -> memref<1x125xi32, #tpu.memory_space<vmem>>
      %dma_wait3A_195 = tpu.memref_squeeze %dma_wait3A_194 : memref<1x125xi32, #tpu.memory_space<vmem>> -> memref<125xi32, #tpu.memory_space<vmem>>
      %dma_wait3A_196 = arith.constant 0 : i32
      %dma_wait3A_197 = arith.constant 0 : i32
      %dma_wait3A_198 = tpu.memref_slice %arg2[%dma_wait3A_196, %dma_wait3A_197] : memref<10000x128xf32, #tpu.memory_space<hbm>> -> memref<10000x128xf32, #tpu.memory_space<hbm>>
      tpu.wait_indirect_dma semaphore(%arg12 : memref<!tpu.dma_semaphore, #tpu.memory_space<semaphore_mem>>) src(%dma_wait3A_198 : memref<10000x128xf32, #tpu.memory_space<hbm>>) dst(%arg9 : memref<125x128xf32, #tpu.memory_space<vmem>>)
      %dma_start3A_199 = arith.constant 0 : i32
      %dma_start3A_200 = tpu.memref_slice %arg8[%mul3A_178, %dma_start3A_199] : memref<40x125xi32, #tpu.memory_space<vmem>> -> memref<1x125xi32, #tpu.memory_space<vmem>>
      %dma_start3A_201 = tpu.memref_squeeze %dma_start3A_200 : memref<1x125xi32, #tpu.memory_space<vmem>> -> memref<125xi32, #tpu.memory_space<vmem>>
      %dma_start3A_202 = arith.constant 0 : i32
      %dma_start3A_203 = arith.constant 0 : i32
      %dma_start3A_204 = tpu.memref_slice %arg11[%dma_start3A_202, %dma_start3A_203] : memref<10000x128xf32, #tpu.memory_space<vmem_shared>> -> memref<10000x128xf32, #tpu.memory_space<vmem_shared>>
      tpu.enqueue_indirect_dma source(%arg9 : memref<125x128xf32, #tpu.memory_space<vmem>>) target(%dma_start3A_204 : memref<10000x128xf32, #tpu.memory_space<vmem_shared>>) offsets(%dma_start3A_201 : memref<125xi32, #tpu.memory_space<vmem>>) semaphore(%arg13 : memref<!tpu.dma_semaphore, #tpu.memory_space<semaphore_mem>>) {add = true}
      %dma_wait3A_205 = arith.constant 0 : i32
      %dma_wait3A_206 = tpu.memref_slice %arg8[%add3A_180, %dma_wait3A_205] : memref<40x125xi32, #tpu.memory_space<vmem>> -> memref<1x125xi32, #tpu.memory_space<vmem>>
      %dma_wait3A_207 = tpu.memref_squeeze %dma_wait3A_206 : memref<1x125xi32, #tpu.memory_space<vmem>> -> memref<125xi32, #tpu.memory_space<vmem>>
      %dma_wait3A_208 = arith.constant 0 : i32
      %dma_wait3A_209 = arith.constant 0 : i32
      %dma_wait3A_210 = tpu.memref_slice %arg11[%dma_wait3A_208, %dma_wait3A_209] : memref<10000x128xf32, #tpu.memory_space<vmem_shared>> -> memref<10000x128xf32, #tpu.memory_space<vmem_shared>>
      tpu.wait_indirect_dma semaphore(%arg14 : memref<!tpu.dma_semaphore, #tpu.memory_space<semaphore_mem>>) src(%arg10 : memref<125x128xf32, #tpu.memory_space<vmem>>) dst(%dma_wait3A_210 : memref<10000x128xf32, #tpu.memory_space<vmem_shared>>)
      %dma_start3A_211 = arith.constant 0 : i32
      %dma_start3A_212 = tpu.memref_slice %arg7[%add3A_180, %dma_start3A_211] : memref<40x125xi32, #tpu.memory_space<vmem>> -> memref<1x125xi32, #tpu.memory_space<vmem>>
      %dma_start3A_213 = tpu.memref_squeeze %dma_start3A_212 : memref<1x125xi32, #tpu.memory_space<vmem>> -> memref<125xi32, #tpu.memory_space<vmem>>
      %dma_start3A_214 = arith.constant 0 : i32
      %dma_start3A_215 = arith.constant 0 : i32
      %dma_start3A_216 = tpu.memref_slice %arg2[%dma_start3A_214, %dma_start3A_215] : memref<10000x128xf32, #tpu.memory_space<hbm>> -> memref<10000x128xf32, #tpu.memory_space<hbm>>
      tpu.enqueue_indirect_dma source(%dma_start3A_216 : memref<10000x128xf32, #tpu.memory_space<hbm>>) target(%arg10 : memref<125x128xf32, #tpu.memory_space<vmem>>) offsets(%dma_start3A_213 : memref<125xi32, #tpu.memory_space<vmem>>) semaphore(%arg12 : memref<!tpu.dma_semaphore, #tpu.memory_space<semaphore_mem>>)
      %dma_wait3A_217 = arith.constant 0 : i32
      %dma_wait3A_218 = tpu.memref_slice %arg7[%add3A_180, %dma_wait3A_217] : memref<40x125xi32, #tpu.memory_space<vmem>> -> memref<1x125xi32, #tpu.memory_space<vmem>>
      %dma_wait3A_219 = tpu.memref_squeeze %dma_wait3A_218 : memref<1x125xi32, #tpu.memory_space<vmem>> -> memref<125xi32, #tpu.memory_space<vmem>>
      %dma_wait3A_220 = arith.constant 0 : i32
      %dma_wait3A_221 = arith.constant 0 : i32
      %dma_wait3A_222 = tpu.memref_slice %arg2[%dma_wait3A_220, %dma_wait3A_221] : memref<10000x128xf32, #tpu.memory_space<hbm>> -> memref<10000x128xf32, #tpu.memory_space<hbm>>
      tpu.wait_indirect_dma semaphore(%arg12 : memref<!tpu.dma_semaphore, #tpu.memory_space<semaphore_mem>>) src(%dma_wait3A_222 : memref<10000x128xf32, #tpu.memory_space<hbm>>) dst(%arg10 : memref<125x128xf32, #tpu.memory_space<vmem>>)
      %dma_start3A_223 = arith.constant 0 : i32
      %dma_start3A_224 = tpu.memref_slice %arg8[%add3A_180, %dma_start3A_223] : memref<40x125xi32, #tpu.memory_space<vmem>> -> memref<1x125xi32, #tpu.memory_space<vmem>>
      %dma_start3A_225 = tpu.memref_squeeze %dma_start3A_224 : memref<1x125xi32, #tpu.memory_space<vmem>> -> memref<125xi32, #tpu.memory_space<vmem>>
      %dma_start3A_226 = arith.constant 0 : i32
      %dma_start3A_227 = arith.constant 0 : i32
      %dma_start3A_228 = tpu.memref_slice %arg11[%dma_start3A_226, %dma_start3A_227] : memref<10000x128xf32, #tpu.memory_space<vmem_shared>> -> memref<10000x128xf32, #tpu.memory_space<vmem_shared>>
      tpu.enqueue_indirect_dma source(%arg10 : memref<125x128xf32, #tpu.memory_space<vmem>>) target(%dma_start3A_228 : memref<10000x128xf32, #tpu.memory_space<vmem_shared>>) offsets(%dma_start3A_225 : memref<125xi32, #tpu.memory_space<vmem>>) semaphore(%arg14 : memref<!tpu.dma_semaphore, #tpu.memory_space<semaphore_mem>>) {add = true}
    }
    %scan3A_87 = arith.constant 19 : i32
    %dma_wait3A_88 = arith.constant 0 : i32
    %dma_wait3A_89 = arith.constant 0 : i32
    %dma_wait3A_90 = tpu.memref_slice %arg8[%dma_wait3A_88, %dma_wait3A_89] : memref<40x125xi32, #tpu.memory_space<vmem>> -> memref<1x125xi32, #tpu.memory_space<vmem>>
    %dma_wait3A_91 = tpu.memref_squeeze %dma_wait3A_90 : memref<1x125xi32, #tpu.memory_space<vmem>> -> memref<125xi32, #tpu.memory_space<vmem>>
    %dma_wait3A_92 = arith.constant 0 : i32
    %dma_wait3A_93 = arith.constant 0 : i32
    %dma_wait3A_94 = tpu.memref_slice %arg11[%dma_wait3A_92, %dma_wait3A_93] : memref<10000x128xf32, #tpu.memory_space<vmem_shared>> -> memref<10000x128xf32, #tpu.memory_space<vmem_shared>>
    tpu.wait_indirect_dma semaphore(%arg13 : memref<!tpu.dma_semaphore, #tpu.memory_space<semaphore_mem>>) src(%arg9 : memref<125x128xf32, #tpu.memory_space<vmem>>) dst(%dma_wait3A_94 : memref<10000x128xf32, #tpu.memory_space<vmem_shared>>)
    %dma_wait3A_95 = arith.constant 1 : i32
    %dma_wait3A_96 = arith.constant 0 : i32
    %dma_wait3A_97 = tpu.memref_slice %arg8[%dma_wait3A_95, %dma_wait3A_96] : memref<40x125xi32, #tpu.memory_space<vmem>> -> memref<1x125xi32, #tpu.memory_space<vmem>>
    %dma_wait3A_98 = tpu.memref_squeeze %dma_wait3A_97 : memref<1x125xi32, #tpu.memory_space<vmem>> -> memref<125xi32, #tpu.memory_space<vmem>>
    %dma_wait3A_99 = arith.constant 0 : i32
    %dma_wait3A_100 = arith.constant 0 : i32
    %dma_wait3A_101 = tpu.memref_slice %arg11[%dma_wait3A_99, %dma_wait3A_100] : memref<10000x128xf32, #tpu.memory_space<vmem_shared>> -> memref<10000x128xf32, #tpu.memory_space<vmem_shared>>
    tpu.wait_indirect_dma semaphore(%arg14 : memref<!tpu.dma_semaphore, #tpu.memory_space<semaphore_mem>>) src(%arg10 : memref<125x128xf32, #tpu.memory_space<vmem>>) dst(%dma_wait3A_101 : memref<10000x128xf32, #tpu.memory_space<vmem_shared>>)
    %run_scoped3A = arith.constant 1 : i32
    "tpu.region"() ({
      %run_scoped3A_176 = tpu.sem_alloc : memref<!tpu.dma_semaphore, #tpu.memory_space<semaphore_mem>>
      %dma_start3A_177 = arith.constant 0 : i32
      %dma_start3A_178 = arith.constant 0 : i32
      %dma_start3A_179 = tpu.memref_slice %arg3[%add3A, %run_scoped3A, %dma_start3A_177, %dma_start3A_178] : memref<32x2x40x125xi32, #tpu.memory_space<hbm>> -> memref<1x1x40x125xi32, #tpu.memory_space<hbm>>
      %dma_start3A_180 = tpu.memref_squeeze %dma_start3A_179 : memref<1x1x40x125xi32, #tpu.memory_space<hbm>> -> memref<40x125xi32, #tpu.memory_space<hbm>>
      %dma_start3A_181 = arith.constant 0 : i32
      %dma_start3A_182 = arith.constant 0 : i32
      %dma_start3A_183 = tpu.memref_slice %arg3[%add3A, %run_scoped3A, %dma_start3A_181, %dma_start3A_182] : memref<32x2x40x125xi32, #tpu.memory_space<hbm>> -> memref<1x1x40x125xi32, #tpu.memory_space<hbm>>
      %dma_start3A_184 = tpu.memref_squeeze %dma_start3A_183 : memref<1x1x40x125xi32, #tpu.memory_space<hbm>> -> memref<40x125xi32, #tpu.memory_space<hbm>>
      tpu.enqueue_dma source(%dma_start3A_184 : memref<40x125xi32, #tpu.memory_space<hbm>>) target(%arg7 : memref<40x125xi32, #tpu.memory_space<vmem>>) target_semaphore(%run_scoped3A_176 : memref<!tpu.dma_semaphore, #tpu.memory_space<semaphore_mem>>)
      %dma_wait3A_185 = arith.constant 0 : i32
      %dma_wait3A_186 = arith.constant 0 : i32
      %dma_wait3A_187 = tpu.memref_slice %arg3[%add3A, %run_scoped3A, %dma_wait3A_185, %dma_wait3A_186] : memref<32x2x40x125xi32, #tpu.memory_space<hbm>> -> memref<1x1x40x125xi32, #tpu.memory_space<hbm>>
      %dma_wait3A_188 = tpu.memref_squeeze %dma_wait3A_187 : memref<1x1x40x125xi32, #tpu.memory_space<hbm>> -> memref<40x125xi32, #tpu.memory_space<hbm>>
      %dma_wait3A_189 = arith.constant 0 : i32
      %dma_wait3A_190 = arith.constant 0 : i32
      %dma_wait3A_191 = tpu.memref_slice %arg3[%add3A, %run_scoped3A, %dma_wait3A_189, %dma_wait3A_190] : memref<32x2x40x125xi32, #tpu.memory_space<hbm>> -> memref<1x1x40x125xi32, #tpu.memory_space<hbm>>
      %dma_wait3A_192 = tpu.memref_squeeze %dma_wait3A_191 : memref<1x1x40x125xi32, #tpu.memory_space<hbm>> -> memref<40x125xi32, #tpu.memory_space<hbm>>
      tpu.wait_dma2 semaphore(%run_scoped3A_176 : memref<!tpu.dma_semaphore, #tpu.memory_space<semaphore_mem>>) src(%dma_wait3A_192 : memref<40x125xi32, #tpu.memory_space<hbm>>) dst(%arg7 : memref<40x125xi32, #tpu.memory_space<vmem>>)
      tpu.yield
    }) : () -> ()
    %run_scoped3A_102 = arith.constant 1 : i32
    "tpu.region"() ({
      %run_scoped3A_176 = tpu.sem_alloc : memref<!tpu.dma_semaphore, #tpu.memory_space<semaphore_mem>>
      %dma_start3A_177 = arith.constant 0 : i32
      %dma_start3A_178 = arith.constant 0 : i32
      %dma_start3A_179 = tpu.memref_slice %arg4[%add3A, %run_scoped3A_102, %dma_start3A_177, %dma_start3A_178] : memref<32x2x40x125xi32, #tpu.memory_space<hbm>> -> memref<1x1x40x125xi32, #tpu.memory_space<hbm>>
      %dma_start3A_180 = tpu.memref_squeeze %dma_start3A_179 : memref<1x1x40x125xi32, #tpu.memory_space<hbm>> -> memref<40x125xi32, #tpu.memory_space<hbm>>
      %dma_start3A_181 = arith.constant 0 : i32
      %dma_start3A_182 = arith.constant 0 : i32
      %dma_start3A_183 = tpu.memref_slice %arg4[%add3A, %run_scoped3A_102, %dma_start3A_181, %dma_start3A_182] : memref<32x2x40x125xi32, #tpu.memory_space<hbm>> -> memref<1x1x40x125xi32, #tpu.memory_space<hbm>>
      %dma_start3A_184 = tpu.memref_squeeze %dma_start3A_183 : memref<1x1x40x125xi32, #tpu.memory_space<hbm>> -> memref<40x125xi32, #tpu.memory_space<hbm>>
      tpu.enqueue_dma source(%dma_start3A_184 : memref<40x125xi32, #tpu.memory_space<hbm>>) target(%arg8 : memref<40x125xi32, #tpu.memory_space<vmem>>) target_semaphore(%run_scoped3A_176 : memref<!tpu.dma_semaphore, #tpu.memory_space<semaphore_mem>>)
      %dma_wait3A_185 = arith.constant 0 : i32
      %dma_wait3A_186 = arith.constant 0 : i32
      %dma_wait3A_187 = tpu.memref_slice %arg4[%add3A, %run_scoped3A_102, %dma_wait3A_185, %dma_wait3A_186] : memref<32x2x40x125xi32, #tpu.memory_space<hbm>> -> memref<1x1x40x125xi32, #tpu.memory_space<hbm>>
      %dma_wait3A_188 = tpu.memref_squeeze %dma_wait3A_187 : memref<1x1x40x125xi32, #tpu.memory_space<hbm>> -> memref<40x125xi32, #tpu.memory_space<hbm>>
      %dma_wait3A_189 = arith.constant 0 : i32
      %dma_wait3A_190 = arith.constant 0 : i32
      %dma_wait3A_191 = tpu.memref_slice %arg4[%add3A, %run_scoped3A_102, %dma_wait3A_189, %dma_wait3A_190] : memref<32x2x40x125xi32, #tpu.memory_space<hbm>> -> memref<1x1x40x125xi32, #tpu.memory_space<hbm>>
      %dma_wait3A_192 = tpu.memref_squeeze %dma_wait3A_191 : memref<1x1x40x125xi32, #tpu.memory_space<hbm>> -> memref<40x125xi32, #tpu.memory_space<hbm>>
      tpu.wait_dma2 semaphore(%run_scoped3A_176 : memref<!tpu.dma_semaphore, #tpu.memory_space<semaphore_mem>>) src(%dma_wait3A_192 : memref<40x125xi32, #tpu.memory_space<hbm>>) dst(%arg8 : memref<40x125xi32, #tpu.memory_space<vmem>>)
      tpu.yield
    }) : () -> ()
    %dma_start3A_103 = arith.constant 0 : i32
    %dma_start3A_104 = arith.constant 0 : i32
    %dma_start3A_105 = tpu.memref_slice %arg7[%dma_start3A_103, %dma_start3A_104] : memref<40x125xi32, #tpu.memory_space<vmem>> -> memref<1x125xi32, #tpu.memory_space<vmem>>
    %dma_start3A_106 = tpu.memref_squeeze %dma_start3A_105 : memref<1x125xi32, #tpu.memory_space<vmem>> -> memref<125xi32, #tpu.memory_space<vmem>>
    %dma_start3A_107 = arith.constant 0 : i32
    %dma_start3A_108 = arith.constant 0 : i32
    %dma_start3A_109 = tpu.memref_slice %arg2[%dma_start3A_107, %dma_start3A_108] : memref<10000x128xf32, #tpu.memory_space<hbm>> -> memref<10000x128xf32, #tpu.memory_space<hbm>>
    tpu.enqueue_indirect_dma source(%dma_start3A_109 : memref<10000x128xf32, #tpu.memory_space<hbm>>) target(%arg9 : memref<125x128xf32, #tpu.memory_space<vmem>>) offsets(%dma_start3A_106 : memref<125xi32, #tpu.memory_space<vmem>>) semaphore(%arg12 : memref<!tpu.dma_semaphore, #tpu.memory_space<semaphore_mem>>)
    %dma_wait3A_110 = arith.constant 0 : i32
    %dma_wait3A_111 = arith.constant 0 : i32
    %dma_wait3A_112 = tpu.memref_slice %arg7[%dma_wait3A_110, %dma_wait3A_111] : memref<40x125xi32, #tpu.memory_space<vmem>> -> memref<1x125xi32, #tpu.memory_space<vmem>>
    %dma_wait3A_113 = tpu.memref_squeeze %dma_wait3A_112 : memref<1x125xi32, #tpu.memory_space<vmem>> -> memref<125xi32, #tpu.memory_space<vmem>>
    %dma_wait3A_114 = arith.constant 0 : i32
    %dma_wait3A_115 = arith.constant 0 : i32
    %dma_wait3A_116 = tpu.memref_slice %arg2[%dma_wait3A_114, %dma_wait3A_115] : memref<10000x128xf32, #tpu.memory_space<hbm>> -> memref<10000x128xf32, #tpu.memory_space<hbm>>
    tpu.wait_indirect_dma semaphore(%arg12 : memref<!tpu.dma_semaphore, #tpu.memory_space<semaphore_mem>>) src(%dma_wait3A_116 : memref<10000x128xf32, #tpu.memory_space<hbm>>) dst(%arg9 : memref<125x128xf32, #tpu.memory_space<vmem>>)
    %dma_start3A_117 = arith.constant 0 : i32
    %dma_start3A_118 = arith.constant 0 : i32
    %dma_start3A_119 = tpu.memref_slice %arg8[%dma_start3A_117, %dma_start3A_118] : memref<40x125xi32, #tpu.memory_space<vmem>> -> memref<1x125xi32, #tpu.memory_space<vmem>>
    %dma_start3A_120 = tpu.memref_squeeze %dma_start3A_119 : memref<1x125xi32, #tpu.memory_space<vmem>> -> memref<125xi32, #tpu.memory_space<vmem>>
    %dma_start3A_121 = arith.constant 0 : i32
    %dma_start3A_122 = arith.constant 0 : i32
    %dma_start3A_123 = tpu.memref_slice %arg11[%dma_start3A_121, %dma_start3A_122] : memref<10000x128xf32, #tpu.memory_space<vmem_shared>> -> memref<10000x128xf32, #tpu.memory_space<vmem_shared>>
    tpu.enqueue_indirect_dma source(%arg9 : memref<125x128xf32, #tpu.memory_space<vmem>>) target(%dma_start3A_123 : memref<10000x128xf32, #tpu.memory_space<vmem_shared>>) offsets(%dma_start3A_120 : memref<125xi32, #tpu.memory_space<vmem>>) semaphore(%arg13 : memref<!tpu.dma_semaphore, #tpu.memory_space<semaphore_mem>>) {add = true}
    %dma_start3A_124 = arith.constant 1 : i32
    %dma_start3A_125 = arith.constant 0 : i32
    %dma_start3A_126 = tpu.memref_slice %arg7[%dma_start3A_124, %dma_start3A_125] : memref<40x125xi32, #tpu.memory_space<vmem>> -> memref<1x125xi32, #tpu.memory_space<vmem>>
    %dma_start3A_127 = tpu.memref_squeeze %dma_start3A_126 : memref<1x125xi32, #tpu.memory_space<vmem>> -> memref<125xi32, #tpu.memory_space<vmem>>
    %dma_start3A_128 = arith.constant 0 : i32
    %dma_start3A_129 = arith.constant 0 : i32
    %dma_start3A_130 = tpu.memref_slice %arg2[%dma_start3A_128, %dma_start3A_129] : memref<10000x128xf32, #tpu.memory_space<hbm>> -> memref<10000x128xf32, #tpu.memory_space<hbm>>
    tpu.enqueue_indirect_dma source(%dma_start3A_130 : memref<10000x128xf32, #tpu.memory_space<hbm>>) target(%arg10 : memref<125x128xf32, #tpu.memory_space<vmem>>) offsets(%dma_start3A_127 : memref<125xi32, #tpu.memory_space<vmem>>) semaphore(%arg12 : memref<!tpu.dma_semaphore, #tpu.memory_space<semaphore_mem>>)
    %dma_wait3A_131 = arith.constant 1 : i32
    %dma_wait3A_132 = arith.constant 0 : i32
    %dma_wait3A_133 = tpu.memref_slice %arg7[%dma_wait3A_131, %dma_wait3A_132] : memref<40x125xi32, #tpu.memory_space<vmem>> -> memref<1x125xi32, #tpu.memory_space<vmem>>
    %dma_wait3A_134 = tpu.memref_squeeze %dma_wait3A_133 : memref<1x125xi32, #tpu.memory_space<vmem>> -> memref<125xi32, #tpu.memory_space<vmem>>
    %dma_wait3A_135 = arith.constant 0 : i32
    %dma_wait3A_136 = arith.constant 0 : i32
    %dma_wait3A_137 = tpu.memref_slice %arg2[%dma_wait3A_135, %dma_wait3A_136] : memref<10000x128xf32, #tpu.memory_space<hbm>> -> memref<10000x128xf32, #tpu.memory_space<hbm>>
    tpu.wait_indirect_dma semaphore(%arg12 : memref<!tpu.dma_semaphore, #tpu.memory_space<semaphore_mem>>) src(%dma_wait3A_137 : memref<10000x128xf32, #tpu.memory_space<hbm>>) dst(%arg10 : memref<125x128xf32, #tpu.memory_space<vmem>>)
    %dma_start3A_138 = arith.constant 1 : i32
    %dma_start3A_139 = arith.constant 0 : i32
    %dma_start3A_140 = tpu.memref_slice %arg8[%dma_start3A_138, %dma_start3A_139] : memref<40x125xi32, #tpu.memory_space<vmem>> -> memref<1x125xi32, #tpu.memory_space<vmem>>
    %dma_start3A_141 = tpu.memref_squeeze %dma_start3A_140 : memref<1x125xi32, #tpu.memory_space<vmem>> -> memref<125xi32, #tpu.memory_space<vmem>>
    %dma_start3A_142 = arith.constant 0 : i32
    %dma_start3A_143 = arith.constant 0 : i32
    %dma_start3A_144 = tpu.memref_slice %arg11[%dma_start3A_142, %dma_start3A_143] : memref<10000x128xf32, #tpu.memory_space<vmem_shared>> -> memref<10000x128xf32, #tpu.memory_space<vmem_shared>>
    tpu.enqueue_indirect_dma source(%arg10 : memref<125x128xf32, #tpu.memory_space<vmem>>) target(%dma_start3A_144 : memref<10000x128xf32, #tpu.memory_space<vmem_shared>>) offsets(%dma_start3A_141 : memref<125xi32, #tpu.memory_space<vmem>>) semaphore(%arg14 : memref<!tpu.dma_semaphore, #tpu.memory_space<semaphore_mem>>) {add = true}
    %scan3A_145 = arith.constant 0 : i32
    %scan3A_146 = arith.constant 1 : i32
    %scan3A_147 = arith.constant 19 : i32
    %scan3A_148 = arith.addi %scan3A_146, %scan3A_147 : i32
    %scan3A_149 = arith.constant 1 : i32
    scf.for %scan3A_176 = %scan3A_146 to %scan3A_148 step %scan3A_149  : i32 {
      %mul3A_177 = arith.constant 2 : i32
      %mul3A_178 = arith.muli %mul3A_177, %scan3A_176 : i32
      %add3A_179 = arith.constant 1 : i32
      %add3A_180 = arith.addi %mul3A_178, %add3A_179 : i32
      %dma_wait3A_181 = arith.constant 0 : i32
      %dma_wait3A_182 = tpu.memref_slice %arg8[%mul3A_178, %dma_wait3A_181] : memref<40x125xi32, #tpu.memory_space<vmem>> -> memref<1x125xi32, #tpu.memory_space<vmem>>
      %dma_wait3A_183 = tpu.memref_squeeze %dma_wait3A_182 : memref<1x125xi32, #tpu.memory_space<vmem>> -> memref<125xi32, #tpu.memory_space<vmem>>
      %dma_wait3A_184 = arith.constant 0 : i32
      %dma_wait3A_185 = arith.constant 0 : i32
      %dma_wait3A_186 = tpu.memref_slice %arg11[%dma_wait3A_184, %dma_wait3A_185] : memref<10000x128xf32, #tpu.memory_space<vmem_shared>> -> memref<10000x128xf32, #tpu.memory_space<vmem_shared>>
      tpu.wait_indirect_dma semaphore(%arg13 : memref<!tpu.dma_semaphore, #tpu.memory_space<semaphore_mem>>) src(%arg9 : memref<125x128xf32, #tpu.memory_space<vmem>>) dst(%dma_wait3A_186 : memref<10000x128xf32, #tpu.memory_space<vmem_shared>>)
      %dma_start3A_187 = arith.constant 0 : i32
      %dma_start3A_188 = tpu.memref_slice %arg7[%mul3A_178, %dma_start3A_187] : memref<40x125xi32, #tpu.memory_space<vmem>> -> memref<1x125xi32, #tpu.memory_space<vmem>>
      %dma_start3A_189 = tpu.memref_squeeze %dma_start3A_188 : memref<1x125xi32, #tpu.memory_space<vmem>> -> memref<125xi32, #tpu.memory_space<vmem>>
      %dma_start3A_190 = arith.constant 0 : i32
      %dma_start3A_191 = arith.constant 0 : i32
      %dma_start3A_192 = tpu.memref_slice %arg2[%dma_start3A_190, %dma_start3A_191] : memref<10000x128xf32, #tpu.memory_space<hbm>> -> memref<10000x128xf32, #tpu.memory_space<hbm>>
      tpu.enqueue_indirect_dma source(%dma_start3A_192 : memref<10000x128xf32, #tpu.memory_space<hbm>>) target(%arg9 : memref<125x128xf32, #tpu.memory_space<vmem>>) offsets(%dma_start3A_189 : memref<125xi32, #tpu.memory_space<vmem>>) semaphore(%arg12 : memref<!tpu.dma_semaphore, #tpu.memory_space<semaphore_mem>>)
      %dma_wait3A_193 = arith.constant 0 : i32
      %dma_wait3A_194 = tpu.memref_slice %arg7[%mul3A_178, %dma_wait3A_193] : memref<40x125xi32, #tpu.memory_space<vmem>> -> memref<1x125xi32, #tpu.memory_space<vmem>>
      %dma_wait3A_195 = tpu.memref_squeeze %dma_wait3A_194 : memref<1x125xi32, #tpu.memory_space<vmem>> -> memref<125xi32, #tpu.memory_space<vmem>>
      %dma_wait3A_196 = arith.constant 0 : i32
      %dma_wait3A_197 = arith.constant 0 : i32
      %dma_wait3A_198 = tpu.memref_slice %arg2[%dma_wait3A_196, %dma_wait3A_197] : memref<10000x128xf32, #tpu.memory_space<hbm>> -> memref<10000x128xf32, #tpu.memory_space<hbm>>
      tpu.wait_indirect_dma semaphore(%arg12 : memref<!tpu.dma_semaphore, #tpu.memory_space<semaphore_mem>>) src(%dma_wait3A_198 : memref<10000x128xf32, #tpu.memory_space<hbm>>) dst(%arg9 : memref<125x128xf32, #tpu.memory_space<vmem>>)
      %dma_start3A_199 = arith.constant 0 : i32
      %dma_start3A_200 = tpu.memref_slice %arg8[%mul3A_178, %dma_start3A_199] : memref<40x125xi32, #tpu.memory_space<vmem>> -> memref<1x125xi32, #tpu.memory_space<vmem>>
      %dma_start3A_201 = tpu.memref_squeeze %dma_start3A_200 : memref<1x125xi32, #tpu.memory_space<vmem>> -> memref<125xi32, #tpu.memory_space<vmem>>
      %dma_start3A_202 = arith.constant 0 : i32
      %dma_start3A_203 = arith.constant 0 : i32
      %dma_start3A_204 = tpu.memref_slice %arg11[%dma_start3A_202, %dma_start3A_203] : memref<10000x128xf32, #tpu.memory_space<vmem_shared>> -> memref<10000x128xf32, #tpu.memory_space<vmem_shared>>
      tpu.enqueue_indirect_dma source(%arg9 : memref<125x128xf32, #tpu.memory_space<vmem>>) target(%dma_start3A_204 : memref<10000x128xf32, #tpu.memory_space<vmem_shared>>) offsets(%dma_start3A_201 : memref<125xi32, #tpu.memory_space<vmem>>) semaphore(%arg13 : memref<!tpu.dma_semaphore, #tpu.memory_space<semaphore_mem>>) {add = true}
      %dma_wait3A_205 = arith.constant 0 : i32
      %dma_wait3A_206 = tpu.memref_slice %arg8[%add3A_180, %dma_wait3A_205] : memref<40x125xi32, #tpu.memory_space<vmem>> -> memref<1x125xi32, #tpu.memory_space<vmem>>
      %dma_wait3A_207 = tpu.memref_squeeze %dma_wait3A_206 : memref<1x125xi32, #tpu.memory_space<vmem>> -> memref<125xi32, #tpu.memory_space<vmem>>
      %dma_wait3A_208 = arith.constant 0 : i32
      %dma_wait3A_209 = arith.constant 0 : i32
      %dma_wait3A_210 = tpu.memref_slice %arg11[%dma_wait3A_208, %dma_wait3A_209] : memref<10000x128xf32, #tpu.memory_space<vmem_shared>> -> memref<10000x128xf32, #tpu.memory_space<vmem_shared>>
      tpu.wait_indirect_dma semaphore(%arg14 : memref<!tpu.dma_semaphore, #tpu.memory_space<semaphore_mem>>) src(%arg10 : memref<125x128xf32, #tpu.memory_space<vmem>>) dst(%dma_wait3A_210 : memref<10000x128xf32, #tpu.memory_space<vmem_shared>>)
      %dma_start3A_211 = arith.constant 0 : i32
      %dma_start3A_212 = tpu.memref_slice %arg7[%add3A_180, %dma_start3A_211] : memref<40x125xi32, #tpu.memory_space<vmem>> -> memref<1x125xi32, #tpu.memory_space<vmem>>
      %dma_start3A_213 = tpu.memref_squeeze %dma_start3A_212 : memref<1x125xi32, #tpu.memory_space<vmem>> -> memref<125xi32, #tpu.memory_space<vmem>>
      %dma_start3A_214 = arith.constant 0 : i32
      %dma_start3A_215 = arith.constant 0 : i32
      %dma_start3A_216 = tpu.memref_slice %arg2[%dma_start3A_214, %dma_start3A_215] : memref<10000x128xf32, #tpu.memory_space<hbm>> -> memref<10000x128xf32, #tpu.memory_space<hbm>>
      tpu.enqueue_indirect_dma source(%dma_start3A_216 : memref<10000x128xf32, #tpu.memory_space<hbm>>) target(%arg10 : memref<125x128xf32, #tpu.memory_space<vmem>>) offsets(%dma_start3A_213 : memref<125xi32, #tpu.memory_space<vmem>>) semaphore(%arg12 : memref<!tpu.dma_semaphore, #tpu.memory_space<semaphore_mem>>)
      %dma_wait3A_217 = arith.constant 0 : i32
      %dma_wait3A_218 = tpu.memref_slice %arg7[%add3A_180, %dma_wait3A_217] : memref<40x125xi32, #tpu.memory_space<vmem>> -> memref<1x125xi32, #tpu.memory_space<vmem>>
      %dma_wait3A_219 = tpu.memref_squeeze %dma_wait3A_218 : memref<1x125xi32, #tpu.memory_space<vmem>> -> memref<125xi32, #tpu.memory_space<vmem>>
      %dma_wait3A_220 = arith.constant 0 : i32
      %dma_wait3A_221 = arith.constant 0 : i32
      %dma_wait3A_222 = tpu.memref_slice %arg2[%dma_wait3A_220, %dma_wait3A_221] : memref<10000x128xf32, #tpu.memory_space<hbm>> -> memref<10000x128xf32, #tpu.memory_space<hbm>>
      tpu.wait_indirect_dma semaphore(%arg12 : memref<!tpu.dma_semaphore, #tpu.memory_space<semaphore_mem>>) src(%dma_wait3A_222 : memref<10000x128xf32, #tpu.memory_space<hbm>>) dst(%arg10 : memref<125x128xf32, #tpu.memory_space<vmem>>)
      %dma_start3A_223 = arith.constant 0 : i32
      %dma_start3A_224 = tpu.memref_slice %arg8[%add3A_180, %dma_start3A_223] : memref<40x125xi32, #tpu.memory_space<vmem>> -> memref<1x125xi32, #tpu.memory_space<vmem>>
      %dma_start3A_225 = tpu.memref_squeeze %dma_start3A_224 : memref<1x125xi32, #tpu.memory_space<vmem>> -> memref<125xi32, #tpu.memory_space<vmem>>
      %dma_start3A_226 = arith.constant 0 : i32
      %dma_start3A_227 = arith.constant 0 : i32
      %dma_start3A_228 = tpu.memref_slice %arg11[%dma_start3A_226, %dma_start3A_227] : memref<10000x128xf32, #tpu.memory_space<vmem_shared>> -> memref<10000x128xf32, #tpu.memory_space<vmem_shared>>
      tpu.enqueue_indirect_dma source(%arg10 : memref<125x128xf32, #tpu.memory_space<vmem>>) target(%dma_start3A_228 : memref<10000x128xf32, #tpu.memory_space<vmem_shared>>) offsets(%dma_start3A_225 : memref<125xi32, #tpu.memory_space<vmem>>) semaphore(%arg14 : memref<!tpu.dma_semaphore, #tpu.memory_space<semaphore_mem>>) {add = true}
    }
    %scan3A_150 = arith.constant 19 : i32
    %dma_wait3A_151 = arith.constant 0 : i32
    %dma_wait3A_152 = arith.constant 0 : i32
    %dma_wait3A_153 = tpu.memref_slice %arg8[%dma_wait3A_151, %dma_wait3A_152] : memref<40x125xi32, #tpu.memory_space<vmem>> -> memref<1x125xi32, #tpu.memory_space<vmem>>
    %dma_wait3A_154 = tpu.memref_squeeze %dma_wait3A_153 : memref<1x125xi32, #tpu.memory_space<vmem>> -> memref<125xi32, #tpu.memory_space<vmem>>
    %dma_wait3A_155 = arith.constant 0 : i32
    %dma_wait3A_156 = arith.constant 0 : i32
    %dma_wait3A_157 = tpu.memref_slice %arg11[%dma_wait3A_155, %dma_wait3A_156] : memref<10000x128xf32, #tpu.memory_space<vmem_shared>> -> memref<10000x128xf32, #tpu.memory_space<vmem_shared>>
    tpu.wait_indirect_dma semaphore(%arg13 : memref<!tpu.dma_semaphore, #tpu.memory_space<semaphore_mem>>) src(%arg9 : memref<125x128xf32, #tpu.memory_space<vmem>>) dst(%dma_wait3A_157 : memref<10000x128xf32, #tpu.memory_space<vmem_shared>>)
    %dma_wait3A_158 = arith.constant 1 : i32
    %dma_wait3A_159 = arith.constant 0 : i32
    %dma_wait3A_160 = tpu.memref_slice %arg8[%dma_wait3A_158, %dma_wait3A_159] : memref<40x125xi32, #tpu.memory_space<vmem>> -> memref<1x125xi32, #tpu.memory_space<vmem>>
    %dma_wait3A_161 = tpu.memref_squeeze %dma_wait3A_160 : memref<1x125xi32, #tpu.memory_space<vmem>> -> memref<125xi32, #tpu.memory_space<vmem>>
    %dma_wait3A_162 = arith.constant 0 : i32
    %dma_wait3A_163 = arith.constant 0 : i32
    %dma_wait3A_164 = tpu.memref_slice %arg11[%dma_wait3A_162, %dma_wait3A_163] : memref<10000x128xf32, #tpu.memory_space<vmem_shared>> -> memref<10000x128xf32, #tpu.memory_space<vmem_shared>>
    tpu.wait_indirect_dma semaphore(%arg14 : memref<!tpu.dma_semaphore, #tpu.memory_space<semaphore_mem>>) src(%arg10 : memref<125x128xf32, #tpu.memory_space<vmem>>) dst(%dma_wait3A_164 : memref<10000x128xf32, #tpu.memory_space<vmem_shared>>)
    %barrier3A_165 = arith.constant 0 : index
    tpu.barrier barrier_id(%barrier3A_165)
    %lt3A_166 = arith.constant 15 : i32
    %lt3A_167 = arith.cmpi slt, %arg1, %lt3A_166 : i32
    %convert_element_type3A_168 = arith.extui %lt3A_167 : i1 to i32
    %cond3A_169 = arith.constant 0 : i32
    %cond3A_170 = arith.cmpi ne, %convert_element_type3A_168, %cond3A_169 : i32
    scf.if %cond3A_170 {
      %mul3A_176 = arith.constant 640 : i32
      %mul3A_177 = arith.muli %arg1, %mul3A_176 : i32
      %mul3A_178 = arith.constant 640 : i32
      %mul3A_179 = arith.muli %arg1, %mul3A_178 : i32
      "tpu.region"() ({
        %run_scoped3A_180 = tpu.sem_alloc : memref<!tpu.dma_semaphore, #tpu.memory_space<semaphore_mem>>
        %dma_start3A_181 = arith.constant 0 : i32
        %dma_start3A_182 = tpu.memref_slice %arg6[%arg0, %mul3A_179, %dma_start3A_181] : memref<2x10000x128xf32, #tpu.memory_space<hbm>> -> memref<1x640x128xf32, #tpu.memory_space<hbm>>
        %dma_start3A_183 = tpu.memref_squeeze %dma_start3A_182 : memref<1x640x128xf32, #tpu.memory_space<hbm>> -> memref<640x128xf32, #tpu.memory_space<hbm>>
        %dma_start3A_184 = arith.constant 0 : i32
        %dma_start3A_185 = tpu.memref_slice %arg11[%mul3A_177, %dma_start3A_184] : memref<10000x128xf32, #tpu.memory_space<vmem_shared>> -> memref<640x128xf32, #tpu.memory_space<vmem_shared>>
        tpu.enqueue_dma source(%dma_start3A_185 : memref<640x128xf32, #tpu.memory_space<vmem_shared>>) target(%dma_start3A_183 : memref<640x128xf32, #tpu.memory_space<hbm>>) target_semaphore(%run_scoped3A_180 : memref<!tpu.dma_semaphore, #tpu.memory_space<semaphore_mem>>)
        %dma_wait3A_186 = arith.constant 0 : i32
        %dma_wait3A_187 = tpu.memref_slice %arg6[%arg0, %mul3A_179, %dma_wait3A_186] : memref<2x10000x128xf32, #tpu.memory_space<hbm>> -> memref<1x640x128xf32, #tpu.memory_space<hbm>>
        %dma_wait3A_188 = tpu.memref_squeeze %dma_wait3A_187 : memref<1x640x128xf32, #tpu.memory_space<hbm>> -> memref<640x128xf32, #tpu.memory_space<hbm>>
        %dma_wait3A_189 = arith.constant 0 : i32
        %dma_wait3A_190 = tpu.memref_slice %arg11[%mul3A_177, %dma_wait3A_189] : memref<10000x128xf32, #tpu.memory_space<vmem_shared>> -> memref<640x128xf32, #tpu.memory_space<vmem_shared>>
        tpu.wait_dma2 semaphore(%run_scoped3A_180 : memref<!tpu.dma_semaphore, #tpu.memory_space<semaphore_mem>>) src(%dma_wait3A_190 : memref<640x128xf32, #tpu.memory_space<vmem_shared>>) dst(%dma_wait3A_188 : memref<640x128xf32, #tpu.memory_space<hbm>>)
        tpu.yield
      }) : () -> ()
    } else {
    }
    %eq3A_171 = arith.constant 15 : i32
    %eq3A_172 = arith.cmpi eq, %arg1, %eq3A_171 : i32
    %convert_element_type3A_173 = arith.extui %eq3A_172 : i1 to i32
    %cond3A_174 = arith.constant 0 : i32
    %cond3A_175 = arith.cmpi ne, %convert_element_type3A_173, %cond3A_174 : i32
    scf.if %cond3A_175 {
      "tpu.region"() ({
        %run_scoped3A_176 = tpu.sem_alloc : memref<!tpu.dma_semaphore, #tpu.memory_space<semaphore_mem>>
        %dma_start3A_177 = arith.constant 9600 : i32
        %dma_start3A_178 = arith.constant 0 : i32
        %dma_start3A_179 = tpu.memref_slice %arg6[%arg0, %dma_start3A_177, %dma_start3A_178] : memref<2x10000x128xf32, #tpu.memory_space<hbm>> -> memref<1x400x128xf32, #tpu.memory_space<hbm>>
        %dma_start3A_180 = tpu.memref_squeeze %dma_start3A_179 : memref<1x400x128xf32, #tpu.memory_space<hbm>> -> memref<400x128xf32, #tpu.memory_space<hbm>>
        %dma_start3A_181 = arith.constant 9600 : i32
        %dma_start3A_182 = arith.constant 0 : i32
        %dma_start3A_183 = tpu.memref_slice %arg11[%dma_start3A_181, %dma_start3A_182] : memref<10000x128xf32, #tpu.memory_space<vmem_shared>> -> memref<400x128xf32, #tpu.memory_space<vmem_shared>>
        tpu.enqueue_dma source(%dma_start3A_183 : memref<400x128xf32, #tpu.memory_space<vmem_shared>>) target(%dma_start3A_180 : memref<400x128xf32, #tpu.memory_space<hbm>>) target_semaphore(%run_scoped3A_176 : memref<!tpu.dma_semaphore, #tpu.memory_space<semaphore_mem>>)
        %dma_wait3A_184 = arith.constant 9600 : i32
        %dma_wait3A_185 = arith.constant 0 : i32
        %dma_wait3A_186 = tpu.memref_slice %arg6[%arg0, %dma_wait3A_184, %dma_wait3A_185] : memref<2x10000x128xf32, #tpu.memory_space<hbm>> -> memref<1x400x128xf32, #tpu.memory_space<hbm>>
        %dma_wait3A_187 = tpu.memref_squeeze %dma_wait3A_186 : memref<1x400x128xf32, #tpu.memory_space<hbm>> -> memref<400x128xf32, #tpu.memory_space<hbm>>
        %dma_wait3A_188 = arith.constant 9600 : i32
        %dma_wait3A_189 = arith.constant 0 : i32
        %dma_wait3A_190 = tpu.memref_slice %arg11[%dma_wait3A_188, %dma_wait3A_189] : memref<10000x128xf32, #tpu.memory_space<vmem_shared>> -> memref<400x128xf32, #tpu.memory_space<vmem_shared>>
        tpu.wait_dma2 semaphore(%run_scoped3A_176 : memref<!tpu.dma_semaphore, #tpu.memory_space<semaphore_mem>>) src(%dma_wait3A_190 : memref<400x128xf32, #tpu.memory_space<vmem_shared>>) dst(%dma_wait3A_187 : memref<400x128xf32, #tpu.memory_space<hbm>>)
        tpu.yield
      }) : () -> ()
    } else {
    }
    return
  }
}

#map = affine_map<(d0, d1) -> (0, 0)>
#map1 = affine_map<(d0, d1) -> (0, 0, 0, 0)>
#map2 = affine_map<(d0, d1) -> (0, 0, 0)>
module attributes {stable_mosaic.version = 14 : i64} {
  func.func @_sc_agg(%arg0: i32, %arg1: i32, %arg2: memref<10000x128xf32, #tpu.memory_space<hbm>>, %arg3: memref<32x2x40x125xi32, #tpu.memory_space<hbm>>, %arg4: memref<32x2x40x125xi32, #tpu.memory_space<hbm>>, %arg5: memref<10000x128xf32, #tpu.memory_space<hbm>>, %arg6: memref<2x10000x128xf32, #tpu.memory_space<hbm>>, %arg7: memref<40x125xi32, #tpu.memory_space<vmem>>, %arg8: memref<40x125xi32, #tpu.memory_space<vmem>>, %arg9: memref<125x128xf32, #tpu.memory_space<vmem>>, %arg10: memref<125x128xf32, #tpu.memory_space<vmem>>, %arg11: memref<10000x128xf32, #tpu.memory_space<vmem_shared>>, %arg12: memref<!tpu.dma_semaphore, #tpu.memory_space<semaphore_mem>>, %arg13: memref<!tpu.dma_semaphore, #tpu.memory_space<semaphore_mem>>, %arg14: memref<!tpu.dma_semaphore, #tpu.memory_space<semaphore_mem>>) attributes {dimension_semantics = [#tpu.dimension_semantics<core_parallel>, #tpu.dimension_semantics<subcore_parallel>], iteration_bounds = array<i64: 2, 16>, scalar_prefetch = 0 : i64, scratch_operands = 8 : i64, tpu.core_type = #tpu.core_type<sc_vector_subcore>, window_params = [{transform_indices = #map}, {transform_indices = #map1}, {transform_indices = #map1}, {transform_indices = #map}, {transform_indices = #map2}]} {
    %mul3A = arith.constant 16 : i32
    %mul3A_0 = arith.muli %arg0, %mul3A : i32
    %add3A = arith.addi %mul3A_0, %arg1 : i32
    %dma_start3A = arith.constant 0 : i32
    %dma_start3A_1 = arith.constant 0 : i32
    %dma_start3A_2 = arith.constant 0 : i32
    %dma_start3A_3 = tpu.memref_slice %arg3[%add3A, %dma_start3A, %dma_start3A_1, %dma_start3A_2] : memref<32x2x40x125xi32, #tpu.memory_space<hbm>> -> memref<1x1x40x125xi32, #tpu.memory_space<hbm>>
    %dma_start3A_4 = tpu.memref_squeeze %dma_start3A_3 : memref<1x1x40x125xi32, #tpu.memory_space<hbm>> -> memref<40x125xi32, #tpu.memory_space<hbm>>
    %dma_start3A_5 = arith.constant 0 : i32
    %dma_start3A_6 = arith.constant 0 : i32
    %dma_start3A_7 = tpu.memref_slice %arg3[%add3A, %dma_start3A, %dma_start3A_5, %dma_start3A_6] : memref<32x2x40x125xi32, #tpu.memory_space<hbm>> -> memref<1x1x40x125xi32, #tpu.memory_space<hbm>>
    %dma_start3A_8 = tpu.memref_squeeze %dma_start3A_7 : memref<1x1x40x125xi32, #tpu.memory_space<hbm>> -> memref<40x125xi32, #tpu.memory_space<hbm>>
    tpu.enqueue_dma source(%dma_start3A_8 : memref<40x125xi32, #tpu.memory_space<hbm>>) target(%arg7 : memref<40x125xi32, #tpu.memory_space<vmem>>) target_semaphore(%arg12 : memref<!tpu.dma_semaphore, #tpu.memory_space<semaphore_mem>>)
    %dma_start3A_9 = arith.constant 0 : i32
    %dma_start3A_10 = arith.constant 0 : i32
    %dma_start3A_11 = arith.constant 0 : i32
    %dma_start3A_12 = tpu.memref_slice %arg4[%add3A, %dma_start3A_9, %dma_start3A_10, %dma_start3A_11] : memref<32x2x40x125xi32, #tpu.memory_space<hbm>> -> memref<1x1x40x125xi32, #tpu.memory_space<hbm>>
    %dma_start3A_13 = tpu.memref_squeeze %dma_start3A_12 : memref<1x1x40x125xi32, #tpu.memory_space<hbm>> -> memref<40x125xi32, #tpu.memory_space<hbm>>
    %dma_start3A_14 = arith.constant 0 : i32
    %dma_start3A_15 = arith.constant 0 : i32
    %dma_start3A_16 = tpu.memref_slice %arg4[%add3A, %dma_start3A_9, %dma_start3A_14, %dma_start3A_15] : memref<32x2x40x125xi32, #tpu.memory_space<hbm>> -> memref<1x1x40x125xi32, #tpu.memory_space<hbm>>
    %dma_start3A_17 = tpu.memref_squeeze %dma_start3A_16 : memref<1x1x40x125xi32, #tpu.memory_space<hbm>> -> memref<40x125xi32, #tpu.memory_space<hbm>>
    tpu.enqueue_dma source(%dma_start3A_17 : memref<40x125xi32, #tpu.memory_space<hbm>>) target(%arg8 : memref<40x125xi32, #tpu.memory_space<vmem>>) target_semaphore(%arg12 : memref<!tpu.dma_semaphore, #tpu.memory_space<semaphore_mem>>)
    %lt3A = arith.constant 15 : i32
    %lt3A_18 = arith.cmpi slt, %arg1, %lt3A : i32
    %convert_element_type3A = arith.extui %lt3A_18 : i1 to i32
    %cond3A = arith.constant 0 : i32
    %cond3A_19 = arith.cmpi ne, %convert_element_type3A, %cond3A : i32
    scf.if %cond3A_19 {
      %mul3A_176 = arith.constant 640 : i32
      %mul3A_177 = arith.muli %arg1, %mul3A_176 : i32
      %mul3A_178 = arith.constant 640 : i32
      %mul3A_179 = arith.muli %arg1, %mul3A_178 : i32
      "tpu.region"() ({
        %run_scoped3A_180 = tpu.sem_alloc : memref<!tpu.dma_semaphore, #tpu.memory_space<semaphore_mem>>
        %dma_start3A_181 = arith.constant 0 : i32
        %dma_start3A_182 = tpu.memref_slice %arg11[%mul3A_179, %dma_start3A_181] : memref<10000x128xf32, #tpu.memory_space<vmem_shared>> -> memref<640x128xf32, #tpu.memory_space<vmem_shared>>
        %dma_start3A_183 = arith.constant 0 : i32
        %dma_start3A_184 = tpu.memref_slice %arg5[%mul3A_177, %dma_start3A_183] : memref<10000x128xf32, #tpu.memory_space<hbm>> -> memref<640x128xf32, #tpu.memory_space<hbm>>
        tpu.enqueue_dma source(%dma_start3A_184 : memref<640x128xf32, #tpu.memory_space<hbm>>) target(%dma_start3A_182 : memref<640x128xf32, #tpu.memory_space<vmem_shared>>) target_semaphore(%run_scoped3A_180 : memref<!tpu.dma_semaphore, #tpu.memory_space<semaphore_mem>>)
        %dma_wait3A_185 = arith.constant 0 : i32
        %dma_wait3A_186 = tpu.memref_slice %arg11[%mul3A_179, %dma_wait3A_185] : memref<10000x128xf32, #tpu.memory_space<vmem_shared>> -> memref<640x128xf32, #tpu.memory_space<vmem_shared>>
        %dma_wait3A_187 = arith.constant 0 : i32
        %dma_wait3A_188 = tpu.memref_slice %arg5[%mul3A_177, %dma_wait3A_187] : memref<10000x128xf32, #tpu.memory_space<hbm>> -> memref<640x128xf32, #tpu.memory_space<hbm>>
        tpu.wait_dma2 semaphore(%run_scoped3A_180 : memref<!tpu.dma_semaphore, #tpu.memory_space<semaphore_mem>>) src(%dma_wait3A_188 : memref<640x128xf32, #tpu.memory_space<hbm>>) dst(%dma_wait3A_186 : memref<640x128xf32, #tpu.memory_space<vmem_shared>>)
        tpu.yield
      }) : () -> ()
    } else {
    }
    %eq3A = arith.constant 15 : i32
    %eq3A_20 = arith.cmpi eq, %arg1, %eq3A : i32
    %convert_element_type3A_21 = arith.extui %eq3A_20 : i1 to i32
    %cond3A_22 = arith.constant 0 : i32
    %cond3A_23 = arith.cmpi ne, %convert_element_type3A_21, %cond3A_22 : i32
    scf.if %cond3A_23 {
      "tpu.region"() ({
        %run_scoped3A_176 = tpu.sem_alloc : memref<!tpu.dma_semaphore, #tpu.memory_space<semaphore_mem>>
        %dma_start3A_177 = arith.constant 9600 : i32
        %dma_start3A_178 = arith.constant 0 : i32
        %dma_start3A_179 = tpu.memref_slice %arg11[%dma_start3A_177, %dma_start3A_178] : memref<10000x128xf32, #tpu.memory_space<vmem_shared>> -> memref<400x128xf32, #tpu.memory_space<vmem_shared>>
        %dma_start3A_180 = arith.constant 9600 : i32
        %dma_start3A_181 = arith.constant 0 : i32
        %dma_start3A_182 = tpu.memref_slice %arg5[%dma_start3A_180, %dma_start3A_181] : memref<10000x128xf32, #tpu.memory_space<hbm>> -> memref<400x128xf32, #tpu.memory_space<hbm>>
        tpu.enqueue_dma source(%dma_start3A_182 : memref<400x128xf32, #tpu.memory_space<hbm>>) target(%dma_start3A_179 : memref<400x128xf32, #tpu.memory_space<vmem_shared>>) target_semaphore(%run_scoped3A_176 : memref<!tpu.dma_semaphore, #tpu.memory_space<semaphore_mem>>)
        %dma_wait3A_183 = arith.constant 9600 : i32
        %dma_wait3A_184 = arith.constant 0 : i32
        %dma_wait3A_185 = tpu.memref_slice %arg11[%dma_wait3A_183, %dma_wait3A_184] : memref<10000x128xf32, #tpu.memory_space<vmem_shared>> -> memref<400x128xf32, #tpu.memory_space<vmem_shared>>
        %dma_wait3A_186 = arith.constant 9600 : i32
        %dma_wait3A_187 = arith.constant 0 : i32
        %dma_wait3A_188 = tpu.memref_slice %arg5[%dma_wait3A_186, %dma_wait3A_187] : memref<10000x128xf32, #tpu.memory_space<hbm>> -> memref<400x128xf32, #tpu.memory_space<hbm>>
        tpu.wait_dma2 semaphore(%run_scoped3A_176 : memref<!tpu.dma_semaphore, #tpu.memory_space<semaphore_mem>>) src(%dma_wait3A_188 : memref<400x128xf32, #tpu.memory_space<hbm>>) dst(%dma_wait3A_185 : memref<400x128xf32, #tpu.memory_space<vmem_shared>>)
        tpu.yield
      }) : () -> ()
    } else {
    }
    %dma_wait3A = arith.constant 0 : i32
    %dma_wait3A_24 = arith.constant 0 : i32
    %dma_wait3A_25 = arith.constant 0 : i32
    %dma_wait3A_26 = tpu.memref_slice %arg3[%add3A, %dma_wait3A, %dma_wait3A_24, %dma_wait3A_25] : memref<32x2x40x125xi32, #tpu.memory_space<hbm>> -> memref<1x1x40x125xi32, #tpu.memory_space<hbm>>
    %dma_wait3A_27 = tpu.memref_squeeze %dma_wait3A_26 : memref<1x1x40x125xi32, #tpu.memory_space<hbm>> -> memref<40x125xi32, #tpu.memory_space<hbm>>
    %dma_wait3A_28 = arith.constant 0 : i32
    %dma_wait3A_29 = arith.constant 0 : i32
    %dma_wait3A_30 = tpu.memref_slice %arg3[%add3A, %dma_wait3A, %dma_wait3A_28, %dma_wait3A_29] : memref<32x2x40x125xi32, #tpu.memory_space<hbm>> -> memref<1x1x40x125xi32, #tpu.memory_space<hbm>>
    %dma_wait3A_31 = tpu.memref_squeeze %dma_wait3A_30 : memref<1x1x40x125xi32, #tpu.memory_space<hbm>> -> memref<40x125xi32, #tpu.memory_space<hbm>>
    tpu.wait_dma2 semaphore(%arg12 : memref<!tpu.dma_semaphore, #tpu.memory_space<semaphore_mem>>) src(%dma_wait3A_31 : memref<40x125xi32, #tpu.memory_space<hbm>>) dst(%arg7 : memref<40x125xi32, #tpu.memory_space<vmem>>)
    %dma_wait3A_32 = arith.constant 0 : i32
    %dma_wait3A_33 = arith.constant 0 : i32
    %dma_wait3A_34 = arith.constant 0 : i32
    %dma_wait3A_35 = tpu.memref_slice %arg4[%add3A, %dma_wait3A_32, %dma_wait3A_33, %dma_wait3A_34] : memref<32x2x40x125xi32, #tpu.memory_space<hbm>> -> memref<1x1x40x125xi32, #tpu.memory_space<hbm>>
    %dma_wait3A_36 = tpu.memref_squeeze %dma_wait3A_35 : memref<1x1x40x125xi32, #tpu.memory_space<hbm>> -> memref<40x125xi32, #tpu.memory_space<hbm>>
    %dma_wait3A_37 = arith.constant 0 : i32
    %dma_wait3A_38 = arith.constant 0 : i32
    %dma_wait3A_39 = tpu.memref_slice %arg4[%add3A, %dma_wait3A_32, %dma_wait3A_37, %dma_wait3A_38] : memref<32x2x40x125xi32, #tpu.memory_space<hbm>> -> memref<1x1x40x125xi32, #tpu.memory_space<hbm>>
    %dma_wait3A_40 = tpu.memref_squeeze %dma_wait3A_39 : memref<1x1x40x125xi32, #tpu.memory_space<hbm>> -> memref<40x125xi32, #tpu.memory_space<hbm>>
    tpu.wait_dma2 semaphore(%arg12 : memref<!tpu.dma_semaphore, #tpu.memory_space<semaphore_mem>>) src(%dma_wait3A_40 : memref<40x125xi32, #tpu.memory_space<hbm>>) dst(%arg8 : memref<40x125xi32, #tpu.memory_space<vmem>>)
    %barrier3A = arith.constant 0 : index
    tpu.barrier barrier_id(%barrier3A)
    %dma_start3A_41 = arith.constant 0 : i32
    %dma_start3A_42 = arith.constant 0 : i32
    %dma_start3A_43 = tpu.memref_slice %arg7[%dma_start3A_41, %dma_start3A_42] : memref<40x125xi32, #tpu.memory_space<vmem>> -> memref<1x125xi32, #tpu.memory_space<vmem>>
    %dma_start3A_44 = tpu.memref_squeeze %dma_start3A_43 : memref<1x125xi32, #tpu.memory_space<vmem>> -> memref<125xi32, #tpu.memory_space<vmem>>
    %dma_start3A_45 = arith.constant 0 : i32
    %dma_start3A_46 = arith.constant 0 : i32
    %dma_start3A_47 = tpu.memref_slice %arg2[%dma_start3A_45, %dma_start3A_46] : memref<10000x128xf32, #tpu.memory_space<hbm>> -> memref<10000x128xf32, #tpu.memory_space<hbm>>
    tpu.enqueue_indirect_dma source(%dma_start3A_47 : memref<10000x128xf32, #tpu.memory_space<hbm>>) target(%arg9 : memref<125x128xf32, #tpu.memory_space<vmem>>) offsets(%dma_start3A_44 : memref<125xi32, #tpu.memory_space<vmem>>) semaphore(%arg12 : memref<!tpu.dma_semaphore, #tpu.memory_space<semaphore_mem>>)
    %dma_wait3A_48 = arith.constant 0 : i32
    %dma_wait3A_49 = arith.constant 0 : i32
    %dma_wait3A_50 = tpu.memref_slice %arg7[%dma_wait3A_48, %dma_wait3A_49] : memref<40x125xi32, #tpu.memory_space<vmem>> -> memref<1x125xi32, #tpu.memory_space<vmem>>
    %dma_wait3A_51 = tpu.memref_squeeze %dma_wait3A_50 : memref<1x125xi32, #tpu.memory_space<vmem>> -> memref<125xi32, #tpu.memory_space<vmem>>
    %dma_wait3A_52 = arith.constant 0 : i32
    %dma_wait3A_53 = arith.constant 0 : i32
    %dma_wait3A_54 = tpu.memref_slice %arg2[%dma_wait3A_52, %dma_wait3A_53] : memref<10000x128xf32, #tpu.memory_space<hbm>> -> memref<10000x128xf32, #tpu.memory_space<hbm>>
    tpu.wait_indirect_dma semaphore(%arg12 : memref<!tpu.dma_semaphore, #tpu.memory_space<semaphore_mem>>) src(%dma_wait3A_54 : memref<10000x128xf32, #tpu.memory_space<hbm>>) dst(%arg9 : memref<125x128xf32, #tpu.memory_space<vmem>>)
    %dma_start3A_55 = arith.constant 0 : i32
    %dma_start3A_56 = arith.constant 0 : i32
    %dma_start3A_57 = tpu.memref_slice %arg8[%dma_start3A_55, %dma_start3A_56] : memref<40x125xi32, #tpu.memory_space<vmem>> -> memref<1x125xi32, #tpu.memory_space<vmem>>
    %dma_start3A_58 = tpu.memref_squeeze %dma_start3A_57 : memref<1x125xi32, #tpu.memory_space<vmem>> -> memref<125xi32, #tpu.memory_space<vmem>>
    %dma_start3A_59 = arith.constant 0 : i32
    %dma_start3A_60 = arith.constant 0 : i32
    %dma_start3A_61 = tpu.memref_slice %arg11[%dma_start3A_59, %dma_start3A_60] : memref<10000x128xf32, #tpu.memory_space<vmem_shared>> -> memref<10000x128xf32, #tpu.memory_space<vmem_shared>>
    tpu.enqueue_indirect_dma source(%arg9 : memref<125x128xf32, #tpu.memory_space<vmem>>) target(%dma_start3A_61 : memref<10000x128xf32, #tpu.memory_space<vmem_shared>>) offsets(%dma_start3A_58 : memref<125xi32, #tpu.memory_space<vmem>>) semaphore(%arg13 : memref<!tpu.dma_semaphore, #tpu.memory_space<semaphore_mem>>) {add = true}
    %dma_start3A_62 = arith.constant 1 : i32
    %dma_start3A_63 = arith.constant 0 : i32
    %dma_start3A_64 = tpu.memref_slice %arg7[%dma_start3A_62, %dma_start3A_63] : memref<40x125xi32, #tpu.memory_space<vmem>> -> memref<1x125xi32, #tpu.memory_space<vmem>>
    %dma_start3A_65 = tpu.memref_squeeze %dma_start3A_64 : memref<1x125xi32, #tpu.memory_space<vmem>> -> memref<125xi32, #tpu.memory_space<vmem>>
    %dma_start3A_66 = arith.constant 0 : i32
    %dma_start3A_67 = arith.constant 0 : i32
    %dma_start3A_68 = tpu.memref_slice %arg2[%dma_start3A_66, %dma_start3A_67] : memref<10000x128xf32, #tpu.memory_space<hbm>> -> memref<10000x128xf32, #tpu.memory_space<hbm>>
    tpu.enqueue_indirect_dma source(%dma_start3A_68 : memref<10000x128xf32, #tpu.memory_space<hbm>>) target(%arg10 : memref<125x128xf32, #tpu.memory_space<vmem>>) offsets(%dma_start3A_65 : memref<125xi32, #tpu.memory_space<vmem>>) semaphore(%arg12 : memref<!tpu.dma_semaphore, #tpu.memory_space<semaphore_mem>>)
    %dma_wait3A_69 = arith.constant 1 : i32
    %dma_wait3A_70 = arith.constant 0 : i32
    %dma_wait3A_71 = tpu.memref_slice %arg7[%dma_wait3A_69, %dma_wait3A_70] : memref<40x125xi32, #tpu.memory_space<vmem>> -> memref<1x125xi32, #tpu.memory_space<vmem>>
    %dma_wait3A_72 = tpu.memref_squeeze %dma_wait3A_71 : memref<1x125xi32, #tpu.memory_space<vmem>> -> memref<125xi32, #tpu.memory_space<vmem>>
    %dma_wait3A_73 = arith.constant 0 : i32
    %dma_wait3A_74 = arith.constant 0 : i32
    %dma_wait3A_75 = tpu.memref_slice %arg2[%dma_wait3A_73, %dma_wait3A_74] : memref<10000x128xf32, #tpu.memory_space<hbm>> -> memref<10000x128xf32, #tpu.memory_space<hbm>>
    tpu.wait_indirect_dma semaphore(%arg12 : memref<!tpu.dma_semaphore, #tpu.memory_space<semaphore_mem>>) src(%dma_wait3A_75 : memref<10000x128xf32, #tpu.memory_space<hbm>>) dst(%arg10 : memref<125x128xf32, #tpu.memory_space<vmem>>)
    %dma_start3A_76 = arith.constant 1 : i32
    %dma_start3A_77 = arith.constant 0 : i32
    %dma_start3A_78 = tpu.memref_slice %arg8[%dma_start3A_76, %dma_start3A_77] : memref<40x125xi32, #tpu.memory_space<vmem>> -> memref<1x125xi32, #tpu.memory_space<vmem>>
    %dma_start3A_79 = tpu.memref_squeeze %dma_start3A_78 : memref<1x125xi32, #tpu.memory_space<vmem>> -> memref<125xi32, #tpu.memory_space<vmem>>
    %dma_start3A_80 = arith.constant 0 : i32
    %dma_start3A_81 = arith.constant 0 : i32
    %dma_start3A_82 = tpu.memref_slice %arg11[%dma_start3A_80, %dma_start3A_81] : memref<10000x128xf32, #tpu.memory_space<vmem_shared>> -> memref<10000x128xf32, #tpu.memory_space<vmem_shared>>
    tpu.enqueue_indirect_dma source(%arg10 : memref<125x128xf32, #tpu.memory_space<vmem>>) target(%dma_start3A_82 : memref<10000x128xf32, #tpu.memory_space<vmem_shared>>) offsets(%dma_start3A_79 : memref<125xi32, #tpu.memory_space<vmem>>) semaphore(%arg14 : memref<!tpu.dma_semaphore, #tpu.memory_space<semaphore_mem>>) {add = true}
    %scan3A = arith.constant 0 : i32
    %scan3A_83 = arith.constant 1 : i32
    %scan3A_84 = arith.constant 19 : i32
    %scan3A_85 = arith.addi %scan3A_83, %scan3A_84 : i32
    %scan3A_86 = arith.constant 1 : i32
    scf.for %scan3A_176 = %scan3A_83 to %scan3A_85 step %scan3A_86  : i32 {
      %mul3A_177 = arith.constant 2 : i32
      %mul3A_178 = arith.muli %mul3A_177, %scan3A_176 : i32
      %add3A_179 = arith.constant 1 : i32
      %add3A_180 = arith.addi %mul3A_178, %add3A_179 : i32
      %dma_wait3A_181 = arith.constant 0 : i32
      %dma_wait3A_182 = tpu.memref_slice %arg8[%mul3A_178, %dma_wait3A_181] : memref<40x125xi32, #tpu.memory_space<vmem>> -> memref<1x125xi32, #tpu.memory_space<vmem>>
      %dma_wait3A_183 = tpu.memref_squeeze %dma_wait3A_182 : memref<1x125xi32, #tpu.memory_space<vmem>> -> memref<125xi32, #tpu.memory_space<vmem>>
      %dma_wait3A_184 = arith.constant 0 : i32
      %dma_wait3A_185 = arith.constant 0 : i32
      %dma_wait3A_186 = tpu.memref_slice %arg11[%dma_wait3A_184, %dma_wait3A_185] : memref<10000x128xf32, #tpu.memory_space<vmem_shared>> -> memref<10000x128xf32, #tpu.memory_space<vmem_shared>>
      tpu.wait_indirect_dma semaphore(%arg13 : memref<!tpu.dma_semaphore, #tpu.memory_space<semaphore_mem>>) src(%arg9 : memref<125x128xf32, #tpu.memory_space<vmem>>) dst(%dma_wait3A_186 : memref<10000x128xf32, #tpu.memory_space<vmem_shared>>)
      %dma_start3A_187 = arith.constant 0 : i32
      %dma_start3A_188 = tpu.memref_slice %arg7[%mul3A_178, %dma_start3A_187] : memref<40x125xi32, #tpu.memory_space<vmem>> -> memref<1x125xi32, #tpu.memory_space<vmem>>
      %dma_start3A_189 = tpu.memref_squeeze %dma_start3A_188 : memref<1x125xi32, #tpu.memory_space<vmem>> -> memref<125xi32, #tpu.memory_space<vmem>>
      %dma_start3A_190 = arith.constant 0 : i32
      %dma_start3A_191 = arith.constant 0 : i32
      %dma_start3A_192 = tpu.memref_slice %arg2[%dma_start3A_190, %dma_start3A_191] : memref<10000x128xf32, #tpu.memory_space<hbm>> -> memref<10000x128xf32, #tpu.memory_space<hbm>>
      tpu.enqueue_indirect_dma source(%dma_start3A_192 : memref<10000x128xf32, #tpu.memory_space<hbm>>) target(%arg9 : memref<125x128xf32, #tpu.memory_space<vmem>>) offsets(%dma_start3A_189 : memref<125xi32, #tpu.memory_space<vmem>>) semaphore(%arg12 : memref<!tpu.dma_semaphore, #tpu.memory_space<semaphore_mem>>)
      %dma_wait3A_193 = arith.constant 0 : i32
      %dma_wait3A_194 = tpu.memref_slice %arg7[%mul3A_178, %dma_wait3A_193] : memref<40x125xi32, #tpu.memory_space<vmem>> -> memref<1x125xi32, #tpu.memory_space<vmem>>
      %dma_wait3A_195 = tpu.memref_squeeze %dma_wait3A_194 : memref<1x125xi32, #tpu.memory_space<vmem>> -> memref<125xi32, #tpu.memory_space<vmem>>
      %dma_wait3A_196 = arith.constant 0 : i32
      %dma_wait3A_197 = arith.constant 0 : i32
      %dma_wait3A_198 = tpu.memref_slice %arg2[%dma_wait3A_196, %dma_wait3A_197] : memref<10000x128xf32, #tpu.memory_space<hbm>> -> memref<10000x128xf32, #tpu.memory_space<hbm>>
      tpu.wait_indirect_dma semaphore(%arg12 : memref<!tpu.dma_semaphore, #tpu.memory_space<semaphore_mem>>) src(%dma_wait3A_198 : memref<10000x128xf32, #tpu.memory_space<hbm>>) dst(%arg9 : memref<125x128xf32, #tpu.memory_space<vmem>>)
      %dma_start3A_199 = arith.constant 0 : i32
      %dma_start3A_200 = tpu.memref_slice %arg8[%mul3A_178, %dma_start3A_199] : memref<40x125xi32, #tpu.memory_space<vmem>> -> memref<1x125xi32, #tpu.memory_space<vmem>>
      %dma_start3A_201 = tpu.memref_squeeze %dma_start3A_200 : memref<1x125xi32, #tpu.memory_space<vmem>> -> memref<125xi32, #tpu.memory_space<vmem>>
      %dma_start3A_202 = arith.constant 0 : i32
      %dma_start3A_203 = arith.constant 0 : i32
      %dma_start3A_204 = tpu.memref_slice %arg11[%dma_start3A_202, %dma_start3A_203] : memref<10000x128xf32, #tpu.memory_space<vmem_shared>> -> memref<10000x128xf32, #tpu.memory_space<vmem_shared>>
      tpu.enqueue_indirect_dma source(%arg9 : memref<125x128xf32, #tpu.memory_space<vmem>>) target(%dma_start3A_204 : memref<10000x128xf32, #tpu.memory_space<vmem_shared>>) offsets(%dma_start3A_201 : memref<125xi32, #tpu.memory_space<vmem>>) semaphore(%arg13 : memref<!tpu.dma_semaphore, #tpu.memory_space<semaphore_mem>>) {add = true}
      %dma_wait3A_205 = arith.constant 0 : i32
      %dma_wait3A_206 = tpu.memref_slice %arg8[%add3A_180, %dma_wait3A_205] : memref<40x125xi32, #tpu.memory_space<vmem>> -> memref<1x125xi32, #tpu.memory_space<vmem>>
      %dma_wait3A_207 = tpu.memref_squeeze %dma_wait3A_206 : memref<1x125xi32, #tpu.memory_space<vmem>> -> memref<125xi32, #tpu.memory_space<vmem>>
      %dma_wait3A_208 = arith.constant 0 : i32
      %dma_wait3A_209 = arith.constant 0 : i32
      %dma_wait3A_210 = tpu.memref_slice %arg11[%dma_wait3A_208, %dma_wait3A_209] : memref<10000x128xf32, #tpu.memory_space<vmem_shared>> -> memref<10000x128xf32, #tpu.memory_space<vmem_shared>>
      tpu.wait_indirect_dma semaphore(%arg14 : memref<!tpu.dma_semaphore, #tpu.memory_space<semaphore_mem>>) src(%arg10 : memref<125x128xf32, #tpu.memory_space<vmem>>) dst(%dma_wait3A_210 : memref<10000x128xf32, #tpu.memory_space<vmem_shared>>)
      %dma_start3A_211 = arith.constant 0 : i32
      %dma_start3A_212 = tpu.memref_slice %arg7[%add3A_180, %dma_start3A_211] : memref<40x125xi32, #tpu.memory_space<vmem>> -> memref<1x125xi32, #tpu.memory_space<vmem>>
      %dma_start3A_213 = tpu.memref_squeeze %dma_start3A_212 : memref<1x125xi32, #tpu.memory_space<vmem>> -> memref<125xi32, #tpu.memory_space<vmem>>
      %dma_start3A_214 = arith.constant 0 : i32
      %dma_start3A_215 = arith.constant 0 : i32
      %dma_start3A_216 = tpu.memref_slice %arg2[%dma_start3A_214, %dma_start3A_215] : memref<10000x128xf32, #tpu.memory_space<hbm>> -> memref<10000x128xf32, #tpu.memory_space<hbm>>
      tpu.enqueue_indirect_dma source(%dma_start3A_216 : memref<10000x128xf32, #tpu.memory_space<hbm>>) target(%arg10 : memref<125x128xf32, #tpu.memory_space<vmem>>) offsets(%dma_start3A_213 : memref<125xi32, #tpu.memory_space<vmem>>) semaphore(%arg12 : memref<!tpu.dma_semaphore, #tpu.memory_space<semaphore_mem>>)
      %dma_wait3A_217 = arith.constant 0 : i32
      %dma_wait3A_218 = tpu.memref_slice %arg7[%add3A_180, %dma_wait3A_217] : memref<40x125xi32, #tpu.memory_space<vmem>> -> memref<1x125xi32, #tpu.memory_space<vmem>>
      %dma_wait3A_219 = tpu.memref_squeeze %dma_wait3A_218 : memref<1x125xi32, #tpu.memory_space<vmem>> -> memref<125xi32, #tpu.memory_space<vmem>>
      %dma_wait3A_220 = arith.constant 0 : i32
      %dma_wait3A_221 = arith.constant 0 : i32
      %dma_wait3A_222 = tpu.memref_slice %arg2[%dma_wait3A_220, %dma_wait3A_221] : memref<10000x128xf32, #tpu.memory_space<hbm>> -> memref<10000x128xf32, #tpu.memory_space<hbm>>
      tpu.wait_indirect_dma semaphore(%arg12 : memref<!tpu.dma_semaphore, #tpu.memory_space<semaphore_mem>>) src(%dma_wait3A_222 : memref<10000x128xf32, #tpu.memory_space<hbm>>) dst(%arg10 : memref<125x128xf32, #tpu.memory_space<vmem>>)
      %dma_start3A_223 = arith.constant 0 : i32
      %dma_start3A_224 = tpu.memref_slice %arg8[%add3A_180, %dma_start3A_223] : memref<40x125xi32, #tpu.memory_space<vmem>> -> memref<1x125xi32, #tpu.memory_space<vmem>>
      %dma_start3A_225 = tpu.memref_squeeze %dma_start3A_224 : memref<1x125xi32, #tpu.memory_space<vmem>> -> memref<125xi32, #tpu.memory_space<vmem>>
      %dma_start3A_226 = arith.constant 0 : i32
      %dma_start3A_227 = arith.constant 0 : i32
      %dma_start3A_228 = tpu.memref_slice %arg11[%dma_start3A_226, %dma_start3A_227] : memref<10000x128xf32, #tpu.memory_space<vmem_shared>> -> memref<10000x128xf32, #tpu.memory_space<vmem_shared>>
      tpu.enqueue_indirect_dma source(%arg10 : memref<125x128xf32, #tpu.memory_space<vmem>>) target(%dma_start3A_228 : memref<10000x128xf32, #tpu.memory_space<vmem_shared>>) offsets(%dma_start3A_225 : memref<125xi32, #tpu.memory_space<vmem>>) semaphore(%arg14 : memref<!tpu.dma_semaphore, #tpu.memory_space<semaphore_mem>>) {add = true}
    }
    %scan3A_87 = arith.constant 19 : i32
    %dma_wait3A_88 = arith.constant 0 : i32
    %dma_wait3A_89 = arith.constant 0 : i32
    %dma_wait3A_90 = tpu.memref_slice %arg8[%dma_wait3A_88, %dma_wait3A_89] : memref<40x125xi32, #tpu.memory_space<vmem>> -> memref<1x125xi32, #tpu.memory_space<vmem>>
    %dma_wait3A_91 = tpu.memref_squeeze %dma_wait3A_90 : memref<1x125xi32, #tpu.memory_space<vmem>> -> memref<125xi32, #tpu.memory_space<vmem>>
    %dma_wait3A_92 = arith.constant 0 : i32
    %dma_wait3A_93 = arith.constant 0 : i32
    %dma_wait3A_94 = tpu.memref_slice %arg11[%dma_wait3A_92, %dma_wait3A_93] : memref<10000x128xf32, #tpu.memory_space<vmem_shared>> -> memref<10000x128xf32, #tpu.memory_space<vmem_shared>>
    tpu.wait_indirect_dma semaphore(%arg13 : memref<!tpu.dma_semaphore, #tpu.memory_space<semaphore_mem>>) src(%arg9 : memref<125x128xf32, #tpu.memory_space<vmem>>) dst(%dma_wait3A_94 : memref<10000x128xf32, #tpu.memory_space<vmem_shared>>)
    %dma_wait3A_95 = arith.constant 1 : i32
    %dma_wait3A_96 = arith.constant 0 : i32
    %dma_wait3A_97 = tpu.memref_slice %arg8[%dma_wait3A_95, %dma_wait3A_96] : memref<40x125xi32, #tpu.memory_space<vmem>> -> memref<1x125xi32, #tpu.memory_space<vmem>>
    %dma_wait3A_98 = tpu.memref_squeeze %dma_wait3A_97 : memref<1x125xi32, #tpu.memory_space<vmem>> -> memref<125xi32, #tpu.memory_space<vmem>>
    %dma_wait3A_99 = arith.constant 0 : i32
    %dma_wait3A_100 = arith.constant 0 : i32
    %dma_wait3A_101 = tpu.memref_slice %arg11[%dma_wait3A_99, %dma_wait3A_100] : memref<10000x128xf32, #tpu.memory_space<vmem_shared>> -> memref<10000x128xf32, #tpu.memory_space<vmem_shared>>
    tpu.wait_indirect_dma semaphore(%arg14 : memref<!tpu.dma_semaphore, #tpu.memory_space<semaphore_mem>>) src(%arg10 : memref<125x128xf32, #tpu.memory_space<vmem>>) dst(%dma_wait3A_101 : memref<10000x128xf32, #tpu.memory_space<vmem_shared>>)
    %run_scoped3A = arith.constant 1 : i32
    "tpu.region"() ({
      %run_scoped3A_176 = tpu.sem_alloc : memref<!tpu.dma_semaphore, #tpu.memory_space<semaphore_mem>>
      %dma_start3A_177 = arith.constant 0 : i32
      %dma_start3A_178 = arith.constant 0 : i32
      %dma_start3A_179 = tpu.memref_slice %arg3[%add3A, %run_scoped3A, %dma_start3A_177, %dma_start3A_178] : memref<32x2x40x125xi32, #tpu.memory_space<hbm>> -> memref<1x1x40x125xi32, #tpu.memory_space<hbm>>
      %dma_start3A_180 = tpu.memref_squeeze %dma_start3A_179 : memref<1x1x40x125xi32, #tpu.memory_space<hbm>> -> memref<40x125xi32, #tpu.memory_space<hbm>>
      %dma_start3A_181 = arith.constant 0 : i32
      %dma_start3A_182 = arith.constant 0 : i32
      %dma_start3A_183 = tpu.memref_slice %arg3[%add3A, %run_scoped3A, %dma_start3A_181, %dma_start3A_182] : memref<32x2x40x125xi32, #tpu.memory_space<hbm>> -> memref<1x1x40x125xi32, #tpu.memory_space<hbm>>
      %dma_start3A_184 = tpu.memref_squeeze %dma_start3A_183 : memref<1x1x40x125xi32, #tpu.memory_space<hbm>> -> memref<40x125xi32, #tpu.memory_space<hbm>>
      tpu.enqueue_dma source(%dma_start3A_184 : memref<40x125xi32, #tpu.memory_space<hbm>>) target(%arg7 : memref<40x125xi32, #tpu.memory_space<vmem>>) target_semaphore(%run_scoped3A_176 : memref<!tpu.dma_semaphore, #tpu.memory_space<semaphore_mem>>)
      %dma_wait3A_185 = arith.constant 0 : i32
      %dma_wait3A_186 = arith.constant 0 : i32
      %dma_wait3A_187 = tpu.memref_slice %arg3[%add3A, %run_scoped3A, %dma_wait3A_185, %dma_wait3A_186] : memref<32x2x40x125xi32, #tpu.memory_space<hbm>> -> memref<1x1x40x125xi32, #tpu.memory_space<hbm>>
      %dma_wait3A_188 = tpu.memref_squeeze %dma_wait3A_187 : memref<1x1x40x125xi32, #tpu.memory_space<hbm>> -> memref<40x125xi32, #tpu.memory_space<hbm>>
      %dma_wait3A_189 = arith.constant 0 : i32
      %dma_wait3A_190 = arith.constant 0 : i32
      %dma_wait3A_191 = tpu.memref_slice %arg3[%add3A, %run_scoped3A, %dma_wait3A_189, %dma_wait3A_190] : memref<32x2x40x125xi32, #tpu.memory_space<hbm>> -> memref<1x1x40x125xi32, #tpu.memory_space<hbm>>
      %dma_wait3A_192 = tpu.memref_squeeze %dma_wait3A_191 : memref<1x1x40x125xi32, #tpu.memory_space<hbm>> -> memref<40x125xi32, #tpu.memory_space<hbm>>
      tpu.wait_dma2 semaphore(%run_scoped3A_176 : memref<!tpu.dma_semaphore, #tpu.memory_space<semaphore_mem>>) src(%dma_wait3A_192 : memref<40x125xi32, #tpu.memory_space<hbm>>) dst(%arg7 : memref<40x125xi32, #tpu.memory_space<vmem>>)
      tpu.yield
    }) : () -> ()
    %run_scoped3A_102 = arith.constant 1 : i32
    "tpu.region"() ({
      %run_scoped3A_176 = tpu.sem_alloc : memref<!tpu.dma_semaphore, #tpu.memory_space<semaphore_mem>>
      %dma_start3A_177 = arith.constant 0 : i32
      %dma_start3A_178 = arith.constant 0 : i32
      %dma_start3A_179 = tpu.memref_slice %arg4[%add3A, %run_scoped3A_102, %dma_start3A_177, %dma_start3A_178] : memref<32x2x40x125xi32, #tpu.memory_space<hbm>> -> memref<1x1x40x125xi32, #tpu.memory_space<hbm>>
      %dma_start3A_180 = tpu.memref_squeeze %dma_start3A_179 : memref<1x1x40x125xi32, #tpu.memory_space<hbm>> -> memref<40x125xi32, #tpu.memory_space<hbm>>
      %dma_start3A_181 = arith.constant 0 : i32
      %dma_start3A_182 = arith.constant 0 : i32
      %dma_start3A_183 = tpu.memref_slice %arg4[%add3A, %run_scoped3A_102, %dma_start3A_181, %dma_start3A_182] : memref<32x2x40x125xi32, #tpu.memory_space<hbm>> -> memref<1x1x40x125xi32, #tpu.memory_space<hbm>>
      %dma_start3A_184 = tpu.memref_squeeze %dma_start3A_183 : memref<1x1x40x125xi32, #tpu.memory_space<hbm>> -> memref<40x125xi32, #tpu.memory_space<hbm>>
      tpu.enqueue_dma source(%dma_start3A_184 : memref<40x125xi32, #tpu.memory_space<hbm>>) target(%arg8 : memref<40x125xi32, #tpu.memory_space<vmem>>) target_semaphore(%run_scoped3A_176 : memref<!tpu.dma_semaphore, #tpu.memory_space<semaphore_mem>>)
      %dma_wait3A_185 = arith.constant 0 : i32
      %dma_wait3A_186 = arith.constant 0 : i32
      %dma_wait3A_187 = tpu.memref_slice %arg4[%add3A, %run_scoped3A_102, %dma_wait3A_185, %dma_wait3A_186] : memref<32x2x40x125xi32, #tpu.memory_space<hbm>> -> memref<1x1x40x125xi32, #tpu.memory_space<hbm>>
      %dma_wait3A_188 = tpu.memref_squeeze %dma_wait3A_187 : memref<1x1x40x125xi32, #tpu.memory_space<hbm>> -> memref<40x125xi32, #tpu.memory_space<hbm>>
      %dma_wait3A_189 = arith.constant 0 : i32
      %dma_wait3A_190 = arith.constant 0 : i32
      %dma_wait3A_191 = tpu.memref_slice %arg4[%add3A, %run_scoped3A_102, %dma_wait3A_189, %dma_wait3A_190] : memref<32x2x40x125xi32, #tpu.memory_space<hbm>> -> memref<1x1x40x125xi32, #tpu.memory_space<hbm>>
      %dma_wait3A_192 = tpu.memref_squeeze %dma_wait3A_191 : memref<1x1x40x125xi32, #tpu.memory_space<hbm>> -> memref<40x125xi32, #tpu.memory_space<hbm>>
      tpu.wait_dma2 semaphore(%run_scoped3A_176 : memref<!tpu.dma_semaphore, #tpu.memory_space<semaphore_mem>>) src(%dma_wait3A_192 : memref<40x125xi32, #tpu.memory_space<hbm>>) dst(%arg8 : memref<40x125xi32, #tpu.memory_space<vmem>>)
      tpu.yield
    }) : () -> ()
    %dma_start3A_103 = arith.constant 0 : i32
    %dma_start3A_104 = arith.constant 0 : i32
    %dma_start3A_105 = tpu.memref_slice %arg7[%dma_start3A_103, %dma_start3A_104] : memref<40x125xi32, #tpu.memory_space<vmem>> -> memref<1x125xi32, #tpu.memory_space<vmem>>
    %dma_start3A_106 = tpu.memref_squeeze %dma_start3A_105 : memref<1x125xi32, #tpu.memory_space<vmem>> -> memref<125xi32, #tpu.memory_space<vmem>>
    %dma_start3A_107 = arith.constant 0 : i32
    %dma_start3A_108 = arith.constant 0 : i32
    %dma_start3A_109 = tpu.memref_slice %arg2[%dma_start3A_107, %dma_start3A_108] : memref<10000x128xf32, #tpu.memory_space<hbm>> -> memref<10000x128xf32, #tpu.memory_space<hbm>>
    tpu.enqueue_indirect_dma source(%dma_start3A_109 : memref<10000x128xf32, #tpu.memory_space<hbm>>) target(%arg9 : memref<125x128xf32, #tpu.memory_space<vmem>>) offsets(%dma_start3A_106 : memref<125xi32, #tpu.memory_space<vmem>>) semaphore(%arg12 : memref<!tpu.dma_semaphore, #tpu.memory_space<semaphore_mem>>)
    %dma_wait3A_110 = arith.constant 0 : i32
    %dma_wait3A_111 = arith.constant 0 : i32
    %dma_wait3A_112 = tpu.memref_slice %arg7[%dma_wait3A_110, %dma_wait3A_111] : memref<40x125xi32, #tpu.memory_space<vmem>> -> memref<1x125xi32, #tpu.memory_space<vmem>>
    %dma_wait3A_113 = tpu.memref_squeeze %dma_wait3A_112 : memref<1x125xi32, #tpu.memory_space<vmem>> -> memref<125xi32, #tpu.memory_space<vmem>>
    %dma_wait3A_114 = arith.constant 0 : i32
    %dma_wait3A_115 = arith.constant 0 : i32
    %dma_wait3A_116 = tpu.memref_slice %arg2[%dma_wait3A_114, %dma_wait3A_115] : memref<10000x128xf32, #tpu.memory_space<hbm>> -> memref<10000x128xf32, #tpu.memory_space<hbm>>
    tpu.wait_indirect_dma semaphore(%arg12 : memref<!tpu.dma_semaphore, #tpu.memory_space<semaphore_mem>>) src(%dma_wait3A_116 : memref<10000x128xf32, #tpu.memory_space<hbm>>) dst(%arg9 : memref<125x128xf32, #tpu.memory_space<vmem>>)
    %dma_start3A_117 = arith.constant 0 : i32
    %dma_start3A_118 = arith.constant 0 : i32
    %dma_start3A_119 = tpu.memref_slice %arg8[%dma_start3A_117, %dma_start3A_118] : memref<40x125xi32, #tpu.memory_space<vmem>> -> memref<1x125xi32, #tpu.memory_space<vmem>>
    %dma_start3A_120 = tpu.memref_squeeze %dma_start3A_119 : memref<1x125xi32, #tpu.memory_space<vmem>> -> memref<125xi32, #tpu.memory_space<vmem>>
    %dma_start3A_121 = arith.constant 0 : i32
    %dma_start3A_122 = arith.constant 0 : i32
    %dma_start3A_123 = tpu.memref_slice %arg11[%dma_start3A_121, %dma_start3A_122] : memref<10000x128xf32, #tpu.memory_space<vmem_shared>> -> memref<10000x128xf32, #tpu.memory_space<vmem_shared>>
    tpu.enqueue_indirect_dma source(%arg9 : memref<125x128xf32, #tpu.memory_space<vmem>>) target(%dma_start3A_123 : memref<10000x128xf32, #tpu.memory_space<vmem_shared>>) offsets(%dma_start3A_120 : memref<125xi32, #tpu.memory_space<vmem>>) semaphore(%arg13 : memref<!tpu.dma_semaphore, #tpu.memory_space<semaphore_mem>>) {add = true}
    %dma_start3A_124 = arith.constant 1 : i32
    %dma_start3A_125 = arith.constant 0 : i32
    %dma_start3A_126 = tpu.memref_slice %arg7[%dma_start3A_124, %dma_start3A_125] : memref<40x125xi32, #tpu.memory_space<vmem>> -> memref<1x125xi32, #tpu.memory_space<vmem>>
    %dma_start3A_127 = tpu.memref_squeeze %dma_start3A_126 : memref<1x125xi32, #tpu.memory_space<vmem>> -> memref<125xi32, #tpu.memory_space<vmem>>
    %dma_start3A_128 = arith.constant 0 : i32
    %dma_start3A_129 = arith.constant 0 : i32
    %dma_start3A_130 = tpu.memref_slice %arg2[%dma_start3A_128, %dma_start3A_129] : memref<10000x128xf32, #tpu.memory_space<hbm>> -> memref<10000x128xf32, #tpu.memory_space<hbm>>
    tpu.enqueue_indirect_dma source(%dma_start3A_130 : memref<10000x128xf32, #tpu.memory_space<hbm>>) target(%arg10 : memref<125x128xf32, #tpu.memory_space<vmem>>) offsets(%dma_start3A_127 : memref<125xi32, #tpu.memory_space<vmem>>) semaphore(%arg12 : memref<!tpu.dma_semaphore, #tpu.memory_space<semaphore_mem>>)
    %dma_wait3A_131 = arith.constant 1 : i32
    %dma_wait3A_132 = arith.constant 0 : i32
    %dma_wait3A_133 = tpu.memref_slice %arg7[%dma_wait3A_131, %dma_wait3A_132] : memref<40x125xi32, #tpu.memory_space<vmem>> -> memref<1x125xi32, #tpu.memory_space<vmem>>
    %dma_wait3A_134 = tpu.memref_squeeze %dma_wait3A_133 : memref<1x125xi32, #tpu.memory_space<vmem>> -> memref<125xi32, #tpu.memory_space<vmem>>
    %dma_wait3A_135 = arith.constant 0 : i32
    %dma_wait3A_136 = arith.constant 0 : i32
    %dma_wait3A_137 = tpu.memref_slice %arg2[%dma_wait3A_135, %dma_wait3A_136] : memref<10000x128xf32, #tpu.memory_space<hbm>> -> memref<10000x128xf32, #tpu.memory_space<hbm>>
    tpu.wait_indirect_dma semaphore(%arg12 : memref<!tpu.dma_semaphore, #tpu.memory_space<semaphore_mem>>) src(%dma_wait3A_137 : memref<10000x128xf32, #tpu.memory_space<hbm>>) dst(%arg10 : memref<125x128xf32, #tpu.memory_space<vmem>>)
    %dma_start3A_138 = arith.constant 1 : i32
    %dma_start3A_139 = arith.constant 0 : i32
    %dma_start3A_140 = tpu.memref_slice %arg8[%dma_start3A_138, %dma_start3A_139] : memref<40x125xi32, #tpu.memory_space<vmem>> -> memref<1x125xi32, #tpu.memory_space<vmem>>
    %dma_start3A_141 = tpu.memref_squeeze %dma_start3A_140 : memref<1x125xi32, #tpu.memory_space<vmem>> -> memref<125xi32, #tpu.memory_space<vmem>>
    %dma_start3A_142 = arith.constant 0 : i32
    %dma_start3A_143 = arith.constant 0 : i32
    %dma_start3A_144 = tpu.memref_slice %arg11[%dma_start3A_142, %dma_start3A_143] : memref<10000x128xf32, #tpu.memory_space<vmem_shared>> -> memref<10000x128xf32, #tpu.memory_space<vmem_shared>>
    tpu.enqueue_indirect_dma source(%arg10 : memref<125x128xf32, #tpu.memory_space<vmem>>) target(%dma_start3A_144 : memref<10000x128xf32, #tpu.memory_space<vmem_shared>>) offsets(%dma_start3A_141 : memref<125xi32, #tpu.memory_space<vmem>>) semaphore(%arg14 : memref<!tpu.dma_semaphore, #tpu.memory_space<semaphore_mem>>) {add = true}
    %scan3A_145 = arith.constant 0 : i32
    %scan3A_146 = arith.constant 1 : i32
    %scan3A_147 = arith.constant 19 : i32
    %scan3A_148 = arith.addi %scan3A_146, %scan3A_147 : i32
    %scan3A_149 = arith.constant 1 : i32
    scf.for %scan3A_176 = %scan3A_146 to %scan3A_148 step %scan3A_149  : i32 {
      %mul3A_177 = arith.constant 2 : i32
      %mul3A_178 = arith.muli %mul3A_177, %scan3A_176 : i32
      %add3A_179 = arith.constant 1 : i32
      %add3A_180 = arith.addi %mul3A_178, %add3A_179 : i32
      %dma_wait3A_181 = arith.constant 0 : i32
      %dma_wait3A_182 = tpu.memref_slice %arg8[%mul3A_178, %dma_wait3A_181] : memref<40x125xi32, #tpu.memory_space<vmem>> -> memref<1x125xi32, #tpu.memory_space<vmem>>
      %dma_wait3A_183 = tpu.memref_squeeze %dma_wait3A_182 : memref<1x125xi32, #tpu.memory_space<vmem>> -> memref<125xi32, #tpu.memory_space<vmem>>
      %dma_wait3A_184 = arith.constant 0 : i32
      %dma_wait3A_185 = arith.constant 0 : i32
      %dma_wait3A_186 = tpu.memref_slice %arg11[%dma_wait3A_184, %dma_wait3A_185] : memref<10000x128xf32, #tpu.memory_space<vmem_shared>> -> memref<10000x128xf32, #tpu.memory_space<vmem_shared>>
      tpu.wait_indirect_dma semaphore(%arg13 : memref<!tpu.dma_semaphore, #tpu.memory_space<semaphore_mem>>) src(%arg9 : memref<125x128xf32, #tpu.memory_space<vmem>>) dst(%dma_wait3A_186 : memref<10000x128xf32, #tpu.memory_space<vmem_shared>>)
      %dma_start3A_187 = arith.constant 0 : i32
      %dma_start3A_188 = tpu.memref_slice %arg7[%mul3A_178, %dma_start3A_187] : memref<40x125xi32, #tpu.memory_space<vmem>> -> memref<1x125xi32, #tpu.memory_space<vmem>>
      %dma_start3A_189 = tpu.memref_squeeze %dma_start3A_188 : memref<1x125xi32, #tpu.memory_space<vmem>> -> memref<125xi32, #tpu.memory_space<vmem>>
      %dma_start3A_190 = arith.constant 0 : i32
      %dma_start3A_191 = arith.constant 0 : i32
      %dma_start3A_192 = tpu.memref_slice %arg2[%dma_start3A_190, %dma_start3A_191] : memref<10000x128xf32, #tpu.memory_space<hbm>> -> memref<10000x128xf32, #tpu.memory_space<hbm>>
      tpu.enqueue_indirect_dma source(%dma_start3A_192 : memref<10000x128xf32, #tpu.memory_space<hbm>>) target(%arg9 : memref<125x128xf32, #tpu.memory_space<vmem>>) offsets(%dma_start3A_189 : memref<125xi32, #tpu.memory_space<vmem>>) semaphore(%arg12 : memref<!tpu.dma_semaphore, #tpu.memory_space<semaphore_mem>>)
      %dma_wait3A_193 = arith.constant 0 : i32
      %dma_wait3A_194 = tpu.memref_slice %arg7[%mul3A_178, %dma_wait3A_193] : memref<40x125xi32, #tpu.memory_space<vmem>> -> memref<1x125xi32, #tpu.memory_space<vmem>>
      %dma_wait3A_195 = tpu.memref_squeeze %dma_wait3A_194 : memref<1x125xi32, #tpu.memory_space<vmem>> -> memref<125xi32, #tpu.memory_space<vmem>>
      %dma_wait3A_196 = arith.constant 0 : i32
      %dma_wait3A_197 = arith.constant 0 : i32
      %dma_wait3A_198 = tpu.memref_slice %arg2[%dma_wait3A_196, %dma_wait3A_197] : memref<10000x128xf32, #tpu.memory_space<hbm>> -> memref<10000x128xf32, #tpu.memory_space<hbm>>
      tpu.wait_indirect_dma semaphore(%arg12 : memref<!tpu.dma_semaphore, #tpu.memory_space<semaphore_mem>>) src(%dma_wait3A_198 : memref<10000x128xf32, #tpu.memory_space<hbm>>) dst(%arg9 : memref<125x128xf32, #tpu.memory_space<vmem>>)
      %dma_start3A_199 = arith.constant 0 : i32
      %dma_start3A_200 = tpu.memref_slice %arg8[%mul3A_178, %dma_start3A_199] : memref<40x125xi32, #tpu.memory_space<vmem>> -> memref<1x125xi32, #tpu.memory_space<vmem>>
      %dma_start3A_201 = tpu.memref_squeeze %dma_start3A_200 : memref<1x125xi32, #tpu.memory_space<vmem>> -> memref<125xi32, #tpu.memory_space<vmem>>
      %dma_start3A_202 = arith.constant 0 : i32
      %dma_start3A_203 = arith.constant 0 : i32
      %dma_start3A_204 = tpu.memref_slice %arg11[%dma_start3A_202, %dma_start3A_203] : memref<10000x128xf32, #tpu.memory_space<vmem_shared>> -> memref<10000x128xf32, #tpu.memory_space<vmem_shared>>
      tpu.enqueue_indirect_dma source(%arg9 : memref<125x128xf32, #tpu.memory_space<vmem>>) target(%dma_start3A_204 : memref<10000x128xf32, #tpu.memory_space<vmem_shared>>) offsets(%dma_start3A_201 : memref<125xi32, #tpu.memory_space<vmem>>) semaphore(%arg13 : memref<!tpu.dma_semaphore, #tpu.memory_space<semaphore_mem>>) {add = true}
      %dma_wait3A_205 = arith.constant 0 : i32
      %dma_wait3A_206 = tpu.memref_slice %arg8[%add3A_180, %dma_wait3A_205] : memref<40x125xi32, #tpu.memory_space<vmem>> -> memref<1x125xi32, #tpu.memory_space<vmem>>
      %dma_wait3A_207 = tpu.memref_squeeze %dma_wait3A_206 : memref<1x125xi32, #tpu.memory_space<vmem>> -> memref<125xi32, #tpu.memory_space<vmem>>
      %dma_wait3A_208 = arith.constant 0 : i32
      %dma_wait3A_209 = arith.constant 0 : i32
      %dma_wait3A_210 = tpu.memref_slice %arg11[%dma_wait3A_208, %dma_wait3A_209] : memref<10000x128xf32, #tpu.memory_space<vmem_shared>> -> memref<10000x128xf32, #tpu.memory_space<vmem_shared>>
      tpu.wait_indirect_dma semaphore(%arg14 : memref<!tpu.dma_semaphore, #tpu.memory_space<semaphore_mem>>) src(%arg10 : memref<125x128xf32, #tpu.memory_space<vmem>>) dst(%dma_wait3A_210 : memref<10000x128xf32, #tpu.memory_space<vmem_shared>>)
      %dma_start3A_211 = arith.constant 0 : i32
      %dma_start3A_212 = tpu.memref_slice %arg7[%add3A_180, %dma_start3A_211] : memref<40x125xi32, #tpu.memory_space<vmem>> -> memref<1x125xi32, #tpu.memory_space<vmem>>
      %dma_start3A_213 = tpu.memref_squeeze %dma_start3A_212 : memref<1x125xi32, #tpu.memory_space<vmem>> -> memref<125xi32, #tpu.memory_space<vmem>>
      %dma_start3A_214 = arith.constant 0 : i32
      %dma_start3A_215 = arith.constant 0 : i32
      %dma_start3A_216 = tpu.memref_slice %arg2[%dma_start3A_214, %dma_start3A_215] : memref<10000x128xf32, #tpu.memory_space<hbm>> -> memref<10000x128xf32, #tpu.memory_space<hbm>>
      tpu.enqueue_indirect_dma source(%dma_start3A_216 : memref<10000x128xf32, #tpu.memory_space<hbm>>) target(%arg10 : memref<125x128xf32, #tpu.memory_space<vmem>>) offsets(%dma_start3A_213 : memref<125xi32, #tpu.memory_space<vmem>>) semaphore(%arg12 : memref<!tpu.dma_semaphore, #tpu.memory_space<semaphore_mem>>)
      %dma_wait3A_217 = arith.constant 0 : i32
      %dma_wait3A_218 = tpu.memref_slice %arg7[%add3A_180, %dma_wait3A_217] : memref<40x125xi32, #tpu.memory_space<vmem>> -> memref<1x125xi32, #tpu.memory_space<vmem>>
      %dma_wait3A_219 = tpu.memref_squeeze %dma_wait3A_218 : memref<1x125xi32, #tpu.memory_space<vmem>> -> memref<125xi32, #tpu.memory_space<vmem>>
      %dma_wait3A_220 = arith.constant 0 : i32
      %dma_wait3A_221 = arith.constant 0 : i32
      %dma_wait3A_222 = tpu.memref_slice %arg2[%dma_wait3A_220, %dma_wait3A_221] : memref<10000x128xf32, #tpu.memory_space<hbm>> -> memref<10000x128xf32, #tpu.memory_space<hbm>>
      tpu.wait_indirect_dma semaphore(%arg12 : memref<!tpu.dma_semaphore, #tpu.memory_space<semaphore_mem>>) src(%dma_wait3A_222 : memref<10000x128xf32, #tpu.memory_space<hbm>>) dst(%arg10 : memref<125x128xf32, #tpu.memory_space<vmem>>)
      %dma_start3A_223 = arith.constant 0 : i32
      %dma_start3A_224 = tpu.memref_slice %arg8[%add3A_180, %dma_start3A_223] : memref<40x125xi32, #tpu.memory_space<vmem>> -> memref<1x125xi32, #tpu.memory_space<vmem>>
      %dma_start3A_225 = tpu.memref_squeeze %dma_start3A_224 : memref<1x125xi32, #tpu.memory_space<vmem>> -> memref<125xi32, #tpu.memory_space<vmem>>
      %dma_start3A_226 = arith.constant 0 : i32
      %dma_start3A_227 = arith.constant 0 : i32
      %dma_start3A_228 = tpu.memref_slice %arg11[%dma_start3A_226, %dma_start3A_227] : memref<10000x128xf32, #tpu.memory_space<vmem_shared>> -> memref<10000x128xf32, #tpu.memory_space<vmem_shared>>
      tpu.enqueue_indirect_dma source(%arg10 : memref<125x128xf32, #tpu.memory_space<vmem>>) target(%dma_start3A_228 : memref<10000x128xf32, #tpu.memory_space<vmem_shared>>) offsets(%dma_start3A_225 : memref<125xi32, #tpu.memory_space<vmem>>) semaphore(%arg14 : memref<!tpu.dma_semaphore, #tpu.memory_space<semaphore_mem>>) {add = true}
    }
    %scan3A_150 = arith.constant 19 : i32
    %dma_wait3A_151 = arith.constant 0 : i32
    %dma_wait3A_152 = arith.constant 0 : i32
    %dma_wait3A_153 = tpu.memref_slice %arg8[%dma_wait3A_151, %dma_wait3A_152] : memref<40x125xi32, #tpu.memory_space<vmem>> -> memref<1x125xi32, #tpu.memory_space<vmem>>
    %dma_wait3A_154 = tpu.memref_squeeze %dma_wait3A_153 : memref<1x125xi32, #tpu.memory_space<vmem>> -> memref<125xi32, #tpu.memory_space<vmem>>
    %dma_wait3A_155 = arith.constant 0 : i32
    %dma_wait3A_156 = arith.constant 0 : i32
    %dma_wait3A_157 = tpu.memref_slice %arg11[%dma_wait3A_155, %dma_wait3A_156] : memref<10000x128xf32, #tpu.memory_space<vmem_shared>> -> memref<10000x128xf32, #tpu.memory_space<vmem_shared>>
    tpu.wait_indirect_dma semaphore(%arg13 : memref<!tpu.dma_semaphore, #tpu.memory_space<semaphore_mem>>) src(%arg9 : memref<125x128xf32, #tpu.memory_space<vmem>>) dst(%dma_wait3A_157 : memref<10000x128xf32, #tpu.memory_space<vmem_shared>>)
    %dma_wait3A_158 = arith.constant 1 : i32
    %dma_wait3A_159 = arith.constant 0 : i32
    %dma_wait3A_160 = tpu.memref_slice %arg8[%dma_wait3A_158, %dma_wait3A_159] : memref<40x125xi32, #tpu.memory_space<vmem>> -> memref<1x125xi32, #tpu.memory_space<vmem>>
    %dma_wait3A_161 = tpu.memref_squeeze %dma_wait3A_160 : memref<1x125xi32, #tpu.memory_space<vmem>> -> memref<125xi32, #tpu.memory_space<vmem>>
    %dma_wait3A_162 = arith.constant 0 : i32
    %dma_wait3A_163 = arith.constant 0 : i32
    %dma_wait3A_164 = tpu.memref_slice %arg11[%dma_wait3A_162, %dma_wait3A_163] : memref<10000x128xf32, #tpu.memory_space<vmem_shared>> -> memref<10000x128xf32, #tpu.memory_space<vmem_shared>>
    tpu.wait_indirect_dma semaphore(%arg14 : memref<!tpu.dma_semaphore, #tpu.memory_space<semaphore_mem>>) src(%arg10 : memref<125x128xf32, #tpu.memory_space<vmem>>) dst(%dma_wait3A_164 : memref<10000x128xf32, #tpu.memory_space<vmem_shared>>)
    %barrier3A_165 = arith.constant 0 : index
    tpu.barrier barrier_id(%barrier3A_165)
    %lt3A_166 = arith.constant 15 : i32
    %lt3A_167 = arith.cmpi slt, %arg1, %lt3A_166 : i32
    %convert_element_type3A_168 = arith.extui %lt3A_167 : i1 to i32
    %cond3A_169 = arith.constant 0 : i32
    %cond3A_170 = arith.cmpi ne, %convert_element_type3A_168, %cond3A_169 : i32
    scf.if %cond3A_170 {
      %mul3A_176 = arith.constant 640 : i32
      %mul3A_177 = arith.muli %arg1, %mul3A_176 : i32
      %mul3A_178 = arith.constant 640 : i32
      %mul3A_179 = arith.muli %arg1, %mul3A_178 : i32
      "tpu.region"() ({
        %run_scoped3A_180 = tpu.sem_alloc : memref<!tpu.dma_semaphore, #tpu.memory_space<semaphore_mem>>
        %dma_start3A_181 = arith.constant 0 : i32
        %dma_start3A_182 = tpu.memref_slice %arg6[%arg0, %mul3A_179, %dma_start3A_181] : memref<2x10000x128xf32, #tpu.memory_space<hbm>> -> memref<1x640x128xf32, #tpu.memory_space<hbm>>
        %dma_start3A_183 = tpu.memref_squeeze %dma_start3A_182 : memref<1x640x128xf32, #tpu.memory_space<hbm>> -> memref<640x128xf32, #tpu.memory_space<hbm>>
        %dma_start3A_184 = arith.constant 0 : i32
        %dma_start3A_185 = tpu.memref_slice %arg11[%mul3A_177, %dma_start3A_184] : memref<10000x128xf32, #tpu.memory_space<vmem_shared>> -> memref<640x128xf32, #tpu.memory_space<vmem_shared>>
        tpu.enqueue_dma source(%dma_start3A_185 : memref<640x128xf32, #tpu.memory_space<vmem_shared>>) target(%dma_start3A_183 : memref<640x128xf32, #tpu.memory_space<hbm>>) target_semaphore(%run_scoped3A_180 : memref<!tpu.dma_semaphore, #tpu.memory_space<semaphore_mem>>)
        %dma_wait3A_186 = arith.constant 0 : i32
        %dma_wait3A_187 = tpu.memref_slice %arg6[%arg0, %mul3A_179, %dma_wait3A_186] : memref<2x10000x128xf32, #tpu.memory_space<hbm>> -> memref<1x640x128xf32, #tpu.memory_space<hbm>>
        %dma_wait3A_188 = tpu.memref_squeeze %dma_wait3A_187 : memref<1x640x128xf32, #tpu.memory_space<hbm>> -> memref<640x128xf32, #tpu.memory_space<hbm>>
        %dma_wait3A_189 = arith.constant 0 : i32
        %dma_wait3A_190 = tpu.memref_slice %arg11[%mul3A_177, %dma_wait3A_189] : memref<10000x128xf32, #tpu.memory_space<vmem_shared>> -> memref<640x128xf32, #tpu.memory_space<vmem_shared>>
        tpu.wait_dma2 semaphore(%run_scoped3A_180 : memref<!tpu.dma_semaphore, #tpu.memory_space<semaphore_mem>>) src(%dma_wait3A_190 : memref<640x128xf32, #tpu.memory_space<vmem_shared>>) dst(%dma_wait3A_188 : memref<640x128xf32, #tpu.memory_space<hbm>>)
        tpu.yield
      }) : () -> ()
    } else {
    }
    %eq3A_171 = arith.constant 15 : i32
    %eq3A_172 = arith.cmpi eq, %arg1, %eq3A_171 : i32
    %convert_element_type3A_173 = arith.extui %eq3A_172 : i1 to i32
    %cond3A_174 = arith.constant 0 : i32
    %cond3A_175 = arith.cmpi ne, %convert_element_type3A_173, %cond3A_174 : i32
    scf.if %cond3A_175 {
      "tpu.region"() ({
        %run_scoped3A_176 = tpu.sem_alloc : memref<!tpu.dma_semaphore, #tpu.memory_space<semaphore_mem>>
        %dma_start3A_177 = arith.constant 9600 : i32
        %dma_start3A_178 = arith.constant 0 : i32
        %dma_start3A_179 = tpu.memref_slice %arg6[%arg0, %dma_start3A_177, %dma_start3A_178] : memref<2x10000x128xf32, #tpu.memory_space<hbm>> -> memref<1x400x128xf32, #tpu.memory_space<hbm>>
        %dma_start3A_180 = tpu.memref_squeeze %dma_start3A_179 : memref<1x400x128xf32, #tpu.memory_space<hbm>> -> memref<400x128xf32, #tpu.memory_space<hbm>>
        %dma_start3A_181 = arith.constant 9600 : i32
        %dma_start3A_182 = arith.constant 0 : i32
        %dma_start3A_183 = tpu.memref_slice %arg11[%dma_start3A_181, %dma_start3A_182] : memref<10000x128xf32, #tpu.memory_space<vmem_shared>> -> memref<400x128xf32, #tpu.memory_space<vmem_shared>>
        tpu.enqueue_dma source(%dma_start3A_183 : memref<400x128xf32, #tpu.memory_space<vmem_shared>>) target(%dma_start3A_180 : memref<400x128xf32, #tpu.memory_space<hbm>>) target_semaphore(%run_scoped3A_176 : memref<!tpu.dma_semaphore, #tpu.memory_space<semaphore_mem>>)
        %dma_wait3A_184 = arith.constant 9600 : i32
        %dma_wait3A_185 = arith.constant 0 : i32
        %dma_wait3A_186 = tpu.memref_slice %arg6[%arg0, %dma_wait3A_184, %dma_wait3A_185] : memref<2x10000x128xf32, #tpu.memory_space<hbm>> -> memref<1x400x128xf32, #tpu.memory_space<hbm>>
        %dma_wait3A_187 = tpu.memref_squeeze %dma_wait3A_186 : memref<1x400x128xf32, #tpu.memory_space<hbm>> -> memref<400x128xf32, #tpu.memory_space<hbm>>
        %dma_wait3A_188 = arith.constant 9600 : i32
        %dma_wait3A_189 = arith.constant 0 : i32
        %dma_wait3A_190 = tpu.memref_slice %arg11[%dma_wait3A_188, %dma_wait3A_189] : memref<10000x128xf32, #tpu.memory_space<vmem_shared>> -> memref<400x128xf32, #tpu.memory_space<vmem_shared>>
        tpu.wait_dma2 semaphore(%run_scoped3A_176 : memref<!tpu.dma_semaphore, #tpu.memory_space<semaphore_mem>>) src(%dma_wait3A_190 : memref<400x128xf32, #tpu.memory_space<vmem_shared>>) dst(%dma_wait3A_187 : memref<400x128xf32, #tpu.memory_space<hbm>>)
        tpu.yield
      }) : () -> ()
    } else {
    }
    return
  }
}

#map = affine_map<(d0, d1) -> (0, 0)>
#map1 = affine_map<(d0, d1) -> (0, 0, 0, 0)>
#map2 = affine_map<(d0, d1) -> (0, 0, 0)>
module attributes {stable_mosaic.version = 14 : i64} {
  func.func @_sc_agg(%arg0: i32, %arg1: i32, %arg2: memref<10000x128xf32, #tpu.memory_space<hbm>>, %arg3: memref<32x2x40x125xi32, #tpu.memory_space<hbm>>, %arg4: memref<32x2x40x125xi32, #tpu.memory_space<hbm>>, %arg5: memref<10000x128xf32, #tpu.memory_space<hbm>>, %arg6: memref<2x10000x128xf32, #tpu.memory_space<hbm>>, %arg7: memref<40x125xi32, #tpu.memory_space<vmem>>, %arg8: memref<40x125xi32, #tpu.memory_space<vmem>>, %arg9: memref<125x128xf32, #tpu.memory_space<vmem>>, %arg10: memref<125x128xf32, #tpu.memory_space<vmem>>, %arg11: memref<10000x128xf32, #tpu.memory_space<vmem_shared>>, %arg12: memref<!tpu.dma_semaphore, #tpu.memory_space<semaphore_mem>>, %arg13: memref<!tpu.dma_semaphore, #tpu.memory_space<semaphore_mem>>, %arg14: memref<!tpu.dma_semaphore, #tpu.memory_space<semaphore_mem>>) attributes {dimension_semantics = [#tpu.dimension_semantics<core_parallel>, #tpu.dimension_semantics<subcore_parallel>], iteration_bounds = array<i64: 2, 16>, scalar_prefetch = 0 : i64, scratch_operands = 8 : i64, tpu.core_type = #tpu.core_type<sc_vector_subcore>, window_params = [{transform_indices = #map}, {transform_indices = #map1}, {transform_indices = #map1}, {transform_indices = #map}, {transform_indices = #map2}]} {
    %mul3A = arith.constant 16 : i32
    %mul3A_0 = arith.muli %arg0, %mul3A : i32
    %add3A = arith.addi %mul3A_0, %arg1 : i32
    %dma_start3A = arith.constant 0 : i32
    %dma_start3A_1 = arith.constant 0 : i32
    %dma_start3A_2 = arith.constant 0 : i32
    %dma_start3A_3 = tpu.memref_slice %arg3[%add3A, %dma_start3A, %dma_start3A_1, %dma_start3A_2] : memref<32x2x40x125xi32, #tpu.memory_space<hbm>> -> memref<1x1x40x125xi32, #tpu.memory_space<hbm>>
    %dma_start3A_4 = tpu.memref_squeeze %dma_start3A_3 : memref<1x1x40x125xi32, #tpu.memory_space<hbm>> -> memref<40x125xi32, #tpu.memory_space<hbm>>
    %dma_start3A_5 = arith.constant 0 : i32
    %dma_start3A_6 = arith.constant 0 : i32
    %dma_start3A_7 = tpu.memref_slice %arg3[%add3A, %dma_start3A, %dma_start3A_5, %dma_start3A_6] : memref<32x2x40x125xi32, #tpu.memory_space<hbm>> -> memref<1x1x40x125xi32, #tpu.memory_space<hbm>>
    %dma_start3A_8 = tpu.memref_squeeze %dma_start3A_7 : memref<1x1x40x125xi32, #tpu.memory_space<hbm>> -> memref<40x125xi32, #tpu.memory_space<hbm>>
    tpu.enqueue_dma source(%dma_start3A_8 : memref<40x125xi32, #tpu.memory_space<hbm>>) target(%arg7 : memref<40x125xi32, #tpu.memory_space<vmem>>) target_semaphore(%arg12 : memref<!tpu.dma_semaphore, #tpu.memory_space<semaphore_mem>>)
    %dma_start3A_9 = arith.constant 0 : i32
    %dma_start3A_10 = arith.constant 0 : i32
    %dma_start3A_11 = arith.constant 0 : i32
    %dma_start3A_12 = tpu.memref_slice %arg4[%add3A, %dma_start3A_9, %dma_start3A_10, %dma_start3A_11] : memref<32x2x40x125xi32, #tpu.memory_space<hbm>> -> memref<1x1x40x125xi32, #tpu.memory_space<hbm>>
    %dma_start3A_13 = tpu.memref_squeeze %dma_start3A_12 : memref<1x1x40x125xi32, #tpu.memory_space<hbm>> -> memref<40x125xi32, #tpu.memory_space<hbm>>
    %dma_start3A_14 = arith.constant 0 : i32
    %dma_start3A_15 = arith.constant 0 : i32
    %dma_start3A_16 = tpu.memref_slice %arg4[%add3A, %dma_start3A_9, %dma_start3A_14, %dma_start3A_15] : memref<32x2x40x125xi32, #tpu.memory_space<hbm>> -> memref<1x1x40x125xi32, #tpu.memory_space<hbm>>
    %dma_start3A_17 = tpu.memref_squeeze %dma_start3A_16 : memref<1x1x40x125xi32, #tpu.memory_space<hbm>> -> memref<40x125xi32, #tpu.memory_space<hbm>>
    tpu.enqueue_dma source(%dma_start3A_17 : memref<40x125xi32, #tpu.memory_space<hbm>>) target(%arg8 : memref<40x125xi32, #tpu.memory_space<vmem>>) target_semaphore(%arg12 : memref<!tpu.dma_semaphore, #tpu.memory_space<semaphore_mem>>)
    %lt3A = arith.constant 15 : i32
    %lt3A_18 = arith.cmpi slt, %arg1, %lt3A : i32
    %convert_element_type3A = arith.extui %lt3A_18 : i1 to i32
    %cond3A = arith.constant 0 : i32
    %cond3A_19 = arith.cmpi ne, %convert_element_type3A, %cond3A : i32
    scf.if %cond3A_19 {
      %mul3A_176 = arith.constant 640 : i32
      %mul3A_177 = arith.muli %arg1, %mul3A_176 : i32
      %mul3A_178 = arith.constant 640 : i32
      %mul3A_179 = arith.muli %arg1, %mul3A_178 : i32
      "tpu.region"() ({
        %run_scoped3A_180 = tpu.sem_alloc : memref<!tpu.dma_semaphore, #tpu.memory_space<semaphore_mem>>
        %dma_start3A_181 = arith.constant 0 : i32
        %dma_start3A_182 = tpu.memref_slice %arg11[%mul3A_179, %dma_start3A_181] : memref<10000x128xf32, #tpu.memory_space<vmem_shared>> -> memref<640x128xf32, #tpu.memory_space<vmem_shared>>
        %dma_start3A_183 = arith.constant 0 : i32
        %dma_start3A_184 = tpu.memref_slice %arg5[%mul3A_177, %dma_start3A_183] : memref<10000x128xf32, #tpu.memory_space<hbm>> -> memref<640x128xf32, #tpu.memory_space<hbm>>
        tpu.enqueue_dma source(%dma_start3A_184 : memref<640x128xf32, #tpu.memory_space<hbm>>) target(%dma_start3A_182 : memref<640x128xf32, #tpu.memory_space<vmem_shared>>) target_semaphore(%run_scoped3A_180 : memref<!tpu.dma_semaphore, #tpu.memory_space<semaphore_mem>>)
        %dma_wait3A_185 = arith.constant 0 : i32
        %dma_wait3A_186 = tpu.memref_slice %arg11[%mul3A_179, %dma_wait3A_185] : memref<10000x128xf32, #tpu.memory_space<vmem_shared>> -> memref<640x128xf32, #tpu.memory_space<vmem_shared>>
        %dma_wait3A_187 = arith.constant 0 : i32
        %dma_wait3A_188 = tpu.memref_slice %arg5[%mul3A_177, %dma_wait3A_187] : memref<10000x128xf32, #tpu.memory_space<hbm>> -> memref<640x128xf32, #tpu.memory_space<hbm>>
        tpu.wait_dma2 semaphore(%run_scoped3A_180 : memref<!tpu.dma_semaphore, #tpu.memory_space<semaphore_mem>>) src(%dma_wait3A_188 : memref<640x128xf32, #tpu.memory_space<hbm>>) dst(%dma_wait3A_186 : memref<640x128xf32, #tpu.memory_space<vmem_shared>>)
        tpu.yield
      }) : () -> ()
    } else {
    }
    %eq3A = arith.constant 15 : i32
    %eq3A_20 = arith.cmpi eq, %arg1, %eq3A : i32
    %convert_element_type3A_21 = arith.extui %eq3A_20 : i1 to i32
    %cond3A_22 = arith.constant 0 : i32
    %cond3A_23 = arith.cmpi ne, %convert_element_type3A_21, %cond3A_22 : i32
    scf.if %cond3A_23 {
      "tpu.region"() ({
        %run_scoped3A_176 = tpu.sem_alloc : memref<!tpu.dma_semaphore, #tpu.memory_space<semaphore_mem>>
        %dma_start3A_177 = arith.constant 9600 : i32
        %dma_start3A_178 = arith.constant 0 : i32
        %dma_start3A_179 = tpu.memref_slice %arg11[%dma_start3A_177, %dma_start3A_178] : memref<10000x128xf32, #tpu.memory_space<vmem_shared>> -> memref<400x128xf32, #tpu.memory_space<vmem_shared>>
        %dma_start3A_180 = arith.constant 9600 : i32
        %dma_start3A_181 = arith.constant 0 : i32
        %dma_start3A_182 = tpu.memref_slice %arg5[%dma_start3A_180, %dma_start3A_181] : memref<10000x128xf32, #tpu.memory_space<hbm>> -> memref<400x128xf32, #tpu.memory_space<hbm>>
        tpu.enqueue_dma source(%dma_start3A_182 : memref<400x128xf32, #tpu.memory_space<hbm>>) target(%dma_start3A_179 : memref<400x128xf32, #tpu.memory_space<vmem_shared>>) target_semaphore(%run_scoped3A_176 : memref<!tpu.dma_semaphore, #tpu.memory_space<semaphore_mem>>)
        %dma_wait3A_183 = arith.constant 9600 : i32
        %dma_wait3A_184 = arith.constant 0 : i32
        %dma_wait3A_185 = tpu.memref_slice %arg11[%dma_wait3A_183, %dma_wait3A_184] : memref<10000x128xf32, #tpu.memory_space<vmem_shared>> -> memref<400x128xf32, #tpu.memory_space<vmem_shared>>
        %dma_wait3A_186 = arith.constant 9600 : i32
        %dma_wait3A_187 = arith.constant 0 : i32
        %dma_wait3A_188 = tpu.memref_slice %arg5[%dma_wait3A_186, %dma_wait3A_187] : memref<10000x128xf32, #tpu.memory_space<hbm>> -> memref<400x128xf32, #tpu.memory_space<hbm>>
        tpu.wait_dma2 semaphore(%run_scoped3A_176 : memref<!tpu.dma_semaphore, #tpu.memory_space<semaphore_mem>>) src(%dma_wait3A_188 : memref<400x128xf32, #tpu.memory_space<hbm>>) dst(%dma_wait3A_185 : memref<400x128xf32, #tpu.memory_space<vmem_shared>>)
        tpu.yield
      }) : () -> ()
    } else {
    }
    %dma_wait3A = arith.constant 0 : i32
    %dma_wait3A_24 = arith.constant 0 : i32
    %dma_wait3A_25 = arith.constant 0 : i32
    %dma_wait3A_26 = tpu.memref_slice %arg3[%add3A, %dma_wait3A, %dma_wait3A_24, %dma_wait3A_25] : memref<32x2x40x125xi32, #tpu.memory_space<hbm>> -> memref<1x1x40x125xi32, #tpu.memory_space<hbm>>
    %dma_wait3A_27 = tpu.memref_squeeze %dma_wait3A_26 : memref<1x1x40x125xi32, #tpu.memory_space<hbm>> -> memref<40x125xi32, #tpu.memory_space<hbm>>
    %dma_wait3A_28 = arith.constant 0 : i32
    %dma_wait3A_29 = arith.constant 0 : i32
    %dma_wait3A_30 = tpu.memref_slice %arg3[%add3A, %dma_wait3A, %dma_wait3A_28, %dma_wait3A_29] : memref<32x2x40x125xi32, #tpu.memory_space<hbm>> -> memref<1x1x40x125xi32, #tpu.memory_space<hbm>>
    %dma_wait3A_31 = tpu.memref_squeeze %dma_wait3A_30 : memref<1x1x40x125xi32, #tpu.memory_space<hbm>> -> memref<40x125xi32, #tpu.memory_space<hbm>>
    tpu.wait_dma2 semaphore(%arg12 : memref<!tpu.dma_semaphore, #tpu.memory_space<semaphore_mem>>) src(%dma_wait3A_31 : memref<40x125xi32, #tpu.memory_space<hbm>>) dst(%arg7 : memref<40x125xi32, #tpu.memory_space<vmem>>)
    %dma_wait3A_32 = arith.constant 0 : i32
    %dma_wait3A_33 = arith.constant 0 : i32
    %dma_wait3A_34 = arith.constant 0 : i32
    %dma_wait3A_35 = tpu.memref_slice %arg4[%add3A, %dma_wait3A_32, %dma_wait3A_33, %dma_wait3A_34] : memref<32x2x40x125xi32, #tpu.memory_space<hbm>> -> memref<1x1x40x125xi32, #tpu.memory_space<hbm>>
    %dma_wait3A_36 = tpu.memref_squeeze %dma_wait3A_35 : memref<1x1x40x125xi32, #tpu.memory_space<hbm>> -> memref<40x125xi32, #tpu.memory_space<hbm>>
    %dma_wait3A_37 = arith.constant 0 : i32
    %dma_wait3A_38 = arith.constant 0 : i32
    %dma_wait3A_39 = tpu.memref_slice %arg4[%add3A, %dma_wait3A_32, %dma_wait3A_37, %dma_wait3A_38] : memref<32x2x40x125xi32, #tpu.memory_space<hbm>> -> memref<1x1x40x125xi32, #tpu.memory_space<hbm>>
    %dma_wait3A_40 = tpu.memref_squeeze %dma_wait3A_39 : memref<1x1x40x125xi32, #tpu.memory_space<hbm>> -> memref<40x125xi32, #tpu.memory_space<hbm>>
    tpu.wait_dma2 semaphore(%arg12 : memref<!tpu.dma_semaphore, #tpu.memory_space<semaphore_mem>>) src(%dma_wait3A_40 : memref<40x125xi32, #tpu.memory_space<hbm>>) dst(%arg8 : memref<40x125xi32, #tpu.memory_space<vmem>>)
    %barrier3A = arith.constant 0 : index
    tpu.barrier barrier_id(%barrier3A)
    %dma_start3A_41 = arith.constant 0 : i32
    %dma_start3A_42 = arith.constant 0 : i32
    %dma_start3A_43 = tpu.memref_slice %arg7[%dma_start3A_41, %dma_start3A_42] : memref<40x125xi32, #tpu.memory_space<vmem>> -> memref<1x125xi32, #tpu.memory_space<vmem>>
    %dma_start3A_44 = tpu.memref_squeeze %dma_start3A_43 : memref<1x125xi32, #tpu.memory_space<vmem>> -> memref<125xi32, #tpu.memory_space<vmem>>
    %dma_start3A_45 = arith.constant 0 : i32
    %dma_start3A_46 = arith.constant 0 : i32
    %dma_start3A_47 = tpu.memref_slice %arg2[%dma_start3A_45, %dma_start3A_46] : memref<10000x128xf32, #tpu.memory_space<hbm>> -> memref<10000x128xf32, #tpu.memory_space<hbm>>
    tpu.enqueue_indirect_dma source(%dma_start3A_47 : memref<10000x128xf32, #tpu.memory_space<hbm>>) target(%arg9 : memref<125x128xf32, #tpu.memory_space<vmem>>) offsets(%dma_start3A_44 : memref<125xi32, #tpu.memory_space<vmem>>) semaphore(%arg12 : memref<!tpu.dma_semaphore, #tpu.memory_space<semaphore_mem>>)
    %dma_wait3A_48 = arith.constant 0 : i32
    %dma_wait3A_49 = arith.constant 0 : i32
    %dma_wait3A_50 = tpu.memref_slice %arg7[%dma_wait3A_48, %dma_wait3A_49] : memref<40x125xi32, #tpu.memory_space<vmem>> -> memref<1x125xi32, #tpu.memory_space<vmem>>
    %dma_wait3A_51 = tpu.memref_squeeze %dma_wait3A_50 : memref<1x125xi32, #tpu.memory_space<vmem>> -> memref<125xi32, #tpu.memory_space<vmem>>
    %dma_wait3A_52 = arith.constant 0 : i32
    %dma_wait3A_53 = arith.constant 0 : i32
    %dma_wait3A_54 = tpu.memref_slice %arg2[%dma_wait3A_52, %dma_wait3A_53] : memref<10000x128xf32, #tpu.memory_space<hbm>> -> memref<10000x128xf32, #tpu.memory_space<hbm>>
    tpu.wait_indirect_dma semaphore(%arg12 : memref<!tpu.dma_semaphore, #tpu.memory_space<semaphore_mem>>) src(%dma_wait3A_54 : memref<10000x128xf32, #tpu.memory_space<hbm>>) dst(%arg9 : memref<125x128xf32, #tpu.memory_space<vmem>>)
    %dma_start3A_55 = arith.constant 0 : i32
    %dma_start3A_56 = arith.constant 0 : i32
    %dma_start3A_57 = tpu.memref_slice %arg8[%dma_start3A_55, %dma_start3A_56] : memref<40x125xi32, #tpu.memory_space<vmem>> -> memref<1x125xi32, #tpu.memory_space<vmem>>
    %dma_start3A_58 = tpu.memref_squeeze %dma_start3A_57 : memref<1x125xi32, #tpu.memory_space<vmem>> -> memref<125xi32, #tpu.memory_space<vmem>>
    %dma_start3A_59 = arith.constant 0 : i32
    %dma_start3A_60 = arith.constant 0 : i32
    %dma_start3A_61 = tpu.memref_slice %arg11[%dma_start3A_59, %dma_start3A_60] : memref<10000x128xf32, #tpu.memory_space<vmem_shared>> -> memref<10000x128xf32, #tpu.memory_space<vmem_shared>>
    tpu.enqueue_indirect_dma source(%arg9 : memref<125x128xf32, #tpu.memory_space<vmem>>) target(%dma_start3A_61 : memref<10000x128xf32, #tpu.memory_space<vmem_shared>>) offsets(%dma_start3A_58 : memref<125xi32, #tpu.memory_space<vmem>>) semaphore(%arg13 : memref<!tpu.dma_semaphore, #tpu.memory_space<semaphore_mem>>) {add = true}
    %dma_start3A_62 = arith.constant 1 : i32
    %dma_start3A_63 = arith.constant 0 : i32
    %dma_start3A_64 = tpu.memref_slice %arg7[%dma_start3A_62, %dma_start3A_63] : memref<40x125xi32, #tpu.memory_space<vmem>> -> memref<1x125xi32, #tpu.memory_space<vmem>>
    %dma_start3A_65 = tpu.memref_squeeze %dma_start3A_64 : memref<1x125xi32, #tpu.memory_space<vmem>> -> memref<125xi32, #tpu.memory_space<vmem>>
    %dma_start3A_66 = arith.constant 0 : i32
    %dma_start3A_67 = arith.constant 0 : i32
    %dma_start3A_68 = tpu.memref_slice %arg2[%dma_start3A_66, %dma_start3A_67] : memref<10000x128xf32, #tpu.memory_space<hbm>> -> memref<10000x128xf32, #tpu.memory_space<hbm>>
    tpu.enqueue_indirect_dma source(%dma_start3A_68 : memref<10000x128xf32, #tpu.memory_space<hbm>>) target(%arg10 : memref<125x128xf32, #tpu.memory_space<vmem>>) offsets(%dma_start3A_65 : memref<125xi32, #tpu.memory_space<vmem>>) semaphore(%arg12 : memref<!tpu.dma_semaphore, #tpu.memory_space<semaphore_mem>>)
    %dma_wait3A_69 = arith.constant 1 : i32
    %dma_wait3A_70 = arith.constant 0 : i32
    %dma_wait3A_71 = tpu.memref_slice %arg7[%dma_wait3A_69, %dma_wait3A_70] : memref<40x125xi32, #tpu.memory_space<vmem>> -> memref<1x125xi32, #tpu.memory_space<vmem>>
    %dma_wait3A_72 = tpu.memref_squeeze %dma_wait3A_71 : memref<1x125xi32, #tpu.memory_space<vmem>> -> memref<125xi32, #tpu.memory_space<vmem>>
    %dma_wait3A_73 = arith.constant 0 : i32
    %dma_wait3A_74 = arith.constant 0 : i32
    %dma_wait3A_75 = tpu.memref_slice %arg2[%dma_wait3A_73, %dma_wait3A_74] : memref<10000x128xf32, #tpu.memory_space<hbm>> -> memref<10000x128xf32, #tpu.memory_space<hbm>>
    tpu.wait_indirect_dma semaphore(%arg12 : memref<!tpu.dma_semaphore, #tpu.memory_space<semaphore_mem>>) src(%dma_wait3A_75 : memref<10000x128xf32, #tpu.memory_space<hbm>>) dst(%arg10 : memref<125x128xf32, #tpu.memory_space<vmem>>)
    %dma_start3A_76 = arith.constant 1 : i32
    %dma_start3A_77 = arith.constant 0 : i32
    %dma_start3A_78 = tpu.memref_slice %arg8[%dma_start3A_76, %dma_start3A_77] : memref<40x125xi32, #tpu.memory_space<vmem>> -> memref<1x125xi32, #tpu.memory_space<vmem>>
    %dma_start3A_79 = tpu.memref_squeeze %dma_start3A_78 : memref<1x125xi32, #tpu.memory_space<vmem>> -> memref<125xi32, #tpu.memory_space<vmem>>
    %dma_start3A_80 = arith.constant 0 : i32
    %dma_start3A_81 = arith.constant 0 : i32
    %dma_start3A_82 = tpu.memref_slice %arg11[%dma_start3A_80, %dma_start3A_81] : memref<10000x128xf32, #tpu.memory_space<vmem_shared>> -> memref<10000x128xf32, #tpu.memory_space<vmem_shared>>
    tpu.enqueue_indirect_dma source(%arg10 : memref<125x128xf32, #tpu.memory_space<vmem>>) target(%dma_start3A_82 : memref<10000x128xf32, #tpu.memory_space<vmem_shared>>) offsets(%dma_start3A_79 : memref<125xi32, #tpu.memory_space<vmem>>) semaphore(%arg14 : memref<!tpu.dma_semaphore, #tpu.memory_space<semaphore_mem>>) {add = true}
    %scan3A = arith.constant 0 : i32
    %scan3A_83 = arith.constant 1 : i32
    %scan3A_84 = arith.constant 19 : i32
    %scan3A_85 = arith.addi %scan3A_83, %scan3A_84 : i32
    %scan3A_86 = arith.constant 1 : i32
    scf.for %scan3A_176 = %scan3A_83 to %scan3A_85 step %scan3A_86  : i32 {
      %mul3A_177 = arith.constant 2 : i32
      %mul3A_178 = arith.muli %mul3A_177, %scan3A_176 : i32
      %add3A_179 = arith.constant 1 : i32
      %add3A_180 = arith.addi %mul3A_178, %add3A_179 : i32
      %dma_wait3A_181 = arith.constant 0 : i32
      %dma_wait3A_182 = tpu.memref_slice %arg8[%mul3A_178, %dma_wait3A_181] : memref<40x125xi32, #tpu.memory_space<vmem>> -> memref<1x125xi32, #tpu.memory_space<vmem>>
      %dma_wait3A_183 = tpu.memref_squeeze %dma_wait3A_182 : memref<1x125xi32, #tpu.memory_space<vmem>> -> memref<125xi32, #tpu.memory_space<vmem>>
      %dma_wait3A_184 = arith.constant 0 : i32
      %dma_wait3A_185 = arith.constant 0 : i32
      %dma_wait3A_186 = tpu.memref_slice %arg11[%dma_wait3A_184, %dma_wait3A_185] : memref<10000x128xf32, #tpu.memory_space<vmem_shared>> -> memref<10000x128xf32, #tpu.memory_space<vmem_shared>>
      tpu.wait_indirect_dma semaphore(%arg13 : memref<!tpu.dma_semaphore, #tpu.memory_space<semaphore_mem>>) src(%arg9 : memref<125x128xf32, #tpu.memory_space<vmem>>) dst(%dma_wait3A_186 : memref<10000x128xf32, #tpu.memory_space<vmem_shared>>)
      %dma_start3A_187 = arith.constant 0 : i32
      %dma_start3A_188 = tpu.memref_slice %arg7[%mul3A_178, %dma_start3A_187] : memref<40x125xi32, #tpu.memory_space<vmem>> -> memref<1x125xi32, #tpu.memory_space<vmem>>
      %dma_start3A_189 = tpu.memref_squeeze %dma_start3A_188 : memref<1x125xi32, #tpu.memory_space<vmem>> -> memref<125xi32, #tpu.memory_space<vmem>>
      %dma_start3A_190 = arith.constant 0 : i32
      %dma_start3A_191 = arith.constant 0 : i32
      %dma_start3A_192 = tpu.memref_slice %arg2[%dma_start3A_190, %dma_start3A_191] : memref<10000x128xf32, #tpu.memory_space<hbm>> -> memref<10000x128xf32, #tpu.memory_space<hbm>>
      tpu.enqueue_indirect_dma source(%dma_start3A_192 : memref<10000x128xf32, #tpu.memory_space<hbm>>) target(%arg9 : memref<125x128xf32, #tpu.memory_space<vmem>>) offsets(%dma_start3A_189 : memref<125xi32, #tpu.memory_space<vmem>>) semaphore(%arg12 : memref<!tpu.dma_semaphore, #tpu.memory_space<semaphore_mem>>)
      %dma_wait3A_193 = arith.constant 0 : i32
      %dma_wait3A_194 = tpu.memref_slice %arg7[%mul3A_178, %dma_wait3A_193] : memref<40x125xi32, #tpu.memory_space<vmem>> -> memref<1x125xi32, #tpu.memory_space<vmem>>
      %dma_wait3A_195 = tpu.memref_squeeze %dma_wait3A_194 : memref<1x125xi32, #tpu.memory_space<vmem>> -> memref<125xi32, #tpu.memory_space<vmem>>
      %dma_wait3A_196 = arith.constant 0 : i32
      %dma_wait3A_197 = arith.constant 0 : i32
      %dma_wait3A_198 = tpu.memref_slice %arg2[%dma_wait3A_196, %dma_wait3A_197] : memref<10000x128xf32, #tpu.memory_space<hbm>> -> memref<10000x128xf32, #tpu.memory_space<hbm>>
      tpu.wait_indirect_dma semaphore(%arg12 : memref<!tpu.dma_semaphore, #tpu.memory_space<semaphore_mem>>) src(%dma_wait3A_198 : memref<10000x128xf32, #tpu.memory_space<hbm>>) dst(%arg9 : memref<125x128xf32, #tpu.memory_space<vmem>>)
      %dma_start3A_199 = arith.constant 0 : i32
      %dma_start3A_200 = tpu.memref_slice %arg8[%mul3A_178, %dma_start3A_199] : memref<40x125xi32, #tpu.memory_space<vmem>> -> memref<1x125xi32, #tpu.memory_space<vmem>>
      %dma_start3A_201 = tpu.memref_squeeze %dma_start3A_200 : memref<1x125xi32, #tpu.memory_space<vmem>> -> memref<125xi32, #tpu.memory_space<vmem>>
      %dma_start3A_202 = arith.constant 0 : i32
      %dma_start3A_203 = arith.constant 0 : i32
      %dma_start3A_204 = tpu.memref_slice %arg11[%dma_start3A_202, %dma_start3A_203] : memref<10000x128xf32, #tpu.memory_space<vmem_shared>> -> memref<10000x128xf32, #tpu.memory_space<vmem_shared>>
      tpu.enqueue_indirect_dma source(%arg9 : memref<125x128xf32, #tpu.memory_space<vmem>>) target(%dma_start3A_204 : memref<10000x128xf32, #tpu.memory_space<vmem_shared>>) offsets(%dma_start3A_201 : memref<125xi32, #tpu.memory_space<vmem>>) semaphore(%arg13 : memref<!tpu.dma_semaphore, #tpu.memory_space<semaphore_mem>>) {add = true}
      %dma_wait3A_205 = arith.constant 0 : i32
      %dma_wait3A_206 = tpu.memref_slice %arg8[%add3A_180, %dma_wait3A_205] : memref<40x125xi32, #tpu.memory_space<vmem>> -> memref<1x125xi32, #tpu.memory_space<vmem>>
      %dma_wait3A_207 = tpu.memref_squeeze %dma_wait3A_206 : memref<1x125xi32, #tpu.memory_space<vmem>> -> memref<125xi32, #tpu.memory_space<vmem>>
      %dma_wait3A_208 = arith.constant 0 : i32
      %dma_wait3A_209 = arith.constant 0 : i32
      %dma_wait3A_210 = tpu.memref_slice %arg11[%dma_wait3A_208, %dma_wait3A_209] : memref<10000x128xf32, #tpu.memory_space<vmem_shared>> -> memref<10000x128xf32, #tpu.memory_space<vmem_shared>>
      tpu.wait_indirect_dma semaphore(%arg14 : memref<!tpu.dma_semaphore, #tpu.memory_space<semaphore_mem>>) src(%arg10 : memref<125x128xf32, #tpu.memory_space<vmem>>) dst(%dma_wait3A_210 : memref<10000x128xf32, #tpu.memory_space<vmem_shared>>)
      %dma_start3A_211 = arith.constant 0 : i32
      %dma_start3A_212 = tpu.memref_slice %arg7[%add3A_180, %dma_start3A_211] : memref<40x125xi32, #tpu.memory_space<vmem>> -> memref<1x125xi32, #tpu.memory_space<vmem>>
      %dma_start3A_213 = tpu.memref_squeeze %dma_start3A_212 : memref<1x125xi32, #tpu.memory_space<vmem>> -> memref<125xi32, #tpu.memory_space<vmem>>
      %dma_start3A_214 = arith.constant 0 : i32
      %dma_start3A_215 = arith.constant 0 : i32
      %dma_start3A_216 = tpu.memref_slice %arg2[%dma_start3A_214, %dma_start3A_215] : memref<10000x128xf32, #tpu.memory_space<hbm>> -> memref<10000x128xf32, #tpu.memory_space<hbm>>
      tpu.enqueue_indirect_dma source(%dma_start3A_216 : memref<10000x128xf32, #tpu.memory_space<hbm>>) target(%arg10 : memref<125x128xf32, #tpu.memory_space<vmem>>) offsets(%dma_start3A_213 : memref<125xi32, #tpu.memory_space<vmem>>) semaphore(%arg12 : memref<!tpu.dma_semaphore, #tpu.memory_space<semaphore_mem>>)
      %dma_wait3A_217 = arith.constant 0 : i32
      %dma_wait3A_218 = tpu.memref_slice %arg7[%add3A_180, %dma_wait3A_217] : memref<40x125xi32, #tpu.memory_space<vmem>> -> memref<1x125xi32, #tpu.memory_space<vmem>>
      %dma_wait3A_219 = tpu.memref_squeeze %dma_wait3A_218 : memref<1x125xi32, #tpu.memory_space<vmem>> -> memref<125xi32, #tpu.memory_space<vmem>>
      %dma_wait3A_220 = arith.constant 0 : i32
      %dma_wait3A_221 = arith.constant 0 : i32
      %dma_wait3A_222 = tpu.memref_slice %arg2[%dma_wait3A_220, %dma_wait3A_221] : memref<10000x128xf32, #tpu.memory_space<hbm>> -> memref<10000x128xf32, #tpu.memory_space<hbm>>
      tpu.wait_indirect_dma semaphore(%arg12 : memref<!tpu.dma_semaphore, #tpu.memory_space<semaphore_mem>>) src(%dma_wait3A_222 : memref<10000x128xf32, #tpu.memory_space<hbm>>) dst(%arg10 : memref<125x128xf32, #tpu.memory_space<vmem>>)
      %dma_start3A_223 = arith.constant 0 : i32
      %dma_start3A_224 = tpu.memref_slice %arg8[%add3A_180, %dma_start3A_223] : memref<40x125xi32, #tpu.memory_space<vmem>> -> memref<1x125xi32, #tpu.memory_space<vmem>>
      %dma_start3A_225 = tpu.memref_squeeze %dma_start3A_224 : memref<1x125xi32, #tpu.memory_space<vmem>> -> memref<125xi32, #tpu.memory_space<vmem>>
      %dma_start3A_226 = arith.constant 0 : i32
      %dma_start3A_227 = arith.constant 0 : i32
      %dma_start3A_228 = tpu.memref_slice %arg11[%dma_start3A_226, %dma_start3A_227] : memref<10000x128xf32, #tpu.memory_space<vmem_shared>> -> memref<10000x128xf32, #tpu.memory_space<vmem_shared>>
      tpu.enqueue_indirect_dma source(%arg10 : memref<125x128xf32, #tpu.memory_space<vmem>>) target(%dma_start3A_228 : memref<10000x128xf32, #tpu.memory_space<vmem_shared>>) offsets(%dma_start3A_225 : memref<125xi32, #tpu.memory_space<vmem>>) semaphore(%arg14 : memref<!tpu.dma_semaphore, #tpu.memory_space<semaphore_mem>>) {add = true}
    }
    %scan3A_87 = arith.constant 19 : i32
    %dma_wait3A_88 = arith.constant 0 : i32
    %dma_wait3A_89 = arith.constant 0 : i32
    %dma_wait3A_90 = tpu.memref_slice %arg8[%dma_wait3A_88, %dma_wait3A_89] : memref<40x125xi32, #tpu.memory_space<vmem>> -> memref<1x125xi32, #tpu.memory_space<vmem>>
    %dma_wait3A_91 = tpu.memref_squeeze %dma_wait3A_90 : memref<1x125xi32, #tpu.memory_space<vmem>> -> memref<125xi32, #tpu.memory_space<vmem>>
    %dma_wait3A_92 = arith.constant 0 : i32
    %dma_wait3A_93 = arith.constant 0 : i32
    %dma_wait3A_94 = tpu.memref_slice %arg11[%dma_wait3A_92, %dma_wait3A_93] : memref<10000x128xf32, #tpu.memory_space<vmem_shared>> -> memref<10000x128xf32, #tpu.memory_space<vmem_shared>>
    tpu.wait_indirect_dma semaphore(%arg13 : memref<!tpu.dma_semaphore, #tpu.memory_space<semaphore_mem>>) src(%arg9 : memref<125x128xf32, #tpu.memory_space<vmem>>) dst(%dma_wait3A_94 : memref<10000x128xf32, #tpu.memory_space<vmem_shared>>)
    %dma_wait3A_95 = arith.constant 1 : i32
    %dma_wait3A_96 = arith.constant 0 : i32
    %dma_wait3A_97 = tpu.memref_slice %arg8[%dma_wait3A_95, %dma_wait3A_96] : memref<40x125xi32, #tpu.memory_space<vmem>> -> memref<1x125xi32, #tpu.memory_space<vmem>>
    %dma_wait3A_98 = tpu.memref_squeeze %dma_wait3A_97 : memref<1x125xi32, #tpu.memory_space<vmem>> -> memref<125xi32, #tpu.memory_space<vmem>>
    %dma_wait3A_99 = arith.constant 0 : i32
    %dma_wait3A_100 = arith.constant 0 : i32
    %dma_wait3A_101 = tpu.memref_slice %arg11[%dma_wait3A_99, %dma_wait3A_100] : memref<10000x128xf32, #tpu.memory_space<vmem_shared>> -> memref<10000x128xf32, #tpu.memory_space<vmem_shared>>
    tpu.wait_indirect_dma semaphore(%arg14 : memref<!tpu.dma_semaphore, #tpu.memory_space<semaphore_mem>>) src(%arg10 : memref<125x128xf32, #tpu.memory_space<vmem>>) dst(%dma_wait3A_101 : memref<10000x128xf32, #tpu.memory_space<vmem_shared>>)
    %run_scoped3A = arith.constant 1 : i32
    "tpu.region"() ({
      %run_scoped3A_176 = tpu.sem_alloc : memref<!tpu.dma_semaphore, #tpu.memory_space<semaphore_mem>>
      %dma_start3A_177 = arith.constant 0 : i32
      %dma_start3A_178 = arith.constant 0 : i32
      %dma_start3A_179 = tpu.memref_slice %arg3[%add3A, %run_scoped3A, %dma_start3A_177, %dma_start3A_178] : memref<32x2x40x125xi32, #tpu.memory_space<hbm>> -> memref<1x1x40x125xi32, #tpu.memory_space<hbm>>
      %dma_start3A_180 = tpu.memref_squeeze %dma_start3A_179 : memref<1x1x40x125xi32, #tpu.memory_space<hbm>> -> memref<40x125xi32, #tpu.memory_space<hbm>>
      %dma_start3A_181 = arith.constant 0 : i32
      %dma_start3A_182 = arith.constant 0 : i32
      %dma_start3A_183 = tpu.memref_slice %arg3[%add3A, %run_scoped3A, %dma_start3A_181, %dma_start3A_182] : memref<32x2x40x125xi32, #tpu.memory_space<hbm>> -> memref<1x1x40x125xi32, #tpu.memory_space<hbm>>
      %dma_start3A_184 = tpu.memref_squeeze %dma_start3A_183 : memref<1x1x40x125xi32, #tpu.memory_space<hbm>> -> memref<40x125xi32, #tpu.memory_space<hbm>>
      tpu.enqueue_dma source(%dma_start3A_184 : memref<40x125xi32, #tpu.memory_space<hbm>>) target(%arg7 : memref<40x125xi32, #tpu.memory_space<vmem>>) target_semaphore(%run_scoped3A_176 : memref<!tpu.dma_semaphore, #tpu.memory_space<semaphore_mem>>)
      %dma_wait3A_185 = arith.constant 0 : i32
      %dma_wait3A_186 = arith.constant 0 : i32
      %dma_wait3A_187 = tpu.memref_slice %arg3[%add3A, %run_scoped3A, %dma_wait3A_185, %dma_wait3A_186] : memref<32x2x40x125xi32, #tpu.memory_space<hbm>> -> memref<1x1x40x125xi32, #tpu.memory_space<hbm>>
      %dma_wait3A_188 = tpu.memref_squeeze %dma_wait3A_187 : memref<1x1x40x125xi32, #tpu.memory_space<hbm>> -> memref<40x125xi32, #tpu.memory_space<hbm>>
      %dma_wait3A_189 = arith.constant 0 : i32
      %dma_wait3A_190 = arith.constant 0 : i32
      %dma_wait3A_191 = tpu.memref_slice %arg3[%add3A, %run_scoped3A, %dma_wait3A_189, %dma_wait3A_190] : memref<32x2x40x125xi32, #tpu.memory_space<hbm>> -> memref<1x1x40x125xi32, #tpu.memory_space<hbm>>
      %dma_wait3A_192 = tpu.memref_squeeze %dma_wait3A_191 : memref<1x1x40x125xi32, #tpu.memory_space<hbm>> -> memref<40x125xi32, #tpu.memory_space<hbm>>
      tpu.wait_dma2 semaphore(%run_scoped3A_176 : memref<!tpu.dma_semaphore, #tpu.memory_space<semaphore_mem>>) src(%dma_wait3A_192 : memref<40x125xi32, #tpu.memory_space<hbm>>) dst(%arg7 : memref<40x125xi32, #tpu.memory_space<vmem>>)
      tpu.yield
    }) : () -> ()
    %run_scoped3A_102 = arith.constant 1 : i32
    "tpu.region"() ({
      %run_scoped3A_176 = tpu.sem_alloc : memref<!tpu.dma_semaphore, #tpu.memory_space<semaphore_mem>>
      %dma_start3A_177 = arith.constant 0 : i32
      %dma_start3A_178 = arith.constant 0 : i32
      %dma_start3A_179 = tpu.memref_slice %arg4[%add3A, %run_scoped3A_102, %dma_start3A_177, %dma_start3A_178] : memref<32x2x40x125xi32, #tpu.memory_space<hbm>> -> memref<1x1x40x125xi32, #tpu.memory_space<hbm>>
      %dma_start3A_180 = tpu.memref_squeeze %dma_start3A_179 : memref<1x1x40x125xi32, #tpu.memory_space<hbm>> -> memref<40x125xi32, #tpu.memory_space<hbm>>
      %dma_start3A_181 = arith.constant 0 : i32
      %dma_start3A_182 = arith.constant 0 : i32
      %dma_start3A_183 = tpu.memref_slice %arg4[%add3A, %run_scoped3A_102, %dma_start3A_181, %dma_start3A_182] : memref<32x2x40x125xi32, #tpu.memory_space<hbm>> -> memref<1x1x40x125xi32, #tpu.memory_space<hbm>>
      %dma_start3A_184 = tpu.memref_squeeze %dma_start3A_183 : memref<1x1x40x125xi32, #tpu.memory_space<hbm>> -> memref<40x125xi32, #tpu.memory_space<hbm>>
      tpu.enqueue_dma source(%dma_start3A_184 : memref<40x125xi32, #tpu.memory_space<hbm>>) target(%arg8 : memref<40x125xi32, #tpu.memory_space<vmem>>) target_semaphore(%run_scoped3A_176 : memref<!tpu.dma_semaphore, #tpu.memory_space<semaphore_mem>>)
      %dma_wait3A_185 = arith.constant 0 : i32
      %dma_wait3A_186 = arith.constant 0 : i32
      %dma_wait3A_187 = tpu.memref_slice %arg4[%add3A, %run_scoped3A_102, %dma_wait3A_185, %dma_wait3A_186] : memref<32x2x40x125xi32, #tpu.memory_space<hbm>> -> memref<1x1x40x125xi32, #tpu.memory_space<hbm>>
      %dma_wait3A_188 = tpu.memref_squeeze %dma_wait3A_187 : memref<1x1x40x125xi32, #tpu.memory_space<hbm>> -> memref<40x125xi32, #tpu.memory_space<hbm>>
      %dma_wait3A_189 = arith.constant 0 : i32
      %dma_wait3A_190 = arith.constant 0 : i32
      %dma_wait3A_191 = tpu.memref_slice %arg4[%add3A, %run_scoped3A_102, %dma_wait3A_189, %dma_wait3A_190] : memref<32x2x40x125xi32, #tpu.memory_space<hbm>> -> memref<1x1x40x125xi32, #tpu.memory_space<hbm>>
      %dma_wait3A_192 = tpu.memref_squeeze %dma_wait3A_191 : memref<1x1x40x125xi32, #tpu.memory_space<hbm>> -> memref<40x125xi32, #tpu.memory_space<hbm>>
      tpu.wait_dma2 semaphore(%run_scoped3A_176 : memref<!tpu.dma_semaphore, #tpu.memory_space<semaphore_mem>>) src(%dma_wait3A_192 : memref<40x125xi32, #tpu.memory_space<hbm>>) dst(%arg8 : memref<40x125xi32, #tpu.memory_space<vmem>>)
      tpu.yield
    }) : () -> ()
    %dma_start3A_103 = arith.constant 0 : i32
    %dma_start3A_104 = arith.constant 0 : i32
    %dma_start3A_105 = tpu.memref_slice %arg7[%dma_start3A_103, %dma_start3A_104] : memref<40x125xi32, #tpu.memory_space<vmem>> -> memref<1x125xi32, #tpu.memory_space<vmem>>
    %dma_start3A_106 = tpu.memref_squeeze %dma_start3A_105 : memref<1x125xi32, #tpu.memory_space<vmem>> -> memref<125xi32, #tpu.memory_space<vmem>>
    %dma_start3A_107 = arith.constant 0 : i32
    %dma_start3A_108 = arith.constant 0 : i32
    %dma_start3A_109 = tpu.memref_slice %arg2[%dma_start3A_107, %dma_start3A_108] : memref<10000x128xf32, #tpu.memory_space<hbm>> -> memref<10000x128xf32, #tpu.memory_space<hbm>>
    tpu.enqueue_indirect_dma source(%dma_start3A_109 : memref<10000x128xf32, #tpu.memory_space<hbm>>) target(%arg9 : memref<125x128xf32, #tpu.memory_space<vmem>>) offsets(%dma_start3A_106 : memref<125xi32, #tpu.memory_space<vmem>>) semaphore(%arg12 : memref<!tpu.dma_semaphore, #tpu.memory_space<semaphore_mem>>)
    %dma_wait3A_110 = arith.constant 0 : i32
    %dma_wait3A_111 = arith.constant 0 : i32
    %dma_wait3A_112 = tpu.memref_slice %arg7[%dma_wait3A_110, %dma_wait3A_111] : memref<40x125xi32, #tpu.memory_space<vmem>> -> memref<1x125xi32, #tpu.memory_space<vmem>>
    %dma_wait3A_113 = tpu.memref_squeeze %dma_wait3A_112 : memref<1x125xi32, #tpu.memory_space<vmem>> -> memref<125xi32, #tpu.memory_space<vmem>>
    %dma_wait3A_114 = arith.constant 0 : i32
    %dma_wait3A_115 = arith.constant 0 : i32
    %dma_wait3A_116 = tpu.memref_slice %arg2[%dma_wait3A_114, %dma_wait3A_115] : memref<10000x128xf32, #tpu.memory_space<hbm>> -> memref<10000x128xf32, #tpu.memory_space<hbm>>
    tpu.wait_indirect_dma semaphore(%arg12 : memref<!tpu.dma_semaphore, #tpu.memory_space<semaphore_mem>>) src(%dma_wait3A_116 : memref<10000x128xf32, #tpu.memory_space<hbm>>) dst(%arg9 : memref<125x128xf32, #tpu.memory_space<vmem>>)
    %dma_start3A_117 = arith.constant 0 : i32
    %dma_start3A_118 = arith.constant 0 : i32
    %dma_start3A_119 = tpu.memref_slice %arg8[%dma_start3A_117, %dma_start3A_118] : memref<40x125xi32, #tpu.memory_space<vmem>> -> memref<1x125xi32, #tpu.memory_space<vmem>>
    %dma_start3A_120 = tpu.memref_squeeze %dma_start3A_119 : memref<1x125xi32, #tpu.memory_space<vmem>> -> memref<125xi32, #tpu.memory_space<vmem>>
    %dma_start3A_121 = arith.constant 0 : i32
    %dma_start3A_122 = arith.constant 0 : i32
    %dma_start3A_123 = tpu.memref_slice %arg11[%dma_start3A_121, %dma_start3A_122] : memref<10000x128xf32, #tpu.memory_space<vmem_shared>> -> memref<10000x128xf32, #tpu.memory_space<vmem_shared>>
    tpu.enqueue_indirect_dma source(%arg9 : memref<125x128xf32, #tpu.memory_space<vmem>>) target(%dma_start3A_123 : memref<10000x128xf32, #tpu.memory_space<vmem_shared>>) offsets(%dma_start3A_120 : memref<125xi32, #tpu.memory_space<vmem>>) semaphore(%arg13 : memref<!tpu.dma_semaphore, #tpu.memory_space<semaphore_mem>>) {add = true}
    %dma_start3A_124 = arith.constant 1 : i32
    %dma_start3A_125 = arith.constant 0 : i32
    %dma_start3A_126 = tpu.memref_slice %arg7[%dma_start3A_124, %dma_start3A_125] : memref<40x125xi32, #tpu.memory_space<vmem>> -> memref<1x125xi32, #tpu.memory_space<vmem>>
    %dma_start3A_127 = tpu.memref_squeeze %dma_start3A_126 : memref<1x125xi32, #tpu.memory_space<vmem>> -> memref<125xi32, #tpu.memory_space<vmem>>
    %dma_start3A_128 = arith.constant 0 : i32
    %dma_start3A_129 = arith.constant 0 : i32
    %dma_start3A_130 = tpu.memref_slice %arg2[%dma_start3A_128, %dma_start3A_129] : memref<10000x128xf32, #tpu.memory_space<hbm>> -> memref<10000x128xf32, #tpu.memory_space<hbm>>
    tpu.enqueue_indirect_dma source(%dma_start3A_130 : memref<10000x128xf32, #tpu.memory_space<hbm>>) target(%arg10 : memref<125x128xf32, #tpu.memory_space<vmem>>) offsets(%dma_start3A_127 : memref<125xi32, #tpu.memory_space<vmem>>) semaphore(%arg12 : memref<!tpu.dma_semaphore, #tpu.memory_space<semaphore_mem>>)
    %dma_wait3A_131 = arith.constant 1 : i32
    %dma_wait3A_132 = arith.constant 0 : i32
    %dma_wait3A_133 = tpu.memref_slice %arg7[%dma_wait3A_131, %dma_wait3A_132] : memref<40x125xi32, #tpu.memory_space<vmem>> -> memref<1x125xi32, #tpu.memory_space<vmem>>
    %dma_wait3A_134 = tpu.memref_squeeze %dma_wait3A_133 : memref<1x125xi32, #tpu.memory_space<vmem>> -> memref<125xi32, #tpu.memory_space<vmem>>
    %dma_wait3A_135 = arith.constant 0 : i32
    %dma_wait3A_136 = arith.constant 0 : i32
    %dma_wait3A_137 = tpu.memref_slice %arg2[%dma_wait3A_135, %dma_wait3A_136] : memref<10000x128xf32, #tpu.memory_space<hbm>> -> memref<10000x128xf32, #tpu.memory_space<hbm>>
    tpu.wait_indirect_dma semaphore(%arg12 : memref<!tpu.dma_semaphore, #tpu.memory_space<semaphore_mem>>) src(%dma_wait3A_137 : memref<10000x128xf32, #tpu.memory_space<hbm>>) dst(%arg10 : memref<125x128xf32, #tpu.memory_space<vmem>>)
    %dma_start3A_138 = arith.constant 1 : i32
    %dma_start3A_139 = arith.constant 0 : i32
    %dma_start3A_140 = tpu.memref_slice %arg8[%dma_start3A_138, %dma_start3A_139] : memref<40x125xi32, #tpu.memory_space<vmem>> -> memref<1x125xi32, #tpu.memory_space<vmem>>
    %dma_start3A_141 = tpu.memref_squeeze %dma_start3A_140 : memref<1x125xi32, #tpu.memory_space<vmem>> -> memref<125xi32, #tpu.memory_space<vmem>>
    %dma_start3A_142 = arith.constant 0 : i32
    %dma_start3A_143 = arith.constant 0 : i32
    %dma_start3A_144 = tpu.memref_slice %arg11[%dma_start3A_142, %dma_start3A_143] : memref<10000x128xf32, #tpu.memory_space<vmem_shared>> -> memref<10000x128xf32, #tpu.memory_space<vmem_shared>>
    tpu.enqueue_indirect_dma source(%arg10 : memref<125x128xf32, #tpu.memory_space<vmem>>) target(%dma_start3A_144 : memref<10000x128xf32, #tpu.memory_space<vmem_shared>>) offsets(%dma_start3A_141 : memref<125xi32, #tpu.memory_space<vmem>>) semaphore(%arg14 : memref<!tpu.dma_semaphore, #tpu.memory_space<semaphore_mem>>) {add = true}
    %scan3A_145 = arith.constant 0 : i32
    %scan3A_146 = arith.constant 1 : i32
    %scan3A_147 = arith.constant 19 : i32
    %scan3A_148 = arith.addi %scan3A_146, %scan3A_147 : i32
    %scan3A_149 = arith.constant 1 : i32
    scf.for %scan3A_176 = %scan3A_146 to %scan3A_148 step %scan3A_149  : i32 {
      %mul3A_177 = arith.constant 2 : i32
      %mul3A_178 = arith.muli %mul3A_177, %scan3A_176 : i32
      %add3A_179 = arith.constant 1 : i32
      %add3A_180 = arith.addi %mul3A_178, %add3A_179 : i32
      %dma_wait3A_181 = arith.constant 0 : i32
      %dma_wait3A_182 = tpu.memref_slice %arg8[%mul3A_178, %dma_wait3A_181] : memref<40x125xi32, #tpu.memory_space<vmem>> -> memref<1x125xi32, #tpu.memory_space<vmem>>
      %dma_wait3A_183 = tpu.memref_squeeze %dma_wait3A_182 : memref<1x125xi32, #tpu.memory_space<vmem>> -> memref<125xi32, #tpu.memory_space<vmem>>
      %dma_wait3A_184 = arith.constant 0 : i32
      %dma_wait3A_185 = arith.constant 0 : i32
      %dma_wait3A_186 = tpu.memref_slice %arg11[%dma_wait3A_184, %dma_wait3A_185] : memref<10000x128xf32, #tpu.memory_space<vmem_shared>> -> memref<10000x128xf32, #tpu.memory_space<vmem_shared>>
      tpu.wait_indirect_dma semaphore(%arg13 : memref<!tpu.dma_semaphore, #tpu.memory_space<semaphore_mem>>) src(%arg9 : memref<125x128xf32, #tpu.memory_space<vmem>>) dst(%dma_wait3A_186 : memref<10000x128xf32, #tpu.memory_space<vmem_shared>>)
      %dma_start3A_187 = arith.constant 0 : i32
      %dma_start3A_188 = tpu.memref_slice %arg7[%mul3A_178, %dma_start3A_187] : memref<40x125xi32, #tpu.memory_space<vmem>> -> memref<1x125xi32, #tpu.memory_space<vmem>>
      %dma_start3A_189 = tpu.memref_squeeze %dma_start3A_188 : memref<1x125xi32, #tpu.memory_space<vmem>> -> memref<125xi32, #tpu.memory_space<vmem>>
      %dma_start3A_190 = arith.constant 0 : i32
      %dma_start3A_191 = arith.constant 0 : i32
      %dma_start3A_192 = tpu.memref_slice %arg2[%dma_start3A_190, %dma_start3A_191] : memref<10000x128xf32, #tpu.memory_space<hbm>> -> memref<10000x128xf32, #tpu.memory_space<hbm>>
      tpu.enqueue_indirect_dma source(%dma_start3A_192 : memref<10000x128xf32, #tpu.memory_space<hbm>>) target(%arg9 : memref<125x128xf32, #tpu.memory_space<vmem>>) offsets(%dma_start3A_189 : memref<125xi32, #tpu.memory_space<vmem>>) semaphore(%arg12 : memref<!tpu.dma_semaphore, #tpu.memory_space<semaphore_mem>>)
      %dma_wait3A_193 = arith.constant 0 : i32
      %dma_wait3A_194 = tpu.memref_slice %arg7[%mul3A_178, %dma_wait3A_193] : memref<40x125xi32, #tpu.memory_space<vmem>> -> memref<1x125xi32, #tpu.memory_space<vmem>>
      %dma_wait3A_195 = tpu.memref_squeeze %dma_wait3A_194 : memref<1x125xi32, #tpu.memory_space<vmem>> -> memref<125xi32, #tpu.memory_space<vmem>>
      %dma_wait3A_196 = arith.constant 0 : i32
      %dma_wait3A_197 = arith.constant 0 : i32
      %dma_wait3A_198 = tpu.memref_slice %arg2[%dma_wait3A_196, %dma_wait3A_197] : memref<10000x128xf32, #tpu.memory_space<hbm>> -> memref<10000x128xf32, #tpu.memory_space<hbm>>
      tpu.wait_indirect_dma semaphore(%arg12 : memref<!tpu.dma_semaphore, #tpu.memory_space<semaphore_mem>>) src(%dma_wait3A_198 : memref<10000x128xf32, #tpu.memory_space<hbm>>) dst(%arg9 : memref<125x128xf32, #tpu.memory_space<vmem>>)
      %dma_start3A_199 = arith.constant 0 : i32
      %dma_start3A_200 = tpu.memref_slice %arg8[%mul3A_178, %dma_start3A_199] : memref<40x125xi32, #tpu.memory_space<vmem>> -> memref<1x125xi32, #tpu.memory_space<vmem>>
      %dma_start3A_201 = tpu.memref_squeeze %dma_start3A_200 : memref<1x125xi32, #tpu.memory_space<vmem>> -> memref<125xi32, #tpu.memory_space<vmem>>
      %dma_start3A_202 = arith.constant 0 : i32
      %dma_start3A_203 = arith.constant 0 : i32
      %dma_start3A_204 = tpu.memref_slice %arg11[%dma_start3A_202, %dma_start3A_203] : memref<10000x128xf32, #tpu.memory_space<vmem_shared>> -> memref<10000x128xf32, #tpu.memory_space<vmem_shared>>
      tpu.enqueue_indirect_dma source(%arg9 : memref<125x128xf32, #tpu.memory_space<vmem>>) target(%dma_start3A_204 : memref<10000x128xf32, #tpu.memory_space<vmem_shared>>) offsets(%dma_start3A_201 : memref<125xi32, #tpu.memory_space<vmem>>) semaphore(%arg13 : memref<!tpu.dma_semaphore, #tpu.memory_space<semaphore_mem>>) {add = true}
      %dma_wait3A_205 = arith.constant 0 : i32
      %dma_wait3A_206 = tpu.memref_slice %arg8[%add3A_180, %dma_wait3A_205] : memref<40x125xi32, #tpu.memory_space<vmem>> -> memref<1x125xi32, #tpu.memory_space<vmem>>
      %dma_wait3A_207 = tpu.memref_squeeze %dma_wait3A_206 : memref<1x125xi32, #tpu.memory_space<vmem>> -> memref<125xi32, #tpu.memory_space<vmem>>
      %dma_wait3A_208 = arith.constant 0 : i32
      %dma_wait3A_209 = arith.constant 0 : i32
      %dma_wait3A_210 = tpu.memref_slice %arg11[%dma_wait3A_208, %dma_wait3A_209] : memref<10000x128xf32, #tpu.memory_space<vmem_shared>> -> memref<10000x128xf32, #tpu.memory_space<vmem_shared>>
      tpu.wait_indirect_dma semaphore(%arg14 : memref<!tpu.dma_semaphore, #tpu.memory_space<semaphore_mem>>) src(%arg10 : memref<125x128xf32, #tpu.memory_space<vmem>>) dst(%dma_wait3A_210 : memref<10000x128xf32, #tpu.memory_space<vmem_shared>>)
      %dma_start3A_211 = arith.constant 0 : i32
      %dma_start3A_212 = tpu.memref_slice %arg7[%add3A_180, %dma_start3A_211] : memref<40x125xi32, #tpu.memory_space<vmem>> -> memref<1x125xi32, #tpu.memory_space<vmem>>
      %dma_start3A_213 = tpu.memref_squeeze %dma_start3A_212 : memref<1x125xi32, #tpu.memory_space<vmem>> -> memref<125xi32, #tpu.memory_space<vmem>>
      %dma_start3A_214 = arith.constant 0 : i32
      %dma_start3A_215 = arith.constant 0 : i32
      %dma_start3A_216 = tpu.memref_slice %arg2[%dma_start3A_214, %dma_start3A_215] : memref<10000x128xf32, #tpu.memory_space<hbm>> -> memref<10000x128xf32, #tpu.memory_space<hbm>>
      tpu.enqueue_indirect_dma source(%dma_start3A_216 : memref<10000x128xf32, #tpu.memory_space<hbm>>) target(%arg10 : memref<125x128xf32, #tpu.memory_space<vmem>>) offsets(%dma_start3A_213 : memref<125xi32, #tpu.memory_space<vmem>>) semaphore(%arg12 : memref<!tpu.dma_semaphore, #tpu.memory_space<semaphore_mem>>)
      %dma_wait3A_217 = arith.constant 0 : i32
      %dma_wait3A_218 = tpu.memref_slice %arg7[%add3A_180, %dma_wait3A_217] : memref<40x125xi32, #tpu.memory_space<vmem>> -> memref<1x125xi32, #tpu.memory_space<vmem>>
      %dma_wait3A_219 = tpu.memref_squeeze %dma_wait3A_218 : memref<1x125xi32, #tpu.memory_space<vmem>> -> memref<125xi32, #tpu.memory_space<vmem>>
      %dma_wait3A_220 = arith.constant 0 : i32
      %dma_wait3A_221 = arith.constant 0 : i32
      %dma_wait3A_222 = tpu.memref_slice %arg2[%dma_wait3A_220, %dma_wait3A_221] : memref<10000x128xf32, #tpu.memory_space<hbm>> -> memref<10000x128xf32, #tpu.memory_space<hbm>>
      tpu.wait_indirect_dma semaphore(%arg12 : memref<!tpu.dma_semaphore, #tpu.memory_space<semaphore_mem>>) src(%dma_wait3A_222 : memref<10000x128xf32, #tpu.memory_space<hbm>>) dst(%arg10 : memref<125x128xf32, #tpu.memory_space<vmem>>)
      %dma_start3A_223 = arith.constant 0 : i32
      %dma_start3A_224 = tpu.memref_slice %arg8[%add3A_180, %dma_start3A_223] : memref<40x125xi32, #tpu.memory_space<vmem>> -> memref<1x125xi32, #tpu.memory_space<vmem>>
      %dma_start3A_225 = tpu.memref_squeeze %dma_start3A_224 : memref<1x125xi32, #tpu.memory_space<vmem>> -> memref<125xi32, #tpu.memory_space<vmem>>
      %dma_start3A_226 = arith.constant 0 : i32
      %dma_start3A_227 = arith.constant 0 : i32
      %dma_start3A_228 = tpu.memref_slice %arg11[%dma_start3A_226, %dma_start3A_227] : memref<10000x128xf32, #tpu.memory_space<vmem_shared>> -> memref<10000x128xf32, #tpu.memory_space<vmem_shared>>
      tpu.enqueue_indirect_dma source(%arg10 : memref<125x128xf32, #tpu.memory_space<vmem>>) target(%dma_start3A_228 : memref<10000x128xf32, #tpu.memory_space<vmem_shared>>) offsets(%dma_start3A_225 : memref<125xi32, #tpu.memory_space<vmem>>) semaphore(%arg14 : memref<!tpu.dma_semaphore, #tpu.memory_space<semaphore_mem>>) {add = true}
    }
    %scan3A_150 = arith.constant 19 : i32
    %dma_wait3A_151 = arith.constant 0 : i32
    %dma_wait3A_152 = arith.constant 0 : i32
    %dma_wait3A_153 = tpu.memref_slice %arg8[%dma_wait3A_151, %dma_wait3A_152] : memref<40x125xi32, #tpu.memory_space<vmem>> -> memref<1x125xi32, #tpu.memory_space<vmem>>
    %dma_wait3A_154 = tpu.memref_squeeze %dma_wait3A_153 : memref<1x125xi32, #tpu.memory_space<vmem>> -> memref<125xi32, #tpu.memory_space<vmem>>
    %dma_wait3A_155 = arith.constant 0 : i32
    %dma_wait3A_156 = arith.constant 0 : i32
    %dma_wait3A_157 = tpu.memref_slice %arg11[%dma_wait3A_155, %dma_wait3A_156] : memref<10000x128xf32, #tpu.memory_space<vmem_shared>> -> memref<10000x128xf32, #tpu.memory_space<vmem_shared>>
    tpu.wait_indirect_dma semaphore(%arg13 : memref<!tpu.dma_semaphore, #tpu.memory_space<semaphore_mem>>) src(%arg9 : memref<125x128xf32, #tpu.memory_space<vmem>>) dst(%dma_wait3A_157 : memref<10000x128xf32, #tpu.memory_space<vmem_shared>>)
    %dma_wait3A_158 = arith.constant 1 : i32
    %dma_wait3A_159 = arith.constant 0 : i32
    %dma_wait3A_160 = tpu.memref_slice %arg8[%dma_wait3A_158, %dma_wait3A_159] : memref<40x125xi32, #tpu.memory_space<vmem>> -> memref<1x125xi32, #tpu.memory_space<vmem>>
    %dma_wait3A_161 = tpu.memref_squeeze %dma_wait3A_160 : memref<1x125xi32, #tpu.memory_space<vmem>> -> memref<125xi32, #tpu.memory_space<vmem>>
    %dma_wait3A_162 = arith.constant 0 : i32
    %dma_wait3A_163 = arith.constant 0 : i32
    %dma_wait3A_164 = tpu.memref_slice %arg11[%dma_wait3A_162, %dma_wait3A_163] : memref<10000x128xf32, #tpu.memory_space<vmem_shared>> -> memref<10000x128xf32, #tpu.memory_space<vmem_shared>>
    tpu.wait_indirect_dma semaphore(%arg14 : memref<!tpu.dma_semaphore, #tpu.memory_space<semaphore_mem>>) src(%arg10 : memref<125x128xf32, #tpu.memory_space<vmem>>) dst(%dma_wait3A_164 : memref<10000x128xf32, #tpu.memory_space<vmem_shared>>)
    %barrier3A_165 = arith.constant 0 : index
    tpu.barrier barrier_id(%barrier3A_165)
    %lt3A_166 = arith.constant 15 : i32
    %lt3A_167 = arith.cmpi slt, %arg1, %lt3A_166 : i32
    %convert_element_type3A_168 = arith.extui %lt3A_167 : i1 to i32
    %cond3A_169 = arith.constant 0 : i32
    %cond3A_170 = arith.cmpi ne, %convert_element_type3A_168, %cond3A_169 : i32
    scf.if %cond3A_170 {
      %mul3A_176 = arith.constant 640 : i32
      %mul3A_177 = arith.muli %arg1, %mul3A_176 : i32
      %mul3A_178 = arith.constant 640 : i32
      %mul3A_179 = arith.muli %arg1, %mul3A_178 : i32
      "tpu.region"() ({
        %run_scoped3A_180 = tpu.sem_alloc : memref<!tpu.dma_semaphore, #tpu.memory_space<semaphore_mem>>
        %dma_start3A_181 = arith.constant 0 : i32
        %dma_start3A_182 = tpu.memref_slice %arg6[%arg0, %mul3A_179, %dma_start3A_181] : memref<2x10000x128xf32, #tpu.memory_space<hbm>> -> memref<1x640x128xf32, #tpu.memory_space<hbm>>
        %dma_start3A_183 = tpu.memref_squeeze %dma_start3A_182 : memref<1x640x128xf32, #tpu.memory_space<hbm>> -> memref<640x128xf32, #tpu.memory_space<hbm>>
        %dma_start3A_184 = arith.constant 0 : i32
        %dma_start3A_185 = tpu.memref_slice %arg11[%mul3A_177, %dma_start3A_184] : memref<10000x128xf32, #tpu.memory_space<vmem_shared>> -> memref<640x128xf32, #tpu.memory_space<vmem_shared>>
        tpu.enqueue_dma source(%dma_start3A_185 : memref<640x128xf32, #tpu.memory_space<vmem_shared>>) target(%dma_start3A_183 : memref<640x128xf32, #tpu.memory_space<hbm>>) target_semaphore(%run_scoped3A_180 : memref<!tpu.dma_semaphore, #tpu.memory_space<semaphore_mem>>)
        %dma_wait3A_186 = arith.constant 0 : i32
        %dma_wait3A_187 = tpu.memref_slice %arg6[%arg0, %mul3A_179, %dma_wait3A_186] : memref<2x10000x128xf32, #tpu.memory_space<hbm>> -> memref<1x640x128xf32, #tpu.memory_space<hbm>>
        %dma_wait3A_188 = tpu.memref_squeeze %dma_wait3A_187 : memref<1x640x128xf32, #tpu.memory_space<hbm>> -> memref<640x128xf32, #tpu.memory_space<hbm>>
        %dma_wait3A_189 = arith.constant 0 : i32
        %dma_wait3A_190 = tpu.memref_slice %arg11[%mul3A_177, %dma_wait3A_189] : memref<10000x128xf32, #tpu.memory_space<vmem_shared>> -> memref<640x128xf32, #tpu.memory_space<vmem_shared>>
        tpu.wait_dma2 semaphore(%run_scoped3A_180 : memref<!tpu.dma_semaphore, #tpu.memory_space<semaphore_mem>>) src(%dma_wait3A_190 : memref<640x128xf32, #tpu.memory_space<vmem_shared>>) dst(%dma_wait3A_188 : memref<640x128xf32, #tpu.memory_space<hbm>>)
        tpu.yield
      }) : () -> ()
    } else {
    }
    %eq3A_171 = arith.constant 15 : i32
    %eq3A_172 = arith.cmpi eq, %arg1, %eq3A_171 : i32
    %convert_element_type3A_173 = arith.extui %eq3A_172 : i1 to i32
    %cond3A_174 = arith.constant 0 : i32
    %cond3A_175 = arith.cmpi ne, %convert_element_type3A_173, %cond3A_174 : i32
    scf.if %cond3A_175 {
      "tpu.region"() ({
        %run_scoped3A_176 = tpu.sem_alloc : memref<!tpu.dma_semaphore, #tpu.memory_space<semaphore_mem>>
        %dma_start3A_177 = arith.constant 9600 : i32
        %dma_start3A_178 = arith.constant 0 : i32
        %dma_start3A_179 = tpu.memref_slice %arg6[%arg0, %dma_start3A_177, %dma_start3A_178] : memref<2x10000x128xf32, #tpu.memory_space<hbm>> -> memref<1x400x128xf32, #tpu.memory_space<hbm>>
        %dma_start3A_180 = tpu.memref_squeeze %dma_start3A_179 : memref<1x400x128xf32, #tpu.memory_space<hbm>> -> memref<400x128xf32, #tpu.memory_space<hbm>>
        %dma_start3A_181 = arith.constant 9600 : i32
        %dma_start3A_182 = arith.constant 0 : i32
        %dma_start3A_183 = tpu.memref_slice %arg11[%dma_start3A_181, %dma_start3A_182] : memref<10000x128xf32, #tpu.memory_space<vmem_shared>> -> memref<400x128xf32, #tpu.memory_space<vmem_shared>>
        tpu.enqueue_dma source(%dma_start3A_183 : memref<400x128xf32, #tpu.memory_space<vmem_shared>>) target(%dma_start3A_180 : memref<400x128xf32, #tpu.memory_space<hbm>>) target_semaphore(%run_scoped3A_176 : memref<!tpu.dma_semaphore, #tpu.memory_space<semaphore_mem>>)
        %dma_wait3A_184 = arith.constant 9600 : i32
        %dma_wait3A_185 = arith.constant 0 : i32
        %dma_wait3A_186 = tpu.memref_slice %arg6[%arg0, %dma_wait3A_184, %dma_wait3A_185] : memref<2x10000x128xf32, #tpu.memory_space<hbm>> -> memref<1x400x128xf32, #tpu.memory_space<hbm>>
        %dma_wait3A_187 = tpu.memref_squeeze %dma_wait3A_186 : memref<1x400x128xf32, #tpu.memory_space<hbm>> -> memref<400x128xf32, #tpu.memory_space<hbm>>
        %dma_wait3A_188 = arith.constant 9600 : i32
        %dma_wait3A_189 = arith.constant 0 : i32
        %dma_wait3A_190 = tpu.memref_slice %arg11[%dma_wait3A_188, %dma_wait3A_189] : memref<10000x128xf32, #tpu.memory_space<vmem_shared>> -> memref<400x128xf32, #tpu.memory_space<vmem_shared>>
        tpu.wait_dma2 semaphore(%run_scoped3A_176 : memref<!tpu.dma_semaphore, #tpu.memory_space<semaphore_mem>>) src(%dma_wait3A_190 : memref<400x128xf32, #tpu.memory_space<vmem_shared>>) dst(%dma_wait3A_187 : memref<400x128xf32, #tpu.memory_space<hbm>>)
        tpu.yield
      }) : () -> ()
    } else {
    }
    return
  }
}

module attributes {stable_mosaic.version = 14 : i64} {
  func.func @_tc_layer_body(%arg0: memref<10000x128xf32, #tpu.memory_space<vmem>>, %arg1: memref<2x10000x128xf32, #tpu.memory_space<vmem>>, %arg2: memref<128x128xf32, #tpu.memory_space<vmem>>, %arg3: memref<1x128xf32, #tpu.memory_space<vmem>>, %arg4: memref<128x128xf32, #tpu.memory_space<vmem>>, %arg5: memref<1x128xf32, #tpu.memory_space<vmem>>, %arg6: memref<1x128xf32, #tpu.memory_space<vmem>>, %arg7: memref<1x128xf32, #tpu.memory_space<vmem>>, %arg8: memref<1x1xf32, #tpu.memory_space<vmem>>, %arg9: memref<10000x128xf32, #tpu.memory_space<vmem>>) attributes {dimension_semantics = [], scalar_prefetch = 0 : i64, scratch_operands = 0 : i64, tpu.core_type = #tpu.core_type<tc>} {
    %get3A = arith.constant 0 : index
    %get3A_0 = arith.constant 0 : index
    %get3A_1 = vector.load %arg8[%get3A, %get3A_0] : memref<1x1xf32, #tpu.memory_space<vmem>>, vector<1x1xf32>
    %get3A_2 = vector.extract %get3A_1[0, 0] : f32 from vector<1x1xf32>
    %add3A = arith.constant 1.000000e+00 : f32
    %add3A_3 = arith.addf %add3A, %get3A_2 : f32
    %get3A_4 = arith.constant 0 : index
    %get3A_5 = arith.constant 0 : index
    %get3A_6 = vector.load %arg0[%get3A_4, %get3A_5] : memref<10000x128xf32, #tpu.memory_space<vmem>>, vector<10000x128xf32>
    %mul3A = vector.broadcast %add3A_3 : f32 to vector<10000x128xf32>
    %mul3A_7 = arith.mulf %mul3A, %get3A_6 : vector<10000x128xf32>
    %get3A_8 = arith.constant 0 : index
    %get3A_9 = arith.constant 0 : index
    %get3A_10 = arith.constant 0 : index
    %get3A_11 = vector.load %arg1[%get3A_8, %get3A_9, %get3A_10] : memref<2x10000x128xf32, #tpu.memory_space<vmem>>, vector<1x10000x128xf32>
    %get3A_12 = vector.shape_cast %get3A_11 : vector<1x10000x128xf32> to vector<10000x128xf32>
    %add3A_13 = arith.addf %mul3A_7, %get3A_12 : vector<10000x128xf32>
    %get3A_14 = arith.constant 1 : index
    %get3A_15 = arith.constant 0 : index
    %get3A_16 = arith.constant 0 : index
    %get3A_17 = vector.load %arg1[%get3A_14, %get3A_15, %get3A_16] : memref<2x10000x128xf32, #tpu.memory_space<vmem>>, vector<1x10000x128xf32>
    %get3A_18 = vector.shape_cast %get3A_17 : vector<1x10000x128xf32> to vector<10000x128xf32>
    %add3A_19 = arith.addf %add3A_13, %get3A_18 : vector<10000x128xf32>
    %get3A_20 = arith.constant 0 : index
    %get3A_21 = arith.constant 0 : index
    %get3A_22 = vector.load %arg2[%get3A_20, %get3A_21] : memref<128x128xf32, #tpu.memory_space<vmem>>, vector<128x128xf32>
    %dot_general3A = arith.constant dense<0.000000e+00> : vector<10000x128xf32>
    %dot_general3A_23 = tpu.matmul %add3A_19, %get3A_22, %dot_general3A {dimension_numbers = #tpu.dot_dimension_numbers<[1], [0], [0], [1], [0, 0, 1, 1], [], []>, transpose_lhs_hint = false} : vector<10000x128xf32>, vector<128x128xf32>, vector<10000x128xf32> -> vector<10000x128xf32>
    %get3A_24 = arith.constant 0 : index
    %get3A_25 = arith.constant 0 : index
    %get3A_26 = vector.load %arg3[%get3A_24, %get3A_25] : memref<1x128xf32, #tpu.memory_space<vmem>>, vector<1x128xf32>
    %add3A_27 = vector.broadcast %get3A_26 : vector<1x128xf32> to vector<10000x128xf32>
    %add3A_28 = arith.addf %dot_general3A_23, %add3A_27 : vector<10000x128xf32>
    %max3A = arith.constant 0.000000e+00 : f32
    %max3A_29 = vector.broadcast %max3A : f32 to vector<10000x128xf32>
    %max3A_30 = arith.maximumf %add3A_28, %max3A_29 : vector<10000x128xf32>
    %get3A_31 = arith.constant 0 : index
    %get3A_32 = arith.constant 0 : index
    %get3A_33 = vector.load %arg4[%get3A_31, %get3A_32] : memref<128x128xf32, #tpu.memory_space<vmem>>, vector<128x128xf32>
    %dot_general3A_34 = arith.constant dense<0.000000e+00> : vector<10000x128xf32>
    %dot_general3A_35 = tpu.matmul %max3A_30, %get3A_33, %dot_general3A_34 {dimension_numbers = #tpu.dot_dimension_numbers<[1], [0], [0], [1], [0, 0, 1, 1], [], []>, transpose_lhs_hint = false} : vector<10000x128xf32>, vector<128x128xf32>, vector<10000x128xf32> -> vector<10000x128xf32>
    %get3A_36 = arith.constant 0 : index
    %get3A_37 = arith.constant 0 : index
    %get3A_38 = vector.load %arg5[%get3A_36, %get3A_37] : memref<1x128xf32, #tpu.memory_space<vmem>>, vector<1x128xf32>
    %add3A_39 = vector.broadcast %get3A_38 : vector<1x128xf32> to vector<10000x128xf32>
    %add3A_40 = arith.addf %dot_general3A_35, %add3A_39 : vector<10000x128xf32>
    %max3A_41 = arith.constant 0.000000e+00 : f32
    %max3A_42 = vector.broadcast %max3A_41 : f32 to vector<10000x128xf32>
    %max3A_43 = arith.maximumf %add3A_40, %max3A_42 : vector<10000x128xf32>
    %reduce_sum3A = arith.constant dense<0.000000e+00> : vector<128xf32>
    %reduce_sum3A_44 = vector.multi_reduction <add>, %max3A_43, %reduce_sum3A [0] : vector<10000x128xf32> to vector<128xf32>
    %broadcast_in_dim3A = vector.shape_cast %reduce_sum3A_44 : vector<128xf32> to vector<1x128xf32>
    %div3A = arith.constant 1.000000e+04 : f32
    %div3A_45 = vector.broadcast %div3A : f32 to vector<1x128xf32>
    %div3A_46 = arith.divf %broadcast_in_dim3A, %div3A_45 : vector<1x128xf32>
    %sub3A = vector.broadcast %div3A_46 : vector<1x128xf32> to vector<10000x128xf32>
    %sub3A_47 = arith.subf %max3A_43, %sub3A : vector<10000x128xf32>
    %sub3A_48 = vector.broadcast %div3A_46 : vector<1x128xf32> to vector<10000x128xf32>
    %sub3A_49 = arith.subf %max3A_43, %sub3A_48 : vector<10000x128xf32>
    %mul3A_50 = arith.mulf %sub3A_47, %sub3A_49 : vector<10000x128xf32>
    %reduce_sum3A_51 = arith.constant dense<0.000000e+00> : vector<128xf32>
    %reduce_sum3A_52 = vector.multi_reduction <add>, %mul3A_50, %reduce_sum3A_51 [0] : vector<10000x128xf32> to vector<128xf32>
    %broadcast_in_dim3A_53 = vector.shape_cast %reduce_sum3A_52 : vector<128xf32> to vector<1x128xf32>
    %div3A_54 = arith.constant 1.000000e+04 : f32
    %div3A_55 = vector.broadcast %div3A_54 : f32 to vector<1x128xf32>
    %div3A_56 = arith.divf %broadcast_in_dim3A_53, %div3A_55 : vector<1x128xf32>
    %sub3A_57 = vector.broadcast %div3A_46 : vector<1x128xf32> to vector<10000x128xf32>
    %sub3A_58 = arith.subf %max3A_43, %sub3A_57 : vector<10000x128xf32>
    %add3A_59 = arith.constant 9.99999974E-6 : f32
    %add3A_60 = vector.broadcast %add3A_59 : f32 to vector<1x128xf32>
    %add3A_61 = arith.addf %div3A_56, %add3A_60 : vector<1x128xf32>
    %rsqrt3A = math.rsqrt %add3A_61 : vector<1x128xf32>
    %mul3A_62 = vector.broadcast %rsqrt3A : vector<1x128xf32> to vector<10000x128xf32>
    %mul3A_63 = arith.mulf %sub3A_58, %mul3A_62 : vector<10000x128xf32>
    %get3A_64 = arith.constant 0 : index
    %get3A_65 = arith.constant 0 : index
    %get3A_66 = vector.load %arg6[%get3A_64, %get3A_65] : memref<1x128xf32, #tpu.memory_space<vmem>>, vector<1x128xf32>
    %mul3A_67 = vector.broadcast %get3A_66 : vector<1x128xf32> to vector<10000x128xf32>
    %mul3A_68 = arith.mulf %mul3A_63, %mul3A_67 : vector<10000x128xf32>
    %get3A_69 = arith.constant 0 : index
    %get3A_70 = arith.constant 0 : index
    %get3A_71 = vector.load %arg7[%get3A_69, %get3A_70] : memref<1x128xf32, #tpu.memory_space<vmem>>, vector<1x128xf32>
    %add3A_72 = vector.broadcast %get3A_71 : vector<1x128xf32> to vector<10000x128xf32>
    %add3A_73 = arith.addf %mul3A_68, %add3A_72 : vector<10000x128xf32>
    %swap3A = arith.constant 0 : index
    %swap3A_74 = arith.constant 0 : index
    %swap3A_75 = vector.load %arg9[%swap3A, %swap3A_74] : memref<10000x128xf32, #tpu.memory_space<vmem>>, vector<10000x128xf32>
    tpu.vector_store %arg9[%swap3A, %swap3A_74], %add3A_73 {strides = array<i32>} : memref<10000x128xf32, #tpu.memory_space<vmem>>, vector<10000x128xf32>,
    return
  }
}

module attributes {stable_mosaic.version = 14 : i64} {
  func.func @_tc_last_body(%arg0: memref<10000x128xf32, #tpu.memory_space<vmem>>, %arg1: memref<2x10000x128xf32, #tpu.memory_space<vmem>>, %arg2: memref<128x128xf32, #tpu.memory_space<vmem>>, %arg3: memref<1x128xf32, #tpu.memory_space<vmem>>, %arg4: memref<128x128xf32, #tpu.memory_space<vmem>>, %arg5: memref<1x128xf32, #tpu.memory_space<vmem>>, %arg6: memref<1x128xf32, #tpu.memory_space<vmem>>, %arg7: memref<1x128xf32, #tpu.memory_space<vmem>>, %arg8: memref<1x1xf32, #tpu.memory_space<vmem>>, %arg9: memref<1x10000xi32, #tpu.memory_space<vmem>>, %arg10: memref<128x128xf32, #tpu.memory_space<vmem>>, %arg11: memref<1x128xf32, #tpu.memory_space<vmem>>, %arg12: memref<128x40xf32, #tpu.memory_space<vmem>>, %arg13: memref<1x40xf32, #tpu.memory_space<vmem>>, %arg14: memref<64x40xf32, #tpu.memory_space<vmem>>) attributes {dimension_semantics = [], scalar_prefetch = 0 : i64, scratch_operands = 0 : i64, tpu.core_type = #tpu.core_type<tc>} {
    %get3A = arith.constant 0 : index
    %get3A_0 = arith.constant 0 : index
    %get3A_1 = vector.load %arg8[%get3A, %get3A_0] : memref<1x1xf32, #tpu.memory_space<vmem>>, vector<1x1xf32>
    %get3A_2 = vector.extract %get3A_1[0, 0] : f32 from vector<1x1xf32>
    %add3A = arith.constant 1.000000e+00 : f32
    %add3A_3 = arith.addf %add3A, %get3A_2 : f32
    %get3A_4 = arith.constant 0 : index
    %get3A_5 = arith.constant 0 : index
    %get3A_6 = vector.load %arg0[%get3A_4, %get3A_5] : memref<10000x128xf32, #tpu.memory_space<vmem>>, vector<10000x128xf32>
    %mul3A = vector.broadcast %add3A_3 : f32 to vector<10000x128xf32>
    %mul3A_7 = arith.mulf %mul3A, %get3A_6 : vector<10000x128xf32>
    %get3A_8 = arith.constant 0 : index
    %get3A_9 = arith.constant 0 : index
    %get3A_10 = arith.constant 0 : index
    %get3A_11 = vector.load %arg1[%get3A_8, %get3A_9, %get3A_10] : memref<2x10000x128xf32, #tpu.memory_space<vmem>>, vector<1x10000x128xf32>
    %get3A_12 = vector.shape_cast %get3A_11 : vector<1x10000x128xf32> to vector<10000x128xf32>
    %add3A_13 = arith.addf %mul3A_7, %get3A_12 : vector<10000x128xf32>
    %get3A_14 = arith.constant 1 : index
    %get3A_15 = arith.constant 0 : index
    %get3A_16 = arith.constant 0 : index
    %get3A_17 = vector.load %arg1[%get3A_14, %get3A_15, %get3A_16] : memref<2x10000x128xf32, #tpu.memory_space<vmem>>, vector<1x10000x128xf32>
    %get3A_18 = vector.shape_cast %get3A_17 : vector<1x10000x128xf32> to vector<10000x128xf32>
    %add3A_19 = arith.addf %add3A_13, %get3A_18 : vector<10000x128xf32>
    %get3A_20 = arith.constant 0 : index
    %get3A_21 = arith.constant 0 : index
    %get3A_22 = vector.load %arg2[%get3A_20, %get3A_21] : memref<128x128xf32, #tpu.memory_space<vmem>>, vector<128x128xf32>
    %dot_general3A = arith.constant dense<0.000000e+00> : vector<10000x128xf32>
    %dot_general3A_23 = tpu.matmul %add3A_19, %get3A_22, %dot_general3A {dimension_numbers = #tpu.dot_dimension_numbers<[1], [0], [0], [1], [0, 0, 1, 1], [], []>, transpose_lhs_hint = false} : vector<10000x128xf32>, vector<128x128xf32>, vector<10000x128xf32> -> vector<10000x128xf32>
    %get3A_24 = arith.constant 0 : index
    %get3A_25 = arith.constant 0 : index
    %get3A_26 = vector.load %arg3[%get3A_24, %get3A_25] : memref<1x128xf32, #tpu.memory_space<vmem>>, vector<1x128xf32>
    %add3A_27 = vector.broadcast %get3A_26 : vector<1x128xf32> to vector<10000x128xf32>
    %add3A_28 = arith.addf %dot_general3A_23, %add3A_27 : vector<10000x128xf32>
    %max3A = arith.constant 0.000000e+00 : f32
    %max3A_29 = vector.broadcast %max3A : f32 to vector<10000x128xf32>
    %max3A_30 = arith.maximumf %add3A_28, %max3A_29 : vector<10000x128xf32>
    %get3A_31 = arith.constant 0 : index
    %get3A_32 = arith.constant 0 : index
    %get3A_33 = vector.load %arg4[%get3A_31, %get3A_32] : memref<128x128xf32, #tpu.memory_space<vmem>>, vector<128x128xf32>
    %dot_general3A_34 = arith.constant dense<0.000000e+00> : vector<10000x128xf32>
    %dot_general3A_35 = tpu.matmul %max3A_30, %get3A_33, %dot_general3A_34 {dimension_numbers = #tpu.dot_dimension_numbers<[1], [0], [0], [1], [0, 0, 1, 1], [], []>, transpose_lhs_hint = false} : vector<10000x128xf32>, vector<128x128xf32>, vector<10000x128xf32> -> vector<10000x128xf32>
    %get3A_36 = arith.constant 0 : index
    %get3A_37 = arith.constant 0 : index
    %get3A_38 = vector.load %arg5[%get3A_36, %get3A_37] : memref<1x128xf32, #tpu.memory_space<vmem>>, vector<1x128xf32>
    %add3A_39 = vector.broadcast %get3A_38 : vector<1x128xf32> to vector<10000x128xf32>
    %add3A_40 = arith.addf %dot_general3A_35, %add3A_39 : vector<10000x128xf32>
    %max3A_41 = arith.constant 0.000000e+00 : f32
    %max3A_42 = vector.broadcast %max3A_41 : f32 to vector<10000x128xf32>
    %max3A_43 = arith.maximumf %add3A_40, %max3A_42 : vector<10000x128xf32>
    %reduce_sum3A = arith.constant dense<0.000000e+00> : vector<128xf32>
    %reduce_sum3A_44 = vector.multi_reduction <add>, %max3A_43, %reduce_sum3A [0] : vector<10000x128xf32> to vector<128xf32>
    %broadcast_in_dim3A = vector.shape_cast %reduce_sum3A_44 : vector<128xf32> to vector<1x128xf32>
    %div3A = arith.constant 1.000000e+04 : f32
    %div3A_45 = vector.broadcast %div3A : f32 to vector<1x128xf32>
    %div3A_46 = arith.divf %broadcast_in_dim3A, %div3A_45 : vector<1x128xf32>
    %sub3A = vector.broadcast %div3A_46 : vector<1x128xf32> to vector<10000x128xf32>
    %sub3A_47 = arith.subf %max3A_43, %sub3A : vector<10000x128xf32>
    %sub3A_48 = vector.broadcast %div3A_46 : vector<1x128xf32> to vector<10000x128xf32>
    %sub3A_49 = arith.subf %max3A_43, %sub3A_48 : vector<10000x128xf32>
    %mul3A_50 = arith.mulf %sub3A_47, %sub3A_49 : vector<10000x128xf32>
    %reduce_sum3A_51 = arith.constant dense<0.000000e+00> : vector<128xf32>
    %reduce_sum3A_52 = vector.multi_reduction <add>, %mul3A_50, %reduce_sum3A_51 [0] : vector<10000x128xf32> to vector<128xf32>
    %broadcast_in_dim3A_53 = vector.shape_cast %reduce_sum3A_52 : vector<128xf32> to vector<1x128xf32>
    %div3A_54 = arith.constant 1.000000e+04 : f32
    %div3A_55 = vector.broadcast %div3A_54 : f32 to vector<1x128xf32>
    %div3A_56 = arith.divf %broadcast_in_dim3A_53, %div3A_55 : vector<1x128xf32>
    %sub3A_57 = vector.broadcast %div3A_46 : vector<1x128xf32> to vector<10000x128xf32>
    %sub3A_58 = arith.subf %max3A_43, %sub3A_57 : vector<10000x128xf32>
    %add3A_59 = arith.constant 9.99999974E-6 : f32
    %add3A_60 = vector.broadcast %add3A_59 : f32 to vector<1x128xf32>
    %add3A_61 = arith.addf %div3A_56, %add3A_60 : vector<1x128xf32>
    %rsqrt3A = math.rsqrt %add3A_61 : vector<1x128xf32>
    %mul3A_62 = vector.broadcast %rsqrt3A : vector<1x128xf32> to vector<10000x128xf32>
    %mul3A_63 = arith.mulf %sub3A_58, %mul3A_62 : vector<10000x128xf32>
    %get3A_64 = arith.constant 0 : index
    %get3A_65 = arith.constant 0 : index
    %get3A_66 = vector.load %arg6[%get3A_64, %get3A_65] : memref<1x128xf32, #tpu.memory_space<vmem>>, vector<1x128xf32>
    %mul3A_67 = vector.broadcast %get3A_66 : vector<1x128xf32> to vector<10000x128xf32>
    %mul3A_68 = arith.mulf %mul3A_63, %mul3A_67 : vector<10000x128xf32>
    %get3A_69 = arith.constant 0 : index
    %get3A_70 = arith.constant 0 : index
    %get3A_71 = vector.load %arg7[%get3A_69, %get3A_70] : memref<1x128xf32, #tpu.memory_space<vmem>>, vector<1x128xf32>
    %add3A_72 = vector.broadcast %get3A_71 : vector<1x128xf32> to vector<10000x128xf32>
    %add3A_73 = arith.addf %mul3A_68, %add3A_72 : vector<10000x128xf32>
    %iota3A = tpu.iota {dimensions = array<i32: 0>} : vector<64x10000xi32>
    %get3A_74 = arith.constant 0 : index
    %get3A_75 = arith.constant 0 : index
    %get3A_76 = vector.load %arg9[%get3A_74, %get3A_75] : memref<1x10000xi32, #tpu.memory_space<vmem>>, vector<1x10000xi32>
    %eq3A = vector.broadcast %get3A_76 : vector<1x10000xi32> to vector<64x10000xi32>
    %eq3A_77 = arith.cmpi eq, %iota3A, %eq3A : vector<64x10000xi32>
    %convert_element_type3A = arith.extui %eq3A_77 : vector<64x10000xi1> to vector<64x10000xi32>
    %convert_element_type3A_78 = arith.sitofp %convert_element_type3A : vector<64x10000xi32> to vector<64x10000xf32>
    %reduce_sum3A_79 = arith.constant dense<0.000000e+00> : vector<64xf32>
    %reduce_sum3A_80 = vector.multi_reduction <add>, %convert_element_type3A_78, %reduce_sum3A_79 [1] : vector<64x10000xf32> to vector<64xf32>
    %broadcast_in_dim3A_81 = vector.shape_cast %reduce_sum3A_80 : vector<64xf32> to vector<64x1xf32>
    %dot_general3A_82 = arith.constant dense<0.000000e+00> : vector<64x128xf32>
    %dot_general3A_83 = tpu.matmul %convert_element_type3A_78, %add3A_73, %dot_general3A_82 {dimension_numbers = #tpu.dot_dimension_numbers<[1], [0], [0], [1], [0, 0, 1, 1], [], []>, transpose_lhs_hint = false} : vector<64x10000xf32>, vector<10000x128xf32>, vector<64x128xf32> -> vector<64x128xf32>
    %max3A_84 = arith.constant 1.000000e+00 : f32
    %max3A_85 = vector.broadcast %max3A_84 : f32 to vector<64x1xf32>
    %max3A_86 = arith.maximumf %broadcast_in_dim3A_81, %max3A_85 : vector<64x1xf32>
    %div3A_87 = vector.broadcast %max3A_86 : vector<64x1xf32> to vector<64x128xf32>
    %div3A_88 = arith.divf %dot_general3A_83, %div3A_87 : vector<64x128xf32>
    %get3A_89 = arith.constant 0 : index
    %get3A_90 = arith.constant 0 : index
    %get3A_91 = vector.load %arg10[%get3A_89, %get3A_90] : memref<128x128xf32, #tpu.memory_space<vmem>>, vector<128x128xf32>
    %dot_general3A_92 = arith.constant dense<0.000000e+00> : vector<64x128xf32>
    %dot_general3A_93 = tpu.matmul %div3A_88, %get3A_91, %dot_general3A_92 {dimension_numbers = #tpu.dot_dimension_numbers<[1], [0], [0], [1], [0, 0, 1, 1], [], []>, transpose_lhs_hint = false} : vector<64x128xf32>, vector<128x128xf32>, vector<64x128xf32> -> vector<64x128xf32>
    %get3A_94 = arith.constant 0 : index
    %get3A_95 = arith.constant 0 : index
    %get3A_96 = vector.load %arg11[%get3A_94, %get3A_95] : memref<1x128xf32, #tpu.memory_space<vmem>>, vector<1x128xf32>
    %add3A_97 = vector.broadcast %get3A_96 : vector<1x128xf32> to vector<64x128xf32>
    %add3A_98 = arith.addf %dot_general3A_93, %add3A_97 : vector<64x128xf32>
    %max3A_99 = arith.constant 0.000000e+00 : f32
    %max3A_100 = vector.broadcast %max3A_99 : f32 to vector<64x128xf32>
    %max3A_101 = arith.maximumf %add3A_98, %max3A_100 : vector<64x128xf32>
    %get3A_102 = arith.constant 0 : index
    %get3A_103 = arith.constant 0 : index
    %get3A_104 = vector.load %arg12[%get3A_102, %get3A_103] : memref<128x40xf32, #tpu.memory_space<vmem>>, vector<128x40xf32>
    %dot_general3A_105 = arith.constant dense<0.000000e+00> : vector<64x40xf32>
    %dot_general3A_106 = tpu.matmul %max3A_101, %get3A_104, %dot_general3A_105 {dimension_numbers = #tpu.dot_dimension_numbers<[1], [0], [0], [1], [0, 0, 1, 1], [], []>, transpose_lhs_hint = false} : vector<64x128xf32>, vector<128x40xf32>, vector<64x40xf32> -> vector<64x40xf32>
    %get3A_107 = arith.constant 0 : index
    %get3A_108 = arith.constant 0 : index
    %get3A_109 = vector.load %arg13[%get3A_107, %get3A_108] : memref<1x40xf32, #tpu.memory_space<vmem>>, vector<1x40xf32>
    %add3A_110 = vector.broadcast %get3A_109 : vector<1x40xf32> to vector<64x40xf32>
    %add3A_111 = arith.addf %dot_general3A_106, %add3A_110 : vector<64x40xf32>
    %reduce_max3A = arith.constant dense<0xFF800000> : vector<64xf32>
    %reduce_max3A_112 = vector.multi_reduction <maximumf>, %add3A_111, %reduce_max3A [1] : vector<64x40xf32> to vector<64xf32>
    %broadcast_in_dim3A_113 = vector.shape_cast %reduce_max3A_112 : vector<64xf32> to vector<64x1xf32>
    %sub3A_114 = vector.broadcast %broadcast_in_dim3A_113 : vector<64x1xf32> to vector<64x40xf32>
    %sub3A_115 = arith.subf %add3A_111, %sub3A_114 : vector<64x40xf32>
    %exp3A = math.exp %sub3A_115 : vector<64x40xf32>
    %reduce_sum3A_116 = arith.constant dense<0.000000e+00> : vector<64xf32>
    %reduce_sum3A_117 = vector.multi_reduction <add>, %exp3A, %reduce_sum3A_116 [1] : vector<64x40xf32> to vector<64xf32>
    %broadcast_in_dim3A_118 = vector.shape_cast %reduce_sum3A_117 : vector<64xf32> to vector<64x1xf32>
    %log3A = math.log %broadcast_in_dim3A_118 : vector<64x1xf32>
    %sub3A_119 = vector.broadcast %log3A : vector<64x1xf32> to vector<64x40xf32>
    %sub3A_120 = arith.subf %sub3A_115, %sub3A_119 : vector<64x40xf32>
    %swap3A = arith.constant 0 : index
    %swap3A_121 = arith.constant 0 : index
    %swap3A_122 = vector.load %arg14[%swap3A, %swap3A_121] : memref<64x40xf32, #tpu.memory_space<vmem>>, vector<64x40xf32>
    tpu.vector_store %arg14[%swap3A, %swap3A_121], %sub3A_120 {strides = array<i32>} : memref<64x40xf32, #tpu.memory_space<vmem>>, vector<64x40xf32>,
    return
  }
}

</mosaic_0001>

<sc_bundles>
// kernel: kernel.11.cloned.1.call-start
scs
__scs_entry_jumppad:
0x0: {  	(pc) =	sbr.rel $0x88, $3  }
0x1: {  	(tag) =	ssettag $0x0;
	lr =	simm.s32 $0x1  }
0x2: {  	[smem:$0x3F85] =	sst lr;
	_ =	strace $0xD0000000  }
0x3: {  	_ = 	snop  }
0x4: {  	_ = 	snop  }
0x5: {  	_ = 	snop  }
0x6: {  	_ = 	snop  }
0x7: {  	_ = 	snop  }
__scs_overlays_trampoline_lowered:
0x8: {  	[smem:$0x3F94] =	sst s0  }
0x9: {  	[smem:$0x3F95] =	sst s1  }
0xa: {  	[smem:$0x3F96] =	sst s2  }
0xb: {  	[smem:$0x3F97] =	sst s3  }
0xc: {  	[smem:$0x3F98] =	sst s4  }
0xd: {  	[smem:$0x3F99] =	sst s5  }
0xe: {  	[smem:$0x3F9A] =	sst s6  }
0xf: {  	[smem:$0x3F9B] =	sst s7  }
0x10: {  	[smem:$0x3F9C] =	sst s8  }
0x11: {  	[smem:$0x3F9D] =	sst s9;
	s0 =	simm.s32 @!p0 $0x0  }
0x12: {  	s1 =	sld [smem:$0x3F83];
	s0 =	simm.s32 @p0 $0x1  }
0x13: {  	[smem:$0x3F9E] =	sst s0;
	s0 =	simm.s32 @!p1 $0x0  }
0x14: {  	s2 =	sld [smem:$0x3F82];
	s0 =	simm.s32 @p1 $0x1  }
0x15: {  	[smem:$0x3F9F] =	sst s0;
	s0 =	simm.s32 @!p2 $0x0  }
0x16: {  	s3 =	sld [smem:$0x3FDB];
	s0 =	simm.s32 @p2 $0x1  }
0x17: {  	s4 =	simm.s32 $0x1BF5;
	[smem:$0x3FA1] =	sst s0  }
0x18: {  	s0 =	sld [smem:$0x3F84];
	_ =	swait.ge [sflag:s4], $0x0  }
0x19: {  	s7 =	sld [smem:$0x3F85]  }
0x1a: {  	s8 =	sadd.s32 $0xFFFFE003, lr  }
0x1b: {  	s9 =	sadd.s32 $0xFFFFFEF7, lr;
	s5 =	simm.s32 $0xFFFFFFFF;
	p2 =	slt.u32 s8, $0xFFFFF086  }
0x1c: {  	p1 =	slt.u32 s9, $0xF7A;
	s5 =	simm.s32 @!p2 $0x0  }
0x1d: {  	s5 =	simm.s32 @p1 $0x1;
	p0 =	seq.s32 s7, s2  }
0x1e: {  	s7 =	smul.u32 @!p0 $0xF7A, s2;
	p2 =	seq.s32 @!p0 s5, $0x0  }
0x1f: {  	s9 =	smul.u32 $0xF7A, s1;
	s8 =	simm.s32 @!p0 $0x1BF5;
	p2 =	por !p2, p0  }
0x20: {  	[sflag:s8] =	ssyncset.s32 @!p0 $0xFFFFF086;
	s6 =	sadd.s32 @!p0 s3, s7;
	s7 =	simm.s32 @!p0 $0x108  }
0x21: {  	s3 =	sadd.s32 s3, s9;
	s6 =	sadd.s32 @!p0 $0x88, s6;
	s7 =	simm.s32 @p2 $0x1082  }
0x22: {  	[simem:s7], [sflag:s8] =	dma.local @!p0 [hbm:s6], $0xF7A  }
0x23: {  	s9 =	sor.u32 $0xD0000000, s2;
	s6 =	simm.s32 $0x108;
	_ =	swait.ge @!p0 [sflag:s8], $0x0  }
0x24: {  	s3 =	sadd.s32 $0x88, s3;
	s6 =	simm.s32 @!p1 $0x1082;
	[sflag:s4] =	ssyncset.s32 $0xFFFFF086  }
0x25: {  	[simem:s6], [sflag:s4] =	dma.local [hbm:s3], $0xF7A  }
0x26: {  	[smem:$0x3F85] =	sst s1;
	(tag) =	ssettag s2;
	_ =	strace s9  }
0x27: {  	s1 =	sld [smem:$0x3F95]  }
0x28: {  	s2 =	sld [smem:$0x3F96]  }
0x29: {  	s4 =	sld [smem:$0x3F98]  }
0x2a: {  	p0 =	seq.s32 s5, $0x0;
	s5 =	sld [smem:$0x3F99]  }
0x2b: {  	s6 =	sld [smem:$0x3F9A]  }
0x2c: {  	s7 =	sld [smem:$0x3F9B]  }
0x2d: {  	s3 =	simm.s32 $0x108;
	s8 =	sld [smem:$0x3F9C]  }
0x2e: {  	s3 =	simm.s32 @!p0 $0x1082;
	s9 =	sld [smem:$0x3F9D]  }
0x2f: {  	lr =	sadd.s32 s0, s3;
	s0 =	sld [smem:$0x3F94]  }
0x30: {  	s3 =	sld [smem:$0x3F97]  }
0x31: {  	[smem:$0x3FA0] =	sst s10  }
0x32: {  	s10 =	sld [smem:$0x3F9E];
	_ =	sdelay $0x3  }
0x33: {  	p0 =	seq.s32 s10, $0x1;
	s10 =	sld [smem:$0x3FA0];
	_ =	sdelay $0x3  }
0x34: {  	[smem:$0x3FA0] =	sst s10  }
0x35: {  	s10 =	sld [smem:$0x3F9F];
	_ =	sdelay $0x3  }
0x36: {  	p1 =	seq.s32 s10, $0x1;
	s10 =	sld [smem:$0x3FA0];
	_ =	sdelay $0x3  }
0x37: {  	[smem:$0x3FA0] =	sst s10  }
0x38: {  	s10 =	sld [smem:$0x3FA1]  }
0x39: {  	_ = 	snop;
	(pc) =	sbr.ind lr, $3  }
0x3a: {  	_ = 	snop  }
0x3b: {  	_ = 	snop  }
0x3c: {  	p2 =	seq.s32 s10, $0x1;
	s10 =	sld [smem:$0x3FA0]  }
0x3d: {  	_ =	shalt  }
0x3e: {  	_ =	shalt  }
0x3f: {  	_ =	shalt  }
0x40: {  	_ =	shalt  }
0x41: {  	_ =	shalt  }
0x42: {  	_ =	shalt  }
0x43: {  	_ =	shalt  }
0x44: {  	_ =	shalt  }
0x45: {  	_ =	shalt  }
0x46: {  	_ =	shalt  }
0x47: {  	_ =	shalt  }
0x48: {  	_ =	shalt  }
0x49: {  	_ =	shalt  }
0x4a: {  	_ =	shalt  }
0x4b: {  	_ =	shalt  }
0x4c: {  	_ =	shalt  }
0x4d: {  	_ =	shalt  }
0x4e: {  	_ =	shalt  }
0x4f: {  	_ =	shalt  }
0x50: {  	_ =	shalt  }
0x51: {  	_ =	shalt  }
0x52: {  	_ =	shalt  }
0x53: {  	_ =	shalt  }
0x54: {  	_ =	shalt  }
0x55: {  	_ =	shalt  }
0x56: {  	_ =	shalt  }
0x57: {  	_ =	shalt  }
0x58: {  	_ =	shalt  }
0x59: {  	_ =	shalt  }
0x5a: {  	_ =	shalt  }
0x5b: {  	_ =	shalt  }
0x5c: {  	_ =	shalt  }
0x5d: {  	_ =	shalt  }
0x5e: {  	_ =	shalt  }
0x5f: {  	_ =	shalt  }
0x60: {  	_ =	shalt  }
0x61: {  	_ =	shalt  }
0x62: {  	_ =	shalt  }
0x63: {  	_ =	shalt  }
0x64: {  	_ =	shalt  }
0x65: {  	_ =	shalt  }
0x66: {  	_ =	shalt  }
0x67: {  	_ =	shalt  }
0x68: {  	_ =	shalt  }
0x69: {  	_ =	shalt  }
0x6a: {  	_ =	shalt  }
0x6b: {  	_ =	shalt  }
0x6c: {  	_ =	shalt  }
0x6d: {  	_ =	shalt  }
0x6e: {  	_ =	shalt  }
0x6f: {  	_ =	shalt  }
0x70: {  	_ =	shalt  }
0x71: {  	_ =	shalt  }
0x72: {  	_ =	shalt  }
0x73: {  	_ =	shalt  }
0x74: {  	_ =	shalt  }
0x75: {  	_ =	shalt  }
0x76: {  	_ =	shalt  }
0x77: {  	_ =	shalt  }
0x78: {  	_ =	shalt  }
0x79: {  	_ =	shalt  }
0x7a: {  	_ =	shalt  }
0x7b: {  	_ =	shalt  }
0x7c: {  	_ =	shalt  }
0x7d: {  	_ =	shalt  }
0x7e: {  	_ =	shalt  }
0x7f: {  	_ =	shalt  }
0x80: {  	_ =	shalt  }
0x81: {  	_ =	shalt  }
0x82: {  	_ =	shalt  }
0x83: {  	_ =	shalt  }
0x84: {  	_ =	shalt  }
0x85: {  	_ =	shalt  }
0x86: {  	_ =	shalt  }
0x87: {  	_ =	shalt  }
.Lfunc_end0:
.L_simem_size_0:
called_computation.1_lowered:
.L_overlay_start_0:
0x88: {  	s2 =	sld [smem:$0x3FD9]  }
0x89: {  	s3 =	sld [smem:$0x3FFE];
	_ =	sdelay $0x1  }
0x8a: {  	s1 =	srdreg.scid  }
0x8b: {  	s0 =	sand.u32 $0x1, s1  }
0x8c: {  	s16 =	sshll.u32 s0, $0xA;
	s2 =	sadd.s32 s3, s2  }
0x8d: {  	s2 =	sadd.s32 s2, s16  }
0x8e: {  	[smem:$0x3FAC] =	sst s2  }
0x8f: {  	_ = 	snop  }
0x90: {  	(tm) =	ssettm $0x1  }
0x91: {  	s17 =	sld [smem:$0x3FFB];
	_ =	sdelay $0x3  }
0x92: {  	_ =	strace s17  }
0x93: {  	s2 =	sld [smem:$0x3FFC];
	_ =	sdelay $0x3  }
0x94: {  	_ =	strace s2  }
0x95: {  	s2 =	sld [smem:$0x3FFD];
	_ =	sdelay $0x3  }
0x96: {  	_ =	strace s2  }
0x97: {  	_ =	strace $0x8FFFFFFF  }
0x98: {  	s18 =	sld [smem:$0x3FDB];
	_ =	sdelay $0x1  }
0x99: {  	s19 =	simm.s32 $_scs_section_size  }
0x9a: {  	s4 =	simm.s32 $_size__tile_overlayer_lowered;
	s5 =	simm.s32 $_tile_overlayer_lowered  }
0x9b: {  	s22 =	simm.s32 $0x1BFF;
	s21 =	sshll.u32 s5, $0x1;
	s2 =	sadd.s32 s19, s18  }
0x9c: {  	s6 =	simm.s32 $0x0;
	s20 =	sshll.u32 s4, $0x1;
	s4 =	sadd.s32 s21, s2  }
0x9d: {  	[timem:s6], [sflag:s22] =	dma.local [hbm:s4], s20  }
0x9e: {  	_ =	swait.ge [sflag:s22], s20  }
0x9f: {  	s3 =	ssub.s32 $0x0, s20;
	[sflag:s22] =	ssyncset.done $0x0  }
0xa0: {  	[sflag:s22] =	ssyncadd.s32 s3;
	_ =	sdelay $0x1  }
0xa1: {  	s23 =	simm.s32 $0x1B8B  }
0xa2: {  	_ =	swait.ge [sflag:s23], $0x1  }
0xa3: {  	[sflag:s23] =	ssyncset.done $0x0  }
0xa4: {  	s25 =	simm.s32 $0x1B8E;
	s24 =	sld [smem:$0x3FFE];
	[sflag:s23] =	ssyncadd.s32 $0xFFFFFFFF  }
0xa5: {  	s26 =	simm.s32 $execute0_lowered;
	[smem:$0x3FD2] =	sst s25  }
0xa6: {  	s4 =	sshll.u32 s26, $0x1;
	_ =	strace $0x80000049;
	[dreg:$0x1] =	wrdreg $0xFFFFFFFF  }
0xa7: {  	s28 =	simm.s32 $_size_execute0_lowered;
	s2 =	sadd.s32 s2, s4;
	[dreg:$0x0] =	wrdreg $0x0  }
0xa8: {  	s4 =	sshll.u32 s28, $0x1;
	[dreg:$0x2] =	wrdreg s2  }
0xa9: {  	[dreg:$0x3] =	wrdreg s4  }
0xaa: {  	[dreg:$0x4] =	wrdreg $0xC0  }
0xab: {  	_ =	task [dreg:s6], $0x5FFFF  }
0xac: {  	[dreg:$0x1] =	wrdreg $0xFFFFFFFF  }
0xad: {  	[dreg:$0x0] =	wrdreg $0x60  }
0xae: {  	[dreg:$0x2] =	wrdreg s24  }
0xaf: {  	[dreg:$0x3] =	wrdreg $0xA8000  }
0xb0: {  	[dreg:$0x4] =	wrdreg $0x9  }
0xb1: {  	_ =	task.clear_ibuf [dreg:s6], $0x5FFFF;
	_ =	strace $0x90000049  }
0xb2: {  	s29 =	simm.s32 $0x9;
	_ =	strace $0x8000004B  }
0xb3: {  	_ =	swait.ge [sflag:s29], $0x1  }
0xb4: {  	[sflag:s29] =	ssyncadd.s32 $0xFFFFFFFF  }
0xb5: {  	_ =	strace $0x9000004B  }
0xb6: {  	_ =	sfence  }
0xb7: {  	s30 =	sld [smem:$0x0];
	_ =	sdelay $0x2  }
0xb8: {  	s31 =	sshll.u32 s1, $0xD;
	s1 =	sshrl.u32 s1, $0x2  }
0xb9: {  	s3 =	sand.u32 $0x4000, s31;
	s1 =	sadd.s32 s1, s30  }
0xba: {  	s0 =	sor.u32 s3, s0;
	s1 =	sshll.u32 s1, $0x11  }
0xbb: {  	s0 =	sor.u32 s1, s0  }
0xbc: {  	s0 =	sadd.s32 $0x8F2B, s0  }
0xbd: {  	[sflag:s0] =	ssyncadd.remote.s32 $0x1  }
0xbe: {  	_ =	sfence.sel $0xFFFF  }
0xbf: {  	[dreg:$0x0] =	wrdreg $0xFFFFFFFF;
	(pc) =	sbr.abs _section_cstart, $3  }
0xc0: {  	[dreg:$0x1] =	wrdreg $0xFFFFFFFF  }
0xc1: {  	_ =	task.clear_ibuf [dreg:s6], $0x2FFFF;
	_ =	strace $0x9FFFFFFF  }
0xc2: {  	(tm) =	ssettm $0x7FFFFFFF  }
0xc3: {  	_ =	shalt  }
tec
execute0_lowered:
.L_overlay_start_1:
0x0: {  	(tag) =	ssettag $0x1  }
0x1: {  	s8 =	rddreg [dreg:$0x0]  }
0x2: {  	s1 =	rddreg [dreg:$0x1]  }
0x3: {  	s0 =	rddreg [dreg:$0x2];
	s2 =	simm.s32 $0x0  }
0x4: {  	s3 =	srdreg.scid;
	s19 =	simm.s32 $0x7D;
	s20 =	simm.s32 $0x2800  }
0x5: {  	s21 =	simm.s32 $0x80;
	s22 =	simm.s32 $0x6800;
	s23 =	simm.s32 $0x1480  }
0x6: {  	s24 =	simm.s32 $0x2;
	s25 =	simm.s32 $0x3;
	s26 =	simm.s32 $0x4  }
0x7: {  	[smem:$0x7FF] =	sst s2;
	s6 =	sand.u32 $0x1, s3;
	s3 =	stileid.u32  }
0x8: {  	s4 =	sadd.s32 $0x3FA00, s8;
	s9 =	sadd.s32 $0x4800, s8;
	s7 =	smul.u32 $0x2800, s3  }
0x9: {  	s10 =	sadd.s32 $0xE800, s8;
	s12 =	sadd.s32 $0x66C00, s8;
	s15 =	smul.u32 $0x50000, s3  }
0xa: {  	s28 =	simm.s32 $0x0;
	_ =	strace $0x8000004A;
	s31 =	smul.u32 $0x138800, s6  }
0xb: {  	s5 =	sshll.u32 s6, $0x4;
	s11 =	ssub.s32 $0x2, s6;
	s16 =	smul.u32 $0x14000, s3  }
0xc: {  	p0 =	seq.s32 s3, $0xF;
	s5 =	sor.u32 s3, s5;
	s13 =	sshrl.u32 s11, $0x1  }
0xd: {  	s5 =	smul.u32 $0x2800, s5;
	s7 =	sadd.s32 s7, s8;
	s13 =	ssub.s32 s11, s13  }
0xe: {  	s15 =	sshrl.u32 s15, $0x2;
	s8 =	sadd.s32 $0x3E000, s8;
	s16 =	sadd.s32 s16, s31  }
0xf: {  	s18 =	sshrl.u32 s31, $0x3;
	s17 =	sadd.s32 s15, s1;
	s7 =	sadd.s32 $0x18800, s7  }
0x10: {  	s15 =	sadd.s32 $0x12C000, s1;
	s16 =	sshrl.u32 s16, $0x3;
	s13 =	smax.u32 s13, $0x1  }
0x11: {  	s14 =	sshrl.u32 s5, $0x3;
	s11 =	sadd.s32 s12, s16;
	s12 =	sadd.s32 s12, s18  }
0x12: {  	s15 =	sshrl.u32 @p0 s15, $0x3;
	s16 =	sshll.u32 @!p0 s3, $0x6;
	s17 =	sshrl.u32 @!p0 s17, $0x3  }
0x13: {  	s18 =	simm.s32 $0x1;
	s5 =	sadd.s32 s9, s14;
	s6 =	sadd.s32 s10, s14  }
0x14: {  	s14 =	sadd.s32 $0x280, s14;
	s12 =	sadd.s32 $0x25800, s12;
	s16 =	sor.u32 @!p0 $0x1C04, s16  }
0x15: {  	s9 =	sadd.s32 s9, s14;
	s10 =	sadd.s32 s10, s14;
	s14 =	simm.s32 $0x1400  }
.LBB2_1:
0x16: {  	[tilespmem:s2], [sflag:$0x1] =	stream.linear.gather [hbm4b:s5+s2], $0x1400, $0x38;
	[tilespmem:$0x1E080] =	vst v63  }
0x17: {  	s29 =	simm.s32 @p0 $0x1FC4  }
0x18: {  	[tilespmem:s14], [sflag:$0x1] =	stream.linear.gather [hbm4b:s6+s2], $0x1400, $0x38;
	[tilespmem:$0x1E080] =	vst v63  }
0x19: {  	[spmem:s15], [sflag:s29] =	dma.local @p0 [hbm:s8], $0x1900  }
0x1a: {  	s29 =	simm.s32 @p0 $0x4  }
0x1b: {  	_ =	swait.ge @p0 [sflag:s29], $0x1900  }
0x1c: {  	[sflag:s29] =	ssyncset.done @p0 $0x0  }
0x1d: {  	[sflag:s29] =	ssyncadd.s32 @p0 $0xFFFFE700;
	s29 =	simm.s32 @!p0 $0x4  }
0x1e: {  	[spmem:s17], [sflag:s16] =	dma.local @!p0 [hbm:s7], $0x2800  }
0x1f: {  	_ =	swait.ge @!p0 [sflag:s29], $0x2800  }
0x20: {  	[sflag:s29] =	ssyncset.done @!p0 $0x0  }
0x21: {  	[sflag:s29] =	ssyncadd.s32 @!p0 $0xFFFFD800  }
0x22: {  	_ =	swait.ge [sflag:s18], $0x1400  }
0x23: {  	[sflag:s18] =	ssyncset.done $0x0  }
0x24: {  	[sflag:s18] =	ssyncadd.s32 $0xFFFFEC00  }
0x25: {  	_ =	swait.ge [sflag:s18], $0x1400  }
0x26: {  	[sflag:s18] =	ssyncset.done $0x0  }
0x27: {  	[sflag:s18] =	ssyncadd.s32 $0xFFFFEC00  }
0x28: {  	[bflag:$0x0] =	sbarrier.arrive $0xFFFF  }
0x29: {  	[tilespmem:s20], [sflag:$0x1] =	stream.indirect.gather [hbm4b:s4+s19], $0x80, s2, s19, $0xb8;
	[tilespmem:$0x1E080] =	vst v63  }
0x2a: {  	_ =	swait.ge [sflag:s18], $0x3E80  }
0x2b: {  	[sflag:s18] =	ssyncset.done $0x0  }
0x2c: {  	[sflag:s18] =	ssyncadd.s32 $0xFFFFC180  }
0x2d: {  	[spmem:s1] =	stream.indirect.scatter.add.f32 [tilespmem:s20], [sflag:$0x2], $0x80, s14, s19, $0xb8;
	[tilespmem:$0x1E080] =	vst v63  }
0x2e: {  	_ = 	snop  }
0x2f: {  	[tilespmem:s22], [sflag:$0x1] =	stream.indirect.gather [hbm4b:s4+s19], $0x80, s21, s19, $0xb8;
	[tilespmem:$0x1E080] =	vst v63  }
0x30: {  	_ =	swait.ge [sflag:s18], $0x3E80  }
0x31: {  	[sflag:s18] =	ssyncset.done $0x0  }
0x32: {  	[sflag:s18] =	ssyncadd.s32 $0xFFFFC180  }
0x33: {  	[spmem:s1] =	stream.indirect.scatter.add.f32 [tilespmem:s22], [sflag:$0x3], $0x80, s23, s19, $0xb8;
	[tilespmem:$0x1E080] =	vst v63  }
0x34: {  	_ =	swait.ge [sflag:s24], $0x3E80  }
0x35: {  	[sflag:s24] =	ssyncset.done $0x0  }
0x36: {  	s29 =	simm.s32 $0x100;
	[sflag:s24] =	ssyncadd.s32 $0xFFFFC180  }
0x37: {  	[tilespmem:s20], [sflag:$0x1] =	stream.indirect.gather [hbm4b:s4+s19], $0x80, s29, s19, $0xb8;
	[tilespmem:$0x1E080] =	vst v63  }
0x38: {  	_ =	swait.ge [sflag:s18], $0x3E80  }
0x39: {  	[sflag:s18] =	ssyncset.done $0x0  }
0x3a: {  	s29 =	simm.s32 $0x1500;
	[sflag:s18] =	ssyncadd.s32 $0xFFFFC180  }
0x3b: {  	[spmem:s1] =	stream.indirect.scatter.add.f32 [tilespmem:s20], [sflag:$0x2], $0x80, s29, s19, $0xb8;
	[tilespmem:$0x1E080] =	vst v63  }
0x3c: {  	_ =	swait.ge [sflag:s25], $0x3E80  }
0x3d: {  	[sflag:s25] =	ssyncset.done $0x0  }
0x3e: {  	s29 =	simm.s32 $0x180;
	[sflag:s25] =	ssyncadd.s32 $0xFFFFC180  }
0x3f: {  	[tilespmem:s22], [sflag:$0x1] =	stream.indirect.gather [hbm4b:s4+s19], $0x80, s29, s19, $0xb8;
	[tilespmem:$0x1E080] =	vst v63  }
0x40: {  	_ =	swait.ge [sflag:s18], $0x3E80  }
0x41: {  	[sflag:s18] =	ssyncset.done $0x0  }
0x42: {  	s30 =	simm.s32 $0x1580;
	s29 =	simm.s32 $0xFFFFB800;
	[sflag:s18] =	ssyncadd.s32 $0xFFFFC180  }
.LBB2_2:
0x43: {  	[spmem:s1] =	stream.indirect.scatter.add.f32 [tilespmem:s22], [sflag:$0x3], $0x80, s30, s19, $0xb8;
	[tilespmem:$0x1E080] =	vst v63  }
0x44: {  	s30 =	smov.u32 s29  }
0x45: {  	p1 =	sne.s32 s29, $0xFFFFFC00;
	s29 =	sadd.s32 $0x400, s29;
	_ =	swait.ge [sflag:s24], $0x3E80  }
0x46: {  	s30 =	sshra.s32 s30, $0x2;
	[sflag:s24] =	ssyncset.done $0x0  }
0x47: {  	s31 =	sadd.s32 $0x1400, s30;
	[sflag:s24] =	ssyncadd.s32 $0xFFFFC180  }
0x48: {  	[tilespmem:s20], [sflag:$0x1] =	stream.indirect.gather [hbm4b:s4+s19], $0x80, s31, s19, $0xb8;
	[tilespmem:$0x1E080] =	vst v63  }
0x49: {  	_ =	swait.ge [sflag:s18], $0x3E80  }
0x4a: {  	[sflag:s18] =	ssyncset.done $0x0  }
0x4b: {  	s31 =	sadd.s32 $0x2800, s30;
	[sflag:s18] =	ssyncadd.s32 $0xFFFFC180  }
0x4c: {  	[spmem:s1] =	stream.indirect.scatter.add.f32 [tilespmem:s20], [sflag:$0x2], $0x80, s31, s19, $0xb8;
	[tilespmem:$0x1E080] =	vst v63  }
0x4d: {  	_ =	swait.ge [sflag:s25], $0x3E80  }
0x4e: {  	[sflag:s25] =	ssyncset.done $0x0  }
.Ltmp0:
0x4f: {  	s31 =	sadd.s32 $0x1480, s30;
	[sflag:s25] =	ssyncadd.s32 $0xFFFFC180;
	(pc) =	sbr.rel @p1 .LBB2_2-.Ltmp0, $4  }
0x50: {  	[tilespmem:s22], [sflag:$0x1] =	stream.indirect.gather [hbm4b:s4+s19], $0x80, s31, s19, $0xb8;
	[tilespmem:$0x1E080] =	vst v63  }
0x51: {  	_ =	swait.ge [sflag:s18], $0x3E80  }
0x52: {  	[sflag:s18] =	ssyncset.done $0x0  }
0x53: {  	s30 =	sadd.s32 $0x2880, s30;
	[sflag:s18] =	ssyncadd.s32 $0xFFFFC180  }
0x54: {  	[spmem:s1] =	stream.indirect.scatter.add.f32 [tilespmem:s22], [sflag:$0x3], $0x80, s30, s19, $0xb8;
	[tilespmem:$0x1E080] =	vst v63  }
0x55: {  	_ =	swait.ge [sflag:s24], $0x3E80  }
0x56: {  	[sflag:s24] =	ssyncset.done $0x0  }
0x57: {  	[sflag:s24] =	ssyncadd.s32 $0xFFFFC180  }
0x58: {  	_ =	swait.ge [sflag:s25], $0x3E80  }
0x59: {  	[sflag:s25] =	ssyncset.done $0x0  }
0x5a: {  	[sflag:s25] =	ssyncadd.s32 $0xFFFFC180  }
0x5b: {  	[tilespmem:s2], [sflag:$0x4] =	stream.linear.gather [hbm4b:s9+s2], $0x1400, $0x38;
	[tilespmem:$0x1E080] =	vst v63  }
0x5c: {  	_ =	swait.ge [sflag:s26], $0x1400  }
0x5d: {  	[sflag:s26] =	ssyncset.done $0x0  }
0x5e: {  	[sflag:s26] =	ssyncadd.s32 $0xFFFFEC00  }
0x5f: {  	[tilespmem:s14], [sflag:$0x4] =	stream.linear.gather [hbm4b:s10+s2], $0x1400, $0x38;
	[tilespmem:$0x1E080] =	vst v63  }
0x60: {  	_ =	swait.ge [sflag:s26], $0x1400  }
0x61: {  	[sflag:s26] =	ssyncset.done $0x0  }
0x62: {  	[sflag:s26] =	ssyncadd.s32 $0xFFFFEC00  }
0x63: {  	[tilespmem:s20], [sflag:$0x1] =	stream.indirect.gather [hbm4b:s4+s19], $0x80, s2, s19, $0xb8;
	[tilespmem:$0x1E080] =	vst v63  }
0x64: {  	_ =	swait.ge [sflag:s18], $0x3E80  }
0x65: {  	[sflag:s18] =	ssyncset.done $0x0  }
0x66: {  	[sflag:s18] =	ssyncadd.s32 $0xFFFFC180  }
0x67: {  	[spmem:s1] =	stream.indirect.scatter.add.f32 [tilespmem:s20], [sflag:$0x2], $0x80, s14, s19, $0xb8;
	[tilespmem:$0x1E080] =	vst v63  }
0x68: {  	_ = 	snop  }
0x69: {  	[tilespmem:s22], [sflag:$0x1] =	stream.indirect.gather [hbm4b:s4+s19], $0x80, s21, s19, $0xb8;
	[tilespmem:$0x1E080] =	vst v63  }
0x6a: {  	_ =	swait.ge [sflag:s18], $0x3E80  }
0x6b: {  	[sflag:s18] =	ssyncset.done $0x0  }
0x6c: {  	[sflag:s18] =	ssyncadd.s32 $0xFFFFC180  }
0x6d: {  	[spmem:s1] =	stream.indirect.scatter.add.f32 [tilespmem:s22], [sflag:$0x3], $0x80, s23, s19, $0xb8;
	[tilespmem:$0x1E080] =	vst v63  }
0x6e: {  	_ =	swait.ge [sflag:s24], $0x3E80  }
0x6f: {  	[sflag:s24] =	ssyncset.done $0x0  }
0x70: {  	s29 =	simm.s32 $0x100;
	[sflag:s24] =	ssyncadd.s32 $0xFFFFC180  }
0x71: {  	[tilespmem:s20], [sflag:$0x1] =	stream.indirect.gather [hbm4b:s4+s19], $0x80, s29, s19, $0xb8;
	[tilespmem:$0x1E080] =	vst v63  }
0x72: {  	_ =	swait.ge [sflag:s18], $0x3E80  }
0x73: {  	[sflag:s18] =	ssyncset.done $0x0  }
0x74: {  	s29 =	simm.s32 $0x1500;
	[sflag:s18] =	ssyncadd.s32 $0xFFFFC180  }
0x75: {  	[spmem:s1] =	stream.indirect.scatter.add.f32 [tilespmem:s20], [sflag:$0x2], $0x80, s29, s19, $0xb8;
	[tilespmem:$0x1E080] =	vst v63  }
0x76: {  	_ =	swait.ge [sflag:s25], $0x3E80  }
0x77: {  	[sflag:s25] =	ssyncset.done $0x0  }
0x78: {  	s29 =	simm.s32 $0x180;
	[sflag:s25] =	ssyncadd.s32 $0xFFFFC180  }
0x79: {  	[tilespmem:s22], [sflag:$0x1] =	stream.indirect.gather [hbm4b:s4+s19], $0x80, s29, s19, $0xb8;
	[tilespmem:$0x1E080] =	vst v63  }
0x7a: {  	_ =	swait.ge [sflag:s18], $0x3E80  }
0x7b: {  	[sflag:s18] =	ssyncset.done $0x0  }
0x7c: {  	s30 =	simm.s32 $0x1580;
	s29 =	simm.s32 $0xFFFFB800;
	[sflag:s18] =	ssyncadd.s32 $0xFFFFC180  }
.LBB2_4:
0x7d: {  	[spmem:s1] =	stream.indirect.scatter.add.f32 [tilespmem:s22], [sflag:$0x3], $0x80, s30, s19, $0xb8;
	[tilespmem:$0x1E080] =	vst v63  }
0x7e: {  	s30 =	smov.u32 s29  }
0x7f: {  	p1 =	sne.s32 s29, $0xFFFFFC00;
	s29 =	sadd.s32 $0x400, s29;
	_ =	swait.ge [sflag:s24], $0x3E80  }
0x80: {  	s30 =	sshra.s32 s30, $0x2;
	[sflag:s24] =	ssyncset.done $0x0  }
0x81: {  	s31 =	sadd.s32 $0x1400, s30;
	[sflag:s24] =	ssyncadd.s32 $0xFFFFC180  }
0x82: {  	[tilespmem:s20], [sflag:$0x1] =	stream.indirect.gather [hbm4b:s4+s19], $0x80, s31, s19, $0xb8;
	[tilespmem:$0x1E080] =	vst v63  }
0x83: {  	_ =	swait.ge [sflag:s18], $0x3E80  }
0x84: {  	[sflag:s18] =	ssyncset.done $0x0  }
0x85: {  	s31 =	sadd.s32 $0x2800, s30;
	[sflag:s18] =	ssyncadd.s32 $0xFFFFC180  }
0x86: {  	[spmem:s1] =	stream.indirect.scatter.add.f32 [tilespmem:s20], [sflag:$0x2], $0x80, s31, s19, $0xb8;
	[tilespmem:$0x1E080] =	vst v63  }
0x87: {  	_ =	swait.ge [sflag:s25], $0x3E80  }
0x88: {  	[sflag:s25] =	ssyncset.done $0x0  }
.Ltmp1:
0x89: {  	s31 =	sadd.s32 $0x1480, s30;
	[sflag:s25] =	ssyncadd.s32 $0xFFFFC180;
	(pc) =	sbr.rel @p1 .LBB2_4-.Ltmp1, $4  }
0x8a: {  	[tilespmem:s22], [sflag:$0x1] =	stream.indirect.gather [hbm4b:s4+s19], $0x80, s31, s19, $0xb8;
	[tilespmem:$0x1E080] =	vst v63  }
0x8b: {  	_ =	swait.ge [sflag:s18], $0x3E80  }
0x8c: {  	[sflag:s18] =	ssyncset.done $0x0  }
0x8d: {  	s30 =	sadd.s32 $0x2880, s30;
	[sflag:s18] =	ssyncadd.s32 $0xFFFFC180  }
0x8e: {  	[spmem:s1] =	stream.indirect.scatter.add.f32 [tilespmem:s22], [sflag:$0x3], $0x80, s30, s19, $0xb8;
	[tilespmem:$0x1E080] =	vst v63  }
0x8f: {  	_ =	swait.ge [sflag:s24], $0x3E80  }
0x90: {  	[sflag:s24] =	ssyncset.done $0x0  }
0x91: {  	[sflag:s24] =	ssyncadd.s32 $0xFFFFC180  }
0x92: {  	_ =	swait.ge [sflag:s25], $0x3E80  }
0x93: {  	[sflag:s25] =	ssyncset.done $0x0  }
0x94: {  	[sflag:s25] =	ssyncadd.s32 $0xFFFFC180  }
0x95: {  	s29 =	simm.s32 @p0 $0x1FC4;
	[bflag:$0x0] =	sbarrier.arrive $0xFFFF  }
0x96: {  	[hbm:s12], [sflag:s29] =	dma.local @p0 [spmem:s15], $0x1900  }
0x97: {  	s29 =	simm.s32 @p0 $0x4  }
0x98: {  	s28 =	sadd.s32 $0x1, s28;
	_ =	swait.ge @p0 [sflag:s29], $0x1900  }
0x99: {  	p1 =	sne.s32 s28, s13;
	[sflag:s29] =	ssyncset.done @p0 $0x0  }
.Ltmp2:
0x9a: {  	[sflag:s29] =	ssyncadd.s32 @p0 $0xFFFFE700;
	s29 =	simm.s32 @!p0 $0x4;
	(pc) =	sbr.rel @p1 .LBB2_1-.Ltmp2, $4  }
0x9b: {  	[hbm:s11], [sflag:s16] =	dma.local @!p0 [spmem:s17], $0x2800  }
0x9c: {  	_ =	swait.ge @!p0 [sflag:s29], $0x2800  }
0x9d: {  	[sflag:s29] =	ssyncset.done @!p0 $0x0  }
0x9e: {  	[sflag:s29] =	ssyncadd.s32 @!p0 $0xFFFFD800  }
0x9f: {  	_ =	sfence.sel $0x180000  }
0xa0: {  	[bflag:$0x0] =	sbarrier.arrive $0xFFFF  }
0xa1: {  	p0 =	sne.s32 s3, $0x0;
	_ =	strace $0x9000004A  }
0xa2: {  	s0 =	sadd.s32 @!p0 $0x100000, s0;
	[bflag:$0x2] =	sbarrier.arrive $0xFFFF  }
0xa3: {  	[sflag:s0] =	ssyncadd.tile.s32 @!p0 $0x1;
	_ =	shalt  }
.Lfunc_end2:
_tile_overlayer_lowered:
.L_overlay_start_2:
0xa4: {  	(tag) =	ssettag $0x2  }
0xa5: {  	s0 =	rddreg [dreg:$0x0];
	s2 =	stileid.u32  }
0xa6: {  	s1 =	rddreg [dreg:$0x1];
	p0 =	sne.s32 s2, $0x0  }
0xa7: {  	s3 =	rddreg [dreg:$0x2];
	[bflag:$0x3] =	sbarrier.arrive $0xFFFF;
	s2 =	simm.s32 @!p0 $0x1C04  }
0xa8: {  	[timem:s3], [sflag:s2] =	dma.local @!p0 [hbm:s0], s1  }
0xa9: {  	s0 =	simm.s32 @!p0 $0x4  }
0xaa: {  	_ =	swait.ge @!p0 [sflag:s0], s1  }
0xab: {  	s1 =	ssub.s32 @!p0 $0x0, s1;
	[sflag:s0] =	ssyncset.done @!p0 $0x0  }
0xac: {  	[sflag:s0] =	ssyncadd.s32 @!p0 s1  }
0xad: {  	[bflag:$0x3] =	sbarrier.arrive $0xFFFF  }
0xae: {  	_ =	shalt  }

// kernel: kernel.14.cloned.1.call-start
scs
__scs_entry_jumppad:
0x0: {  	(pc) =	sbr.rel $0x88, $3  }
0x1: {  	(tag) =	ssettag $0x0;
	lr =	simm.s32 $0x1  }
0x2: {  	[smem:$0x3F85] =	sst lr;
	_ =	strace $0xD0000000  }
0x3: {  	_ = 	snop  }
0x4: {  	_ = 	snop  }
0x5: {  	_ = 	snop  }
0x6: {  	_ = 	snop  }
0x7: {  	_ = 	snop  }
__scs_overlays_trampoline_lowered:
0x8: {  	[smem:$0x3F94] =	sst s0  }
0x9: {  	[smem:$0x3F95] =	sst s1  }
0xa: {  	[smem:$0x3F96] =	sst s2  }
0xb: {  	[smem:$0x3F97] =	sst s3  }
0xc: {  	[smem:$0x3F98] =	sst s4  }
0xd: {  	[smem:$0x3F99] =	sst s5  }
0xe: {  	[smem:$0x3F9A] =	sst s6  }
0xf: {  	[smem:$0x3F9B] =	sst s7  }
0x10: {  	[smem:$0x3F9C] =	sst s8  }
0x11: {  	[smem:$0x3F9D] =	sst s9;
	s0 =	simm.s32 @!p0 $0x0  }
0x12: {  	s1 =	sld [smem:$0x3F83];
	s0 =	simm.s32 @p0 $0x1  }
0x13: {  	[smem:$0x3F9E] =	sst s0;
	s0 =	simm.s32 @!p1 $0x0  }
0x14: {  	s2 =	sld [smem:$0x3F82];
	s0 =	simm.s32 @p1 $0x1  }
0x15: {  	[smem:$0x3F9F] =	sst s0;
	s0 =	simm.s32 @!p2 $0x0  }
0x16: {  	s3 =	sld [smem:$0x3FDB];
	s0 =	simm.s32 @p2 $0x1  }
0x17: {  	s4 =	simm.s32 $0x1BF5;
	[smem:$0x3FA1] =	sst s0  }
0x18: {  	s0 =	sld [smem:$0x3F84];
	_ =	swait.ge [sflag:s4], $0x0  }
0x19: {  	s7 =	sld [smem:$0x3F85]  }
0x1a: {  	s8 =	sadd.s32 $0xFFFFE003, lr  }
0x1b: {  	s9 =	sadd.s32 $0xFFFFFEF7, lr;
	s5 =	simm.s32 $0xFFFFFFFF;
	p2 =	slt.u32 s8, $0xFFFFF086  }
0x1c: {  	p1 =	slt.u32 s9, $0xF7A;
	s5 =	simm.s32 @!p2 $0x0  }
0x1d: {  	s5 =	simm.s32 @p1 $0x1;
	p0 =	seq.s32 s7, s2  }
0x1e: {  	s7 =	smul.u32 @!p0 $0xF7A, s2;
	p2 =	seq.s32 @!p0 s5, $0x0  }
0x1f: {  	s9 =	smul.u32 $0xF7A, s1;
	s8 =	simm.s32 @!p0 $0x1BF5;
	p2 =	por !p2, p0  }
0x20: {  	[sflag:s8] =	ssyncset.s32 @!p0 $0xFFFFF086;
	s6 =	sadd.s32 @!p0 s3, s7;
	s7 =	simm.s32 @!p0 $0x108  }
0x21: {  	s3 =	sadd.s32 s3, s9;
	s6 =	sadd.s32 @!p0 $0x88, s6;
	s7 =	simm.s32 @p2 $0x1082  }
0x22: {  	[simem:s7], [sflag:s8] =	dma.local @!p0 [hbm:s6], $0xF7A  }
0x23: {  	s9 =	sor.u32 $0xD0000000, s2;
	s6 =	simm.s32 $0x108;
	_ =	swait.ge @!p0 [sflag:s8], $0x0  }
0x24: {  	s3 =	sadd.s32 $0x88, s3;
	s6 =	simm.s32 @!p1 $0x1082;
	[sflag:s4] =	ssyncset.s32 $0xFFFFF086  }
0x25: {  	[simem:s6], [sflag:s4] =	dma.local [hbm:s3], $0xF7A  }
0x26: {  	[smem:$0x3F85] =	sst s1;
	(tag) =	ssettag s2;
	_ =	strace s9  }
0x27: {  	s1 =	sld [smem:$0x3F95]  }
0x28: {  	s2 =	sld [smem:$0x3F96]  }
0x29: {  	s4 =	sld [smem:$0x3F98]  }
0x2a: {  	p0 =	seq.s32 s5, $0x0;
	s5 =	sld [smem:$0x3F99]  }
0x2b: {  	s6 =	sld [smem:$0x3F9A]  }
0x2c: {  	s7 =	sld [smem:$0x3F9B]  }
0x2d: {  	s3 =	simm.s32 $0x108;
	s8 =	sld [smem:$0x3F9C]  }
0x2e: {  	s3 =	simm.s32 @!p0 $0x1082;
	s9 =	sld [smem:$0x3F9D]  }
0x2f: {  	lr =	sadd.s32 s0, s3;
	s0 =	sld [smem:$0x3F94]  }
0x30: {  	s3 =	sld [smem:$0x3F97]  }
0x31: {  	[smem:$0x3FA0] =	sst s10  }
0x32: {  	s10 =	sld [smem:$0x3F9E];
	_ =	sdelay $0x3  }
0x33: {  	p0 =	seq.s32 s10, $0x1;
	s10 =	sld [smem:$0x3FA0];
	_ =	sdelay $0x3  }
0x34: {  	[smem:$0x3FA0] =	sst s10  }
0x35: {  	s10 =	sld [smem:$0x3F9F];
	_ =	sdelay $0x3  }
0x36: {  	p1 =	seq.s32 s10, $0x1;
	s10 =	sld [smem:$0x3FA0];
	_ =	sdelay $0x3  }
0x37: {  	[smem:$0x3FA0] =	sst s10  }
0x38: {  	s10 =	sld [smem:$0x3FA1]  }
0x39: {  	_ = 	snop;
	(pc) =	sbr.ind lr, $3  }
0x3a: {  	_ = 	snop  }
0x3b: {  	_ = 	snop  }
0x3c: {  	p2 =	seq.s32 s10, $0x1;
	s10 =	sld [smem:$0x3FA0]  }
0x3d: {  	_ =	shalt  }
0x3e: {  	_ =	shalt  }
0x3f: {  	_ =	shalt  }
0x40: {  	_ =	shalt  }
0x41: {  	_ =	shalt  }
0x42: {  	_ =	shalt  }
0x43: {  	_ =	shalt  }
0x44: {  	_ =	shalt  }
0x45: {  	_ =	shalt  }
0x46: {  	_ =	shalt  }
0x47: {  	_ =	shalt  }
0x48: {  	_ =	shalt  }
0x49: {  	_ =	shalt  }
0x4a: {  	_ =	shalt  }
0x4b: {  	_ =	shalt  }
0x4c: {  	_ =	shalt  }
0x4d: {  	_ =	shalt  }
0x4e: {  	_ =	shalt  }
0x4f: {  	_ =	shalt  }
0x50: {  	_ =	shalt  }
0x51: {  	_ =	shalt  }
0x52: {  	_ =	shalt  }
0x53: {  	_ =	shalt  }
0x54: {  	_ =	shalt  }
0x55: {  	_ =	shalt  }
0x56: {  	_ =	shalt  }
0x57: {  	_ =	shalt  }
0x58: {  	_ =	shalt  }
0x59: {  	_ =	shalt  }
0x5a: {  	_ =	shalt  }
0x5b: {  	_ =	shalt  }
0x5c: {  	_ =	shalt  }
0x5d: {  	_ =	shalt  }
0x5e: {  	_ =	shalt  }
0x5f: {  	_ =	shalt  }
0x60: {  	_ =	shalt  }
0x61: {  	_ =	shalt  }
0x62: {  	_ =	shalt  }
0x63: {  	_ =	shalt  }
0x64: {  	_ =	shalt  }
0x65: {  	_ =	shalt  }
0x66: {  	_ =	shalt  }
0x67: {  	_ =	shalt  }
0x68: {  	_ =	shalt  }
0x69: {  	_ =	shalt  }
0x6a: {  	_ =	shalt  }
0x6b: {  	_ =	shalt  }
0x6c: {  	_ =	shalt  }
0x6d: {  	_ =	shalt  }
0x6e: {  	_ =	shalt  }
0x6f: {  	_ =	shalt  }
0x70: {  	_ =	shalt  }
0x71: {  	_ =	shalt  }
0x72: {  	_ =	shalt  }
0x73: {  	_ =	shalt  }
0x74: {  	_ =	shalt  }
0x75: {  	_ =	shalt  }
0x76: {  	_ =	shalt  }
0x77: {  	_ =	shalt  }
0x78: {  	_ =	shalt  }
0x79: {  	_ =	shalt  }
0x7a: {  	_ =	shalt  }
0x7b: {  	_ =	shalt  }
0x7c: {  	_ =	shalt  }
0x7d: {  	_ =	shalt  }
0x7e: {  	_ =	shalt  }
0x7f: {  	_ =	shalt  }
0x80: {  	_ =	shalt  }
0x81: {  	_ =	shalt  }
0x82: {  	_ =	shalt  }
0x83: {  	_ =	shalt  }
0x84: {  	_ =	shalt  }
0x85: {  	_ =	shalt  }
0x86: {  	_ =	shalt  }
0x87: {  	_ =	shalt  }
.Lfunc_end0:
.L_simem_size_0:
called_computation.2_lowered:
.L_overlay_start_0:
0x88: {  	s2 =	sld [smem:$0x3FD9]  }
0x89: {  	s3 =	sld [smem:$0x3FFE];
	_ =	sdelay $0x1  }
0x8a: {  	s1 =	srdreg.scid  }
0x8b: {  	s0 =	sand.u32 $0x1, s1  }
0x8c: {  	s16 =	sshll.u32 s0, $0xA;
	s2 =	sadd.s32 s3, s2  }
0x8d: {  	s2 =	sadd.s32 s2, s16  }
0x8e: {  	[smem:$0x3FAC] =	sst s2  }
0x8f: {  	_ = 	snop  }
0x90: {  	(tm) =	ssettm $0x1  }
0x91: {  	s17 =	sld [smem:$0x3FFB];
	_ =	sdelay $0x3  }
0x92: {  	_ =	strace s17  }
0x93: {  	s2 =	sld [smem:$0x3FFC];
	_ =	sdelay $0x3  }
0x94: {  	_ =	strace s2  }
0x95: {  	s2 =	sld [smem:$0x3FFD];
	_ =	sdelay $0x3  }
0x96: {  	_ =	strace s2  }
0x97: {  	_ =	strace $0x8FFFFFFF  }
0x98: {  	s18 =	sld [smem:$0x3FDB];
	_ =	sdelay $0x1  }
0x99: {  	s19 =	simm.s32 $_scs_section_size  }
0x9a: {  	s4 =	simm.s32 $_size__tile_overlayer_lowered;
	s5 =	simm.s32 $_tile_overlayer_lowered  }
0x9b: {  	s22 =	simm.s32 $0x1BFF;
	s21 =	sshll.u32 s5, $0x1;
	s2 =	sadd.s32 s19, s18  }
0x9c: {  	s6 =	simm.s32 $0x0;
	s20 =	sshll.u32 s4, $0x1;
	s4 =	sadd.s32 s21, s2  }
0x9d: {  	[timem:s6], [sflag:s22] =	dma.local [hbm:s4], s20  }
0x9e: {  	_ =	swait.ge [sflag:s22], s20  }
0x9f: {  	s3 =	ssub.s32 $0x0, s20;
	[sflag:s22] =	ssyncset.done $0x0  }
0xa0: {  	[sflag:s22] =	ssyncadd.s32 s3;
	_ =	sdelay $0x1  }
0xa1: {  	s23 =	simm.s32 $0x1B8B  }
0xa2: {  	_ =	swait.ge [sflag:s23], $0x1  }
0xa3: {  	[sflag:s23] =	ssyncset.done $0x0  }
0xa4: {  	s25 =	simm.s32 $0x1B8E;
	s24 =	sld [smem:$0x3FFE];
	[sflag:s23] =	ssyncadd.s32 $0xFFFFFFFF  }
0xa5: {  	s26 =	simm.s32 $execute0_lowered;
	[smem:$0x3FD2] =	sst s25  }
0xa6: {  	s4 =	sshll.u32 s26, $0x1;
	_ =	strace $0x8000004C;
	[dreg:$0x1] =	wrdreg $0xFFFFFFFF  }
0xa7: {  	s28 =	simm.s32 $_size_execute0_lowered;
	s2 =	sadd.s32 s2, s4;
	[dreg:$0x0] =	wrdreg $0x0  }
0xa8: {  	s4 =	sshll.u32 s28, $0x1;
	[dreg:$0x2] =	wrdreg s2  }
0xa9: {  	[dreg:$0x3] =	wrdreg s4  }
0xaa: {  	[dreg:$0x4] =	wrdreg $0xC0  }
0xab: {  	_ =	task [dreg:s6], $0x5FFFF  }
0xac: {  	[dreg:$0x1] =	wrdreg $0xFFFFFFFF  }
0xad: {  	[dreg:$0x0] =	wrdreg $0x60  }
0xae: {  	[dreg:$0x2] =	wrdreg s24  }
0xaf: {  	[dreg:$0x3] =	wrdreg $0xA8000  }
0xb0: {  	[dreg:$0x4] =	wrdreg $0x9  }
0xb1: {  	_ =	task.clear_ibuf [dreg:s6], $0x5FFFF;
	_ =	strace $0x9000004C  }
0xb2: {  	s29 =	simm.s32 $0x9;
	_ =	strace $0x8000004E  }
0xb3: {  	_ =	swait.ge [sflag:s29], $0x1  }
0xb4: {  	[sflag:s29] =	ssyncadd.s32 $0xFFFFFFFF  }
0xb5: {  	_ =	strace $0x9000004E  }
0xb6: {  	_ =	sfence  }
0xb7: {  	s30 =	sld [smem:$0x0];
	_ =	sdelay $0x2  }
0xb8: {  	s31 =	sshll.u32 s1, $0xD;
	s1 =	sshrl.u32 s1, $0x2  }
0xb9: {  	s3 =	sand.u32 $0x4000, s31;
	s1 =	sadd.s32 s1, s30  }
0xba: {  	s0 =	sor.u32 s3, s0;
	s1 =	sshll.u32 s1, $0x11  }
0xbb: {  	s0 =	sor.u32 s1, s0  }
0xbc: {  	s0 =	sadd.s32 $0x8F2B, s0  }
0xbd: {  	[sflag:s0] =	ssyncadd.remote.s32 $0x1  }
0xbe: {  	_ =	sfence.sel $0xFFFF  }
0xbf: {  	[dreg:$0x0] =	wrdreg $0xFFFFFFFF;
	(pc) =	sbr.abs _section_cstart, $3  }
0xc0: {  	[dreg:$0x1] =	wrdreg $0xFFFFFFFF  }
0xc1: {  	_ =	task.clear_ibuf [dreg:s6], $0x2FFFF;
	_ =	strace $0x9FFFFFFF  }
0xc2: {  	(tm) =	ssettm $0x7FFFFFFF  }
0xc3: {  	_ =	shalt  }
tec
execute0_lowered:
.L_overlay_start_1:
0x0: {  	(tag) =	ssettag $0x1  }
0x1: {  	s8 =	rddreg [dreg:$0x0]  }
0x2: {  	s1 =	rddreg [dreg:$0x1]  }
0x3: {  	s0 =	rddreg [dreg:$0x2];
	s2 =	simm.s32 $0x0  }
0x4: {  	s3 =	srdreg.scid;
	s19 =	simm.s32 $0x7D;
	s20 =	simm.s32 $0x2800  }
0x5: {  	s21 =	simm.s32 $0x80;
	s22 =	simm.s32 $0x6800;
	s23 =	simm.s32 $0x1480  }
0x6: {  	s24 =	simm.s32 $0x2;
	s25 =	simm.s32 $0x3;
	s26 =	simm.s32 $0x4  }
0x7: {  	[smem:$0x7FF] =	sst s2;
	s6 =	sand.u32 $0x1, s3;
	s3 =	stileid.u32  }
0x8: {  	s4 =	sadd.s32 $0x3FA00, s8;
	s9 =	sadd.s32 $0x4800, s8;
	s7 =	smul.u32 $0x2800, s3  }
0x9: {  	s10 =	sadd.s32 $0xE800, s8;
	s12 =	sadd.s32 $0x66C00, s8;
	s15 =	smul.u32 $0x50000, s3  }
0xa: {  	s28 =	simm.s32 $0x0;
	_ =	strace $0x8000004D;
	s31 =	smul.u32 $0x138800, s6  }
0xb: {  	s5 =	sshll.u32 s6, $0x4;
	s11 =	ssub.s32 $0x2, s6;
	s16 =	smul.u32 $0x14000, s3  }
0xc: {  	p0 =	seq.s32 s3, $0xF;
	s5 =	sor.u32 s3, s5;
	s13 =	sshrl.u32 s11, $0x1  }
0xd: {  	s5 =	smul.u32 $0x2800, s5;
	s7 =	sadd.s32 s7, s8;
	s13 =	ssub.s32 s11, s13  }
0xe: {  	s15 =	sshrl.u32 s15, $0x2;
	s8 =	sadd.s32 $0x3E000, s8;
	s16 =	sadd.s32 s16, s31  }
0xf: {  	s18 =	sshrl.u32 s31, $0x3;
	s17 =	sadd.s32 s15, s1;
	s7 =	sadd.s32 $0x18800, s7  }
0x10: {  	s15 =	sadd.s32 $0x12C000, s1;
	s16 =	sshrl.u32 s16, $0x3;
	s13 =	smax.u32 s13, $0x1  }
0x11: {  	s14 =	sshrl.u32 s5, $0x3;
	s11 =	sadd.s32 s12, s16;
	s12 =	sadd.s32 s12, s18  }
0x12: {  	s15 =	sshrl.u32 @p0 s15, $0x3;
	s16 =	sshll.u32 @!p0 s3, $0x6;
	s17 =	sshrl.u32 @!p0 s17, $0x3  }
0x13: {  	s18 =	simm.s32 $0x1;
	s5 =	sadd.s32 s9, s14;
	s6 =	sadd.s32 s10, s14  }
0x14: {  	s14 =	sadd.s32 $0x280, s14;
	s12 =	sadd.s32 $0x25800, s12;
	s16 =	sor.u32 @!p0 $0x1C04, s16  }
0x15: {  	s9 =	sadd.s32 s9, s14;
	s10 =	sadd.s32 s10, s14;
	s14 =	simm.s32 $0x1400  }
.LBB2_1:
0x16: {  	[tilespmem:s2], [sflag:$0x1] =	stream.linear.gather [hbm4b:s5+s2], $0x1400, $0x38;
	[tilespmem:$0x1E080] =	vst v63  }
0x17: {  	s29 =	simm.s32 @p0 $0x1FC4  }
0x18: {  	[tilespmem:s14], [sflag:$0x1] =	stream.linear.gather [hbm4b:s6+s2], $0x1400, $0x38;
	[tilespmem:$0x1E080] =	vst v63  }
0x19: {  	[spmem:s15], [sflag:s29] =	dma.local @p0 [hbm:s8], $0x1900  }
0x1a: {  	s29 =	simm.s32 @p0 $0x4  }
0x1b: {  	_ =	swait.ge @p0 [sflag:s29], $0x1900  }
0x1c: {  	[sflag:s29] =	ssyncset.done @p0 $0x0  }
0x1d: {  	[sflag:s29] =	ssyncadd.s32 @p0 $0xFFFFE700;
	s29 =	simm.s32 @!p0 $0x4  }
0x1e: {  	[spmem:s17], [sflag:s16] =	dma.local @!p0 [hbm:s7], $0x2800  }
0x1f: {  	_ =	swait.ge @!p0 [sflag:s29], $0x2800  }
0x20: {  	[sflag:s29] =	ssyncset.done @!p0 $0x0  }
0x21: {  	[sflag:s29] =	ssyncadd.s32 @!p0 $0xFFFFD800  }
0x22: {  	_ =	swait.ge [sflag:s18], $0x1400  }
0x23: {  	[sflag:s18] =	ssyncset.done $0x0  }
0x24: {  	[sflag:s18] =	ssyncadd.s32 $0xFFFFEC00  }
0x25: {  	_ =	swait.ge [sflag:s18], $0x1400  }
0x26: {  	[sflag:s18] =	ssyncset.done $0x0  }
0x27: {  	[sflag:s18] =	ssyncadd.s32 $0xFFFFEC00  }
0x28: {  	[bflag:$0x0] =	sbarrier.arrive $0xFFFF  }
0x29: {  	[tilespmem:s20], [sflag:$0x1] =	stream.indirect.gather [hbm4b:s4+s19], $0x80, s2, s19, $0xb8;
	[tilespmem:$0x1E080] =	vst v63  }
0x2a: {  	_ =	swait.ge [sflag:s18], $0x3E80  }
0x2b: {  	[sflag:s18] =	ssyncset.done $0x0  }
0x2c: {  	[sflag:s18] =	ssyncadd.s32 $0xFFFFC180  }
0x2d: {  	[spmem:s1] =	stream.indirect.scatter.add.f32 [tilespmem:s20], [sflag:$0x2], $0x80, s14, s19, $0xb8;
	[tilespmem:$0x1E080] =	vst v63  }
0x2e: {  	_ = 	snop  }
0x2f: {  	[tilespmem:s22], [sflag:$0x1] =	stream.indirect.gather [hbm4b:s4+s19], $0x80, s21, s19, $0xb8;
	[tilespmem:$0x1E080] =	vst v63  }
0x30: {  	_ =	swait.ge [sflag:s18], $0x3E80  }
0x31: {  	[sflag:s18] =	ssyncset.done $0x0  }
0x32: {  	[sflag:s18] =	ssyncadd.s32 $0xFFFFC180  }
0x33: {  	[spmem:s1] =	stream.indirect.scatter.add.f32 [tilespmem:s22], [sflag:$0x3], $0x80, s23, s19, $0xb8;
	[tilespmem:$0x1E080] =	vst v63  }
0x34: {  	_ =	swait.ge [sflag:s24], $0x3E80  }
0x35: {  	[sflag:s24] =	ssyncset.done $0x0  }
0x36: {  	s29 =	simm.s32 $0x100;
	[sflag:s24] =	ssyncadd.s32 $0xFFFFC180  }
0x37: {  	[tilespmem:s20], [sflag:$0x1] =	stream.indirect.gather [hbm4b:s4+s19], $0x80, s29, s19, $0xb8;
	[tilespmem:$0x1E080] =	vst v63  }
0x38: {  	_ =	swait.ge [sflag:s18], $0x3E80  }
0x39: {  	[sflag:s18] =	ssyncset.done $0x0  }
0x3a: {  	s29 =	simm.s32 $0x1500;
	[sflag:s18] =	ssyncadd.s32 $0xFFFFC180  }
0x3b: {  	[spmem:s1] =	stream.indirect.scatter.add.f32 [tilespmem:s20], [sflag:$0x2], $0x80, s29, s19, $0xb8;
	[tilespmem:$0x1E080] =	vst v63  }
0x3c: {  	_ =	swait.ge [sflag:s25], $0x3E80  }
0x3d: {  	[sflag:s25] =	ssyncset.done $0x0  }
0x3e: {  	s29 =	simm.s32 $0x180;
	[sflag:s25] =	ssyncadd.s32 $0xFFFFC180  }
0x3f: {  	[tilespmem:s22], [sflag:$0x1] =	stream.indirect.gather [hbm4b:s4+s19], $0x80, s29, s19, $0xb8;
	[tilespmem:$0x1E080] =	vst v63  }
0x40: {  	_ =	swait.ge [sflag:s18], $0x3E80  }
0x41: {  	[sflag:s18] =	ssyncset.done $0x0  }
0x42: {  	s30 =	simm.s32 $0x1580;
	s29 =	simm.s32 $0xFFFFB800;
	[sflag:s18] =	ssyncadd.s32 $0xFFFFC180  }
.LBB2_2:
0x43: {  	[spmem:s1] =	stream.indirect.scatter.add.f32 [tilespmem:s22], [sflag:$0x3], $0x80, s30, s19, $0xb8;
	[tilespmem:$0x1E080] =	vst v63  }
0x44: {  	s30 =	smov.u32 s29  }
0x45: {  	p1 =	sne.s32 s29, $0xFFFFFC00;
	s29 =	sadd.s32 $0x400, s29;
	_ =	swait.ge [sflag:s24], $0x3E80  }
0x46: {  	s30 =	sshra.s32 s30, $0x2;
	[sflag:s24] =	ssyncset.done $0x0  }
0x47: {  	s31 =	sadd.s32 $0x1400, s30;
	[sflag:s24] =	ssyncadd.s32 $0xFFFFC180  }
0x48: {  	[tilespmem:s20], [sflag:$0x1] =	stream.indirect.gather [hbm4b:s4+s19], $0x80, s31, s19, $0xb8;
	[tilespmem:$0x1E080] =	vst v63  }
0x49: {  	_ =	swait.ge [sflag:s18], $0x3E80  }
0x4a: {  	[sflag:s18] =	ssyncset.done $0x0  }
0x4b: {  	s31 =	sadd.s32 $0x2800, s30;
	[sflag:s18] =	ssyncadd.s32 $0xFFFFC180  }
0x4c: {  	[spmem:s1] =	stream.indirect.scatter.add.f32 [tilespmem:s20], [sflag:$0x2], $0x80, s31, s19, $0xb8;
	[tilespmem:$0x1E080] =	vst v63  }
0x4d: {  	_ =	swait.ge [sflag:s25], $0x3E80  }
0x4e: {  	[sflag:s25] =	ssyncset.done $0x0  }
.Ltmp0:
0x4f: {  	s31 =	sadd.s32 $0x1480, s30;
	[sflag:s25] =	ssyncadd.s32 $0xFFFFC180;
	(pc) =	sbr.rel @p1 .LBB2_2-.Ltmp0, $4  }
0x50: {  	[tilespmem:s22], [sflag:$0x1] =	stream.indirect.gather [hbm4b:s4+s19], $0x80, s31, s19, $0xb8;
	[tilespmem:$0x1E080] =	vst v63  }
0x51: {  	_ =	swait.ge [sflag:s18], $0x3E80  }
0x52: {  	[sflag:s18] =	ssyncset.done $0x0  }
0x53: {  	s30 =	sadd.s32 $0x2880, s30;
	[sflag:s18] =	ssyncadd.s32 $0xFFFFC180  }
0x54: {  	[spmem:s1] =	stream.indirect.scatter.add.f32 [tilespmem:s22], [sflag:$0x3], $0x80, s30, s19, $0xb8;
	[tilespmem:$0x1E080] =	vst v63  }
0x55: {  	_ =	swait.ge [sflag:s24], $0x3E80  }
0x56: {  	[sflag:s24] =	ssyncset.done $0x0  }
0x57: {  	[sflag:s24] =	ssyncadd.s32 $0xFFFFC180  }
0x58: {  	_ =	swait.ge [sflag:s25], $0x3E80  }
0x59: {  	[sflag:s25] =	ssyncset.done $0x0  }
0x5a: {  	[sflag:s25] =	ssyncadd.s32 $0xFFFFC180  }
0x5b: {  	[tilespmem:s2], [sflag:$0x4] =	stream.linear.gather [hbm4b:s9+s2], $0x1400, $0x38;
	[tilespmem:$0x1E080] =	vst v63  }
0x5c: {  	_ =	swait.ge [sflag:s26], $0x1400  }
0x5d: {  	[sflag:s26] =	ssyncset.done $0x0  }
0x5e: {  	[sflag:s26] =	ssyncadd.s32 $0xFFFFEC00  }
0x5f: {  	[tilespmem:s14], [sflag:$0x4] =	stream.linear.gather [hbm4b:s10+s2], $0x1400, $0x38;
	[tilespmem:$0x1E080] =	vst v63  }
0x60: {  	_ =	swait.ge [sflag:s26], $0x1400  }
0x61: {  	[sflag:s26] =	ssyncset.done $0x0  }
0x62: {  	[sflag:s26] =	ssyncadd.s32 $0xFFFFEC00  }
0x63: {  	[tilespmem:s20], [sflag:$0x1] =	stream.indirect.gather [hbm4b:s4+s19], $0x80, s2, s19, $0xb8;
	[tilespmem:$0x1E080] =	vst v63  }
0x64: {  	_ =	swait.ge [sflag:s18], $0x3E80  }
0x65: {  	[sflag:s18] =	ssyncset.done $0x0  }
0x66: {  	[sflag:s18] =	ssyncadd.s32 $0xFFFFC180  }
0x67: {  	[spmem:s1] =	stream.indirect.scatter.add.f32 [tilespmem:s20], [sflag:$0x2], $0x80, s14, s19, $0xb8;
	[tilespmem:$0x1E080] =	vst v63  }
0x68: {  	_ = 	snop  }
0x69: {  	[tilespmem:s22], [sflag:$0x1] =	stream.indirect.gather [hbm4b:s4+s19], $0x80, s21, s19, $0xb8;
	[tilespmem:$0x1E080] =	vst v63  }
0x6a: {  	_ =	swait.ge [sflag:s18], $0x3E80  }
0x6b: {  	[sflag:s18] =	ssyncset.done $0x0  }
0x6c: {  	[sflag:s18] =	ssyncadd.s32 $0xFFFFC180  }
0x6d: {  	[spmem:s1] =	stream.indirect.scatter.add.f32 [tilespmem:s22], [sflag:$0x3], $0x80, s23, s19, $0xb8;
	[tilespmem:$0x1E080] =	vst v63  }
0x6e: {  	_ =	swait.ge [sflag:s24], $0x3E80  }
0x6f: {  	[sflag:s24] =	ssyncset.done $0x0  }
0x70: {  	s29 =	simm.s32 $0x100;
	[sflag:s24] =	ssyncadd.s32 $0xFFFFC180  }
0x71: {  	[tilespmem:s20], [sflag:$0x1] =	stream.indirect.gather [hbm4b:s4+s19], $0x80, s29, s19, $0xb8;
	[tilespmem:$0x1E080] =	vst v63  }
0x72: {  	_ =	swait.ge [sflag:s18], $0x3E80  }
0x73: {  	[sflag:s18] =	ssyncset.done $0x0  }
0x74: {  	s29 =	simm.s32 $0x1500;
	[sflag:s18] =	ssyncadd.s32 $0xFFFFC180  }
0x75: {  	[spmem:s1] =	stream.indirect.scatter.add.f32 [tilespmem:s20], [sflag:$0x2], $0x80, s29, s19, $0xb8;
	[tilespmem:$0x1E080] =	vst v63  }
0x76: {  	_ =	swait.ge [sflag:s25], $0x3E80  }
0x77: {  	[sflag:s25] =	ssyncset.done $0x0  }
0x78: {  	s29 =	simm.s32 $0x180;
	[sflag:s25] =	ssyncadd.s32 $0xFFFFC180  }
0x79: {  	[tilespmem:s22], [sflag:$0x1] =	stream.indirect.gather [hbm4b:s4+s19], $0x80, s29, s19, $0xb8;
	[tilespmem:$0x1E080] =	vst v63  }
0x7a: {  	_ =	swait.ge [sflag:s18], $0x3E80  }
0x7b: {  	[sflag:s18] =	ssyncset.done $0x0  }
0x7c: {  	s30 =	simm.s32 $0x1580;
	s29 =	simm.s32 $0xFFFFB800;
	[sflag:s18] =	ssyncadd.s32 $0xFFFFC180  }
.LBB2_4:
0x7d: {  	[spmem:s1] =	stream.indirect.scatter.add.f32 [tilespmem:s22], [sflag:$0x3], $0x80, s30, s19, $0xb8;
	[tilespmem:$0x1E080] =	vst v63  }
0x7e: {  	s30 =	smov.u32 s29  }
0x7f: {  	p1 =	sne.s32 s29, $0xFFFFFC00;
	s29 =	sadd.s32 $0x400, s29;
	_ =	swait.ge [sflag:s24], $0x3E80  }
0x80: {  	s30 =	sshra.s32 s30, $0x2;
	[sflag:s24] =	ssyncset.done $0x0  }
0x81: {  	s31 =	sadd.s32 $0x1400, s30;
	[sflag:s24] =	ssyncadd.s32 $0xFFFFC180  }
0x82: {  	[tilespmem:s20], [sflag:$0x1] =	stream.indirect.gather [hbm4b:s4+s19], $0x80, s31, s19, $0xb8;
	[tilespmem:$0x1E080] =	vst v63  }
0x83: {  	_ =	swait.ge [sflag:s18], $0x3E80  }
0x84: {  	[sflag:s18] =	ssyncset.done $0x0  }
0x85: {  	s31 =	sadd.s32 $0x2800, s30;
	[sflag:s18] =	ssyncadd.s32 $0xFFFFC180  }
0x86: {  	[spmem:s1] =	stream.indirect.scatter.add.f32 [tilespmem:s20], [sflag:$0x2], $0x80, s31, s19, $0xb8;
	[tilespmem:$0x1E080] =	vst v63  }
0x87: {  	_ =	swait.ge [sflag:s25], $0x3E80  }
0x88: {  	[sflag:s25] =	ssyncset.done $0x0  }
.Ltmp1:
0x89: {  	s31 =	sadd.s32 $0x1480, s30;
	[sflag:s25] =	ssyncadd.s32 $0xFFFFC180;
	(pc) =	sbr.rel @p1 .LBB2_4-.Ltmp1, $4  }
0x8a: {  	[tilespmem:s22], [sflag:$0x1] =	stream.indirect.gather [hbm4b:s4+s19], $0x80, s31, s19, $0xb8;
	[tilespmem:$0x1E080] =	vst v63  }
0x8b: {  	_ =	swait.ge [sflag:s18], $0x3E80  }
0x8c: {  	[sflag:s18] =	ssyncset.done $0x0  }
0x8d: {  	s30 =	sadd.s32 $0x2880, s30;
	[sflag:s18] =	ssyncadd.s32 $0xFFFFC180  }
0x8e: {  	[spmem:s1] =	stream.indirect.scatter.add.f32 [tilespmem:s22], [sflag:$0x3], $0x80, s30, s19, $0xb8;
	[tilespmem:$0x1E080] =	vst v63  }
0x8f: {  	_ =	swait.ge [sflag:s24], $0x3E80  }
0x90: {  	[sflag:s24] =	ssyncset.done $0x0  }
0x91: {  	[sflag:s24] =	ssyncadd.s32 $0xFFFFC180  }
0x92: {  	_ =	swait.ge [sflag:s25], $0x3E80  }
0x93: {  	[sflag:s25] =	ssyncset.done $0x0  }
0x94: {  	[sflag:s25] =	ssyncadd.s32 $0xFFFFC180  }
0x95: {  	s29 =	simm.s32 @p0 $0x1FC4;
	[bflag:$0x0] =	sbarrier.arrive $0xFFFF  }
0x96: {  	[hbm:s12], [sflag:s29] =	dma.local @p0 [spmem:s15], $0x1900  }
0x97: {  	s29 =	simm.s32 @p0 $0x4  }
0x98: {  	s28 =	sadd.s32 $0x1, s28;
	_ =	swait.ge @p0 [sflag:s29], $0x1900  }
0x99: {  	p1 =	sne.s32 s28, s13;
	[sflag:s29] =	ssyncset.done @p0 $0x0  }
.Ltmp2:
0x9a: {  	[sflag:s29] =	ssyncadd.s32 @p0 $0xFFFFE700;
	s29 =	simm.s32 @!p0 $0x4;
	(pc) =	sbr.rel @p1 .LBB2_1-.Ltmp2, $4  }
0x9b: {  	[hbm:s11], [sflag:s16] =	dma.local @!p0 [spmem:s17], $0x2800  }
0x9c: {  	_ =	swait.ge @!p0 [sflag:s29], $0x2800  }
0x9d: {  	[sflag:s29] =	ssyncset.done @!p0 $0x0  }
0x9e: {  	[sflag:s29] =	ssyncadd.s32 @!p0 $0xFFFFD800  }
0x9f: {  	_ =	sfence.sel $0x180000  }
0xa0: {  	[bflag:$0x0] =	sbarrier.arrive $0xFFFF  }
0xa1: {  	p0 =	sne.s32 s3, $0x0;
	_ =	strace $0x9000004D  }
0xa2: {  	s0 =	sadd.s32 @!p0 $0x100000, s0;
	[bflag:$0x2] =	sbarrier.arrive $0xFFFF  }
0xa3: {  	[sflag:s0] =	ssyncadd.tile.s32 @!p0 $0x1;
	_ =	shalt  }
.Lfunc_end2:
_tile_overlayer_lowered:
.L_overlay_start_2:
0xa4: {  	(tag) =	ssettag $0x2  }
0xa5: {  	s0 =	rddreg [dreg:$0x0];
	s2 =	stileid.u32  }
0xa6: {  	s1 =	rddreg [dreg:$0x1];
	p0 =	sne.s32 s2, $0x0  }
0xa7: {  	s3 =	rddreg [dreg:$0x2];
	[bflag:$0x3] =	sbarrier.arrive $0xFFFF;
	s2 =	simm.s32 @!p0 $0x1C04  }
0xa8: {  	[timem:s3], [sflag:s2] =	dma.local @!p0 [hbm:s0], s1  }
0xa9: {  	s0 =	simm.s32 @!p0 $0x4  }
0xaa: {  	_ =	swait.ge @!p0 [sflag:s0], s1  }
0xab: {  	s1 =	ssub.s32 @!p0 $0x0, s1;
	[sflag:s0] =	ssyncset.done @!p0 $0x0  }
0xac: {  	[sflag:s0] =	ssyncadd.s32 @!p0 s1  }
0xad: {  	[bflag:$0x3] =	sbarrier.arrive $0xFFFF  }
0xae: {  	_ =	shalt  }

// kernel: kernel.8.cloned.1.call-start
scs
__scs_entry_jumppad:
0x0: {  	(pc) =	sbr.rel $0x88, $3  }
0x1: {  	(tag) =	ssettag $0x0;
	lr =	simm.s32 $0x1  }
0x2: {  	[smem:$0x3F85] =	sst lr;
	_ =	strace $0xD0000000  }
0x3: {  	_ = 	snop  }
0x4: {  	_ = 	snop  }
0x5: {  	_ = 	snop  }
0x6: {  	_ = 	snop  }
0x7: {  	_ = 	snop  }
__scs_overlays_trampoline_lowered:
0x8: {  	[smem:$0x3F94] =	sst s0  }
0x9: {  	[smem:$0x3F95] =	sst s1  }
0xa: {  	[smem:$0x3F96] =	sst s2  }
0xb: {  	[smem:$0x3F97] =	sst s3  }
0xc: {  	[smem:$0x3F98] =	sst s4  }
0xd: {  	[smem:$0x3F99] =	sst s5  }
0xe: {  	[smem:$0x3F9A] =	sst s6  }
0xf: {  	[smem:$0x3F9B] =	sst s7  }
0x10: {  	[smem:$0x3F9C] =	sst s8  }
0x11: {  	[smem:$0x3F9D] =	sst s9;
	s0 =	simm.s32 @!p0 $0x0  }
0x12: {  	s1 =	sld [smem:$0x3F83];
	s0 =	simm.s32 @p0 $0x1  }
0x13: {  	[smem:$0x3F9E] =	sst s0;
	s0 =	simm.s32 @!p1 $0x0  }
0x14: {  	s2 =	sld [smem:$0x3F82];
	s0 =	simm.s32 @p1 $0x1  }
0x15: {  	[smem:$0x3F9F] =	sst s0;
	s0 =	simm.s32 @!p2 $0x0  }
0x16: {  	s3 =	sld [smem:$0x3FDB];
	s0 =	simm.s32 @p2 $0x1  }
0x17: {  	s4 =	simm.s32 $0x1BF5;
	[smem:$0x3FA1] =	sst s0  }
0x18: {  	s0 =	sld [smem:$0x3F84];
	_ =	swait.ge [sflag:s4], $0x0  }
0x19: {  	s7 =	sld [smem:$0x3F85]  }
0x1a: {  	s8 =	sadd.s32 $0xFFFFE003, lr  }
0x1b: {  	s9 =	sadd.s32 $0xFFFFFEF7, lr;
	s5 =	simm.s32 $0xFFFFFFFF;
	p2 =	slt.u32 s8, $0xFFFFF086  }
0x1c: {  	p1 =	slt.u32 s9, $0xF7A;
	s5 =	simm.s32 @!p2 $0x0  }
0x1d: {  	s5 =	simm.s32 @p1 $0x1;
	p0 =	seq.s32 s7, s2  }
0x1e: {  	s7 =	smul.u32 @!p0 $0xF7A, s2;
	p2 =	seq.s32 @!p0 s5, $0x0  }
0x1f: {  	s9 =	smul.u32 $0xF7A, s1;
	s8 =	simm.s32 @!p0 $0x1BF5;
	p2 =	por !p2, p0  }
0x20: {  	[sflag:s8] =	ssyncset.s32 @!p0 $0xFFFFF086;
	s6 =	sadd.s32 @!p0 s3, s7;
	s7 =	simm.s32 @!p0 $0x108  }
0x21: {  	s3 =	sadd.s32 s3, s9;
	s6 =	sadd.s32 @!p0 $0x88, s6;
	s7 =	simm.s32 @p2 $0x1082  }
0x22: {  	[simem:s7], [sflag:s8] =	dma.local @!p0 [hbm:s6], $0xF7A  }
0x23: {  	s9 =	sor.u32 $0xD0000000, s2;
	s6 =	simm.s32 $0x108;
	_ =	swait.ge @!p0 [sflag:s8], $0x0  }
0x24: {  	s3 =	sadd.s32 $0x88, s3;
	s6 =	simm.s32 @!p1 $0x1082;
	[sflag:s4] =	ssyncset.s32 $0xFFFFF086  }
0x25: {  	[simem:s6], [sflag:s4] =	dma.local [hbm:s3], $0xF7A  }
0x26: {  	[smem:$0x3F85] =	sst s1;
	(tag) =	ssettag s2;
	_ =	strace s9  }
0x27: {  	s1 =	sld [smem:$0x3F95]  }
0x28: {  	s2 =	sld [smem:$0x3F96]  }
0x29: {  	s4 =	sld [smem:$0x3F98]  }
0x2a: {  	p0 =	seq.s32 s5, $0x0;
	s5 =	sld [smem:$0x3F99]  }
0x2b: {  	s6 =	sld [smem:$0x3F9A]  }
0x2c: {  	s7 =	sld [smem:$0x3F9B]  }
0x2d: {  	s3 =	simm.s32 $0x108;
	s8 =	sld [smem:$0x3F9C]  }
0x2e: {  	s3 =	simm.s32 @!p0 $0x1082;
	s9 =	sld [smem:$0x3F9D]  }
0x2f: {  	lr =	sadd.s32 s0, s3;
	s0 =	sld [smem:$0x3F94]  }
0x30: {  	s3 =	sld [smem:$0x3F97]  }
0x31: {  	[smem:$0x3FA0] =	sst s10  }
0x32: {  	s10 =	sld [smem:$0x3F9E];
	_ =	sdelay $0x3  }
0x33: {  	p0 =	seq.s32 s10, $0x1;
	s10 =	sld [smem:$0x3FA0];
	_ =	sdelay $0x3  }
0x34: {  	[smem:$0x3FA0] =	sst s10  }
0x35: {  	s10 =	sld [smem:$0x3F9F];
	_ =	sdelay $0x3  }
0x36: {  	p1 =	seq.s32 s10, $0x1;
	s10 =	sld [smem:$0x3FA0];
	_ =	sdelay $0x3  }
0x37: {  	[smem:$0x3FA0] =	sst s10  }
0x38: {  	s10 =	sld [smem:$0x3FA1]  }
0x39: {  	_ = 	snop;
	(pc) =	sbr.ind lr, $3  }
0x3a: {  	_ = 	snop  }
0x3b: {  	_ = 	snop  }
0x3c: {  	p2 =	seq.s32 s10, $0x1;
	s10 =	sld [smem:$0x3FA0]  }
0x3d: {  	_ =	shalt  }
0x3e: {  	_ =	shalt  }
0x3f: {  	_ =	shalt  }
0x40: {  	_ =	shalt  }
0x41: {  	_ =	shalt  }
0x42: {  	_ =	shalt  }
0x43: {  	_ =	shalt  }
0x44: {  	_ =	shalt  }
0x45: {  	_ =	shalt  }
0x46: {  	_ =	shalt  }
0x47: {  	_ =	shalt  }
0x48: {  	_ =	shalt  }
0x49: {  	_ =	shalt  }
0x4a: {  	_ =	shalt  }
0x4b: {  	_ =	shalt  }
0x4c: {  	_ =	shalt  }
0x4d: {  	_ =	shalt  }
0x4e: {  	_ =	shalt  }
0x4f: {  	_ =	shalt  }
0x50: {  	_ =	shalt  }
0x51: {  	_ =	shalt  }
0x52: {  	_ =	shalt  }
0x53: {  	_ =	shalt  }
0x54: {  	_ =	shalt  }
0x55: {  	_ =	shalt  }
0x56: {  	_ =	shalt  }
0x57: {  	_ =	shalt  }
0x58: {  	_ =	shalt  }
0x59: {  	_ =	shalt  }
0x5a: {  	_ =	shalt  }
0x5b: {  	_ =	shalt  }
0x5c: {  	_ =	shalt  }
0x5d: {  	_ =	shalt  }
0x5e: {  	_ =	shalt  }
0x5f: {  	_ =	shalt  }
0x60: {  	_ =	shalt  }
0x61: {  	_ =	shalt  }
0x62: {  	_ =	shalt  }
0x63: {  	_ =	shalt  }
0x64: {  	_ =	shalt  }
0x65: {  	_ =	shalt  }
0x66: {  	_ =	shalt  }
0x67: {  	_ =	shalt  }
0x68: {  	_ =	shalt  }
0x69: {  	_ =	shalt  }
0x6a: {  	_ =	shalt  }
0x6b: {  	_ =	shalt  }
0x6c: {  	_ =	shalt  }
0x6d: {  	_ =	shalt  }
0x6e: {  	_ =	shalt  }
0x6f: {  	_ =	shalt  }
0x70: {  	_ =	shalt  }
0x71: {  	_ =	shalt  }
0x72: {  	_ =	shalt  }
0x73: {  	_ =	shalt  }
0x74: {  	_ =	shalt  }
0x75: {  	_ =	shalt  }
0x76: {  	_ =	shalt  }
0x77: {  	_ =	shalt  }
0x78: {  	_ =	shalt  }
0x79: {  	_ =	shalt  }
0x7a: {  	_ =	shalt  }
0x7b: {  	_ =	shalt  }
0x7c: {  	_ =	shalt  }
0x7d: {  	_ =	shalt  }
0x7e: {  	_ =	shalt  }
0x7f: {  	_ =	shalt  }
0x80: {  	_ =	shalt  }
0x81: {  	_ =	shalt  }
0x82: {  	_ =	shalt  }
0x83: {  	_ =	shalt  }
0x84: {  	_ =	shalt  }
0x85: {  	_ =	shalt  }
0x86: {  	_ =	shalt  }
0x87: {  	_ =	shalt  }
.Lfunc_end0:
.L_simem_size_0:
called_computation_lowered:
.L_overlay_start_0:
0x88: {  	s2 =	sld [smem:$0x3FD9]  }
0x89: {  	s3 =	sld [smem:$0x3FFE];
	_ =	sdelay $0x1  }
0x8a: {  	s1 =	srdreg.scid  }
0x8b: {  	s0 =	sand.u32 $0x1, s1  }
0x8c: {  	s17 =	sshll.u32 s0, $0xA;
	s2 =	sadd.s32 s3, s2  }
0x8d: {  	s2 =	sadd.s32 s2, s17  }
0x8e: {  	[smem:$0x3FAC] =	sst s2  }
0x8f: {  	_ = 	snop  }
0x90: {  	s2 =	sld [smem:$0x3FC9];
	(tm) =	ssettm $0x1  }
0x91: {  	s18 =	sld [smem:$0x3FFB];
	_ =	sdelay $0x3  }
0x92: {  	_ =	strace s18  }
0x93: {  	s3 =	sld [smem:$0x3FFC];
	_ =	sdelay $0x3  }
0x94: {  	_ =	strace s3  }
0x95: {  	s3 =	sld [smem:$0x3FFD];
	_ =	sdelay $0x3  }
0x96: {  	_ =	strace s3  }
0x97: {  	_ =	strace $0x8FFFFFFF  }
0x98: {  	s19 =	sld [smem:$0x3FDB];
	_ =	sdelay $0x1  }
0x99: {  	s4 =	simm.s32 $_scs_section_size  }
0x9a: {  	s5 =	simm.s32 $_size__tile_overlayer_lowered;
	s6 =	simm.s32 $_tile_overlayer_lowered  }
0x9b: {  	s22 =	simm.s32 $0x1BFF;
	s21 =	sshll.u32 s6, $0x1;
	s3 =	sadd.s32 s4, s19  }
0x9c: {  	s7 =	simm.s32 $0x0;
	s20 =	sshll.u32 s5, $0x1;
	s5 =	sadd.s32 s21, s3  }
0x9d: {  	[timem:s7], [sflag:s22] =	dma.local [hbm:s5], s20  }
0x9e: {  	_ =	swait.ge [sflag:s22], s20  }
0x9f: {  	s4 =	ssub.s32 $0x0, s20;
	[sflag:s22] =	ssyncset.done $0x0  }
0xa0: {  	[sflag:s22] =	ssyncadd.s32 s4;
	_ =	sdelay $0x1  }
0xa1: {  	s23 =	simm.s32 $0x1B8B  }
0xa2: {  	_ =	swait.ge [sflag:s23], $0x1  }
0xa3: {  	[sflag:s23] =	ssyncset.done $0x0  }
0xa4: {  	s25 =	simm.s32 $0x1B8E;
	s24 =	sld [smem:$0x3FFE];
	[sflag:s23] =	ssyncadd.s32 $0xFFFFFFFF  }
0xa5: {  	s26 =	simm.s32 $execute0_lowered;
	[smem:$0x3FD2] =	sst s25  }
0xa6: {  	s5 =	sshll.u32 s26, $0x1;
	_ =	strace $0x80000046;
	[dreg:$0x1] =	wrdreg $0xFFFFFFFF  }
0xa7: {  	s28 =	simm.s32 $_size_execute0_lowered;
	s3 =	sadd.s32 s3, s5;
	[dreg:$0x0] =	wrdreg $0x0  }
0xa8: {  	s5 =	sshll.u32 s28, $0x1;
	[dreg:$0x2] =	wrdreg s3  }
0xa9: {  	[dreg:$0x3] =	wrdreg s5  }
0xaa: {  	[dreg:$0x4] =	wrdreg $0xC0  }
0xab: {  	_ =	task [dreg:s7], $0x5FFFF  }
0xac: {  	[dreg:$0x1] =	wrdreg $0xFFFFFFFF  }
0xad: {  	[dreg:$0x0] =	wrdreg $0x60  }
0xae: {  	[dreg:$0x2] =	wrdreg s2  }
0xaf: {  	[dreg:$0x3] =	wrdreg s24  }
0xb0: {  	[dreg:$0x4] =	wrdreg $0xA8000  }
0xb1: {  	[dreg:$0x5] =	wrdreg $0x9  }
0xb2: {  	_ =	task.clear_ibuf [dreg:s7], $0x6FFFF;
	_ =	strace $0x90000046  }
0xb3: {  	s29 =	simm.s32 $0x9;
	_ =	strace $0x80000048  }
0xb4: {  	_ =	swait.ge [sflag:s29], $0x1  }
0xb5: {  	[sflag:s29] =	ssyncadd.s32 $0xFFFFFFFF  }
0xb6: {  	_ =	strace $0x90000048  }
0xb7: {  	_ =	sfence  }
0xb8: {  	s30 =	sld [smem:$0x0];
	_ =	sdelay $0x2  }
0xb9: {  	s31 =	sshll.u32 s1, $0xD;
	s1 =	sshrl.u32 s1, $0x2  }
0xba: {  	s3 =	sand.u32 $0x4000, s31;
	s1 =	sadd.s32 s1, s30  }
0xbb: {  	s0 =	sor.u32 s3, s0;
	s1 =	sshll.u32 s1, $0x11  }
0xbc: {  	s0 =	sor.u32 s1, s0  }
0xbd: {  	s0 =	sadd.s32 $0x8F2B, s0  }
0xbe: {  	[sflag:s0] =	ssyncadd.remote.s32 $0x1  }
0xbf: {  	_ =	sfence.sel $0xFFFF  }
0xc0: {  	[dreg:$0x0] =	wrdreg $0xFFFFFFFF;
	(pc) =	sbr.abs _section_cstart, $3  }
0xc1: {  	[dreg:$0x1] =	wrdreg $0xFFFFFFFF  }
0xc2: {  	_ =	task.clear_ibuf [dreg:s7], $0x2FFFF;
	_ =	strace $0x9FFFFFFF  }
0xc3: {  	(tm) =	ssettm $0x7FFFFFFF  }
tec
execute0_lowered:
.L_overlay_start_1:
0x0: {  	(tag) =	ssettag $0x1  }
0x1: {  	s1 =	rddreg [dreg:$0x0]  }
0x2: {  	s8 =	rddreg [dreg:$0x1]  }
0x3: {  	s2 =	rddreg [dreg:$0x2];
	s3 =	srdreg.scid  }
0x4: {  	s0 =	rddreg [dreg:$0x3];
	s4 =	simm.s32 $0x0;
	s19 =	simm.s32 $0x7D  }
0x5: {  	s20 =	simm.s32 $0x2800;
	s21 =	simm.s32 $0x80;
	s22 =	simm.s32 $0x6800  }
0x6: {  	s23 =	simm.s32 $0x1480;
	s24 =	simm.s32 $0x2;
	s25 =	simm.s32 $0x3  }
0x7: {  	s26 =	simm.s32 $0x4;
	s6 =	sand.u32 $0x1, s3;
	s3 =	stileid.u32  }
0x8: {  	s28 =	simm.s32 $0x0;
	[smem:$0x7FF] =	sst s4;
	s7 =	smul.u32 $0x2800, s3  }
0x9: {  	s9 =	sadd.s32 $0x4800, s8;
	s10 =	sadd.s32 $0xE800, s8;
	s15 =	smul.u32 $0x50000, s3  }
0xa: {  	s12 =	sadd.s32 $0x3FA00, s8;
	s5 =	sshll.u32 s6, $0x4;
	s31 =	smul.u32 $0x138800, s6  }
0xb: {  	_ =	strace $0x80000047;
	s11 =	ssub.s32 $0x2, s6;
	s16 =	smul.u32 $0x14000, s3  }
0xc: {  	p0 =	seq.s32 s3, $0xF;
	s5 =	sor.u32 s3, s5;
	s13 =	sshrl.u32 s11, $0x1  }
0xd: {  	s5 =	smul.u32 $0x2800, s5;
	s7 =	sadd.s32 s7, s8;
	s13 =	ssub.s32 s11, s13  }
0xe: {  	s15 =	sshrl.u32 s15, $0x2;
	s8 =	sadd.s32 $0x3E000, s8;
	s16 =	sadd.s32 s16, s31  }
0xf: {  	s18 =	sshrl.u32 s31, $0x3;
	s17 =	sadd.s32 s15, s2;
	s7 =	sadd.s32 $0x18800, s7  }
0x10: {  	s15 =	sadd.s32 $0x12C000, s2;
	s16 =	sshrl.u32 s16, $0x3;
	s13 =	smax.u32 s13, $0x1  }
0x11: {  	s14 =	sshrl.u32 s5, $0x3;
	s11 =	sadd.s32 s12, s16;
	s12 =	sadd.s32 s12, s18  }
0x12: {  	s15 =	sshrl.u32 @p0 s15, $0x3;
	s16 =	sshll.u32 @!p0 s3, $0x6;
	s17 =	sshrl.u32 @!p0 s17, $0x3  }
0x13: {  	s18 =	simm.s32 $0x1;
	s5 =	sadd.s32 s9, s14;
	s6 =	sadd.s32 s10, s14  }
0x14: {  	s14 =	sadd.s32 $0x280, s14;
	s12 =	sadd.s32 $0x25800, s12;
	s16 =	sor.u32 @!p0 $0x1C04, s16  }
0x15: {  	s9 =	sadd.s32 s9, s14;
	s10 =	sadd.s32 s10, s14;
	s14 =	simm.s32 $0x1400  }
.LBB2_1:
0x16: {  	[tilespmem:s4], [sflag:$0x1] =	stream.linear.gather [hbm4b:s5+s4], $0x1400, $0x38;
	[tilespmem:$0x1E080] =	vst v63  }
0x17: {  	s29 =	simm.s32 @p0 $0x1FC4  }
0x18: {  	[tilespmem:s14], [sflag:$0x1] =	stream.linear.gather [hbm4b:s6+s4], $0x1400, $0x38;
	[tilespmem:$0x1E080] =	vst v63  }
0x19: {  	[spmem:s15], [sflag:s29] =	dma.local @p0 [hbm:s8], $0x1900  }
0x1a: {  	s29 =	simm.s32 @p0 $0x4  }
0x1b: {  	_ =	swait.ge @p0 [sflag:s29], $0x1900  }
0x1c: {  	[sflag:s29] =	ssyncset.done @p0 $0x0  }
0x1d: {  	[sflag:s29] =	ssyncadd.s32 @p0 $0xFFFFE700;
	s29 =	simm.s32 @!p0 $0x4  }
0x1e: {  	[spmem:s17], [sflag:s16] =	dma.local @!p0 [hbm:s7], $0x2800  }
0x1f: {  	_ =	swait.ge @!p0 [sflag:s29], $0x2800  }
0x20: {  	[sflag:s29] =	ssyncset.done @!p0 $0x0  }
0x21: {  	[sflag:s29] =	ssyncadd.s32 @!p0 $0xFFFFD800  }
0x22: {  	_ =	swait.ge [sflag:s18], $0x1400  }
0x23: {  	[sflag:s18] =	ssyncset.done $0x0  }
0x24: {  	[sflag:s18] =	ssyncadd.s32 $0xFFFFEC00  }
0x25: {  	_ =	swait.ge [sflag:s18], $0x1400  }
0x26: {  	[sflag:s18] =	ssyncset.done $0x0  }
0x27: {  	[sflag:s18] =	ssyncadd.s32 $0xFFFFEC00  }
0x28: {  	[bflag:$0x0] =	sbarrier.arrive $0xFFFF  }
0x29: {  	[tilespmem:s20], [sflag:$0x1] =	stream.indirect.gather [hbm4b:s1+s19], $0x80, s4, s19, $0xb8;
	[tilespmem:$0x1E080] =	vst v63  }
0x2a: {  	_ =	swait.ge [sflag:s18], $0x3E80  }
0x2b: {  	[sflag:s18] =	ssyncset.done $0x0  }
0x2c: {  	[sflag:s18] =	ssyncadd.s32 $0xFFFFC180  }
0x2d: {  	[spmem:s2] =	stream.indirect.scatter.add.f32 [tilespmem:s20], [sflag:$0x2], $0x80, s14, s19, $0xb8;
	[tilespmem:$0x1E080] =	vst v63  }
0x2e: {  	_ = 	snop  }
0x2f: {  	[tilespmem:s22], [sflag:$0x1] =	stream.indirect.gather [hbm4b:s1+s19], $0x80, s21, s19, $0xb8;
	[tilespmem:$0x1E080] =	vst v63  }
0x30: {  	_ =	swait.ge [sflag:s18], $0x3E80  }
0x31: {  	[sflag:s18] =	ssyncset.done $0x0  }
0x32: {  	[sflag:s18] =	ssyncadd.s32 $0xFFFFC180  }
0x33: {  	[spmem:s2] =	stream.indirect.scatter.add.f32 [tilespmem:s22], [sflag:$0x3], $0x80, s23, s19, $0xb8;
	[tilespmem:$0x1E080] =	vst v63  }
0x34: {  	_ =	swait.ge [sflag:s24], $0x3E80  }
0x35: {  	[sflag:s24] =	ssyncset.done $0x0  }
0x36: {  	s29 =	simm.s32 $0x100;
	[sflag:s24] =	ssyncadd.s32 $0xFFFFC180  }
0x37: {  	[tilespmem:s20], [sflag:$0x1] =	stream.indirect.gather [hbm4b:s1+s19], $0x80, s29, s19, $0xb8;
	[tilespmem:$0x1E080] =	vst v63  }
0x38: {  	_ =	swait.ge [sflag:s18], $0x3E80  }
0x39: {  	[sflag:s18] =	ssyncset.done $0x0  }
0x3a: {  	s29 =	simm.s32 $0x1500;
	[sflag:s18] =	ssyncadd.s32 $0xFFFFC180  }
0x3b: {  	[spmem:s2] =	stream.indirect.scatter.add.f32 [tilespmem:s20], [sflag:$0x2], $0x80, s29, s19, $0xb8;
	[tilespmem:$0x1E080] =	vst v63  }
0x3c: {  	_ =	swait.ge [sflag:s25], $0x3E80  }
0x3d: {  	[sflag:s25] =	ssyncset.done $0x0  }
0x3e: {  	s29 =	simm.s32 $0x180;
	[sflag:s25] =	ssyncadd.s32 $0xFFFFC180  }
0x3f: {  	[tilespmem:s22], [sflag:$0x1] =	stream.indirect.gather [hbm4b:s1+s19], $0x80, s29, s19, $0xb8;
	[tilespmem:$0x1E080] =	vst v63  }
0x40: {  	_ =	swait.ge [sflag:s18], $0x3E80  }
0x41: {  	[sflag:s18] =	ssyncset.done $0x0  }
0x42: {  	s30 =	simm.s32 $0x1580;
	s29 =	simm.s32 $0xFFFFB800;
	[sflag:s18] =	ssyncadd.s32 $0xFFFFC180  }
.LBB2_2:
0x43: {  	[spmem:s2] =	stream.indirect.scatter.add.f32 [tilespmem:s22], [sflag:$0x3], $0x80, s30, s19, $0xb8;
	[tilespmem:$0x1E080] =	vst v63  }
0x44: {  	s30 =	smov.u32 s29  }
0x45: {  	p1 =	sne.s32 s29, $0xFFFFFC00;
	s29 =	sadd.s32 $0x400, s29;
	_ =	swait.ge [sflag:s24], $0x3E80  }
0x46: {  	s30 =	sshra.s32 s30, $0x2;
	[sflag:s24] =	ssyncset.done $0x0  }
0x47: {  	s31 =	sadd.s32 $0x1400, s30;
	[sflag:s24] =	ssyncadd.s32 $0xFFFFC180  }
0x48: {  	[tilespmem:s20], [sflag:$0x1] =	stream.indirect.gather [hbm4b:s1+s19], $0x80, s31, s19, $0xb8;
	[tilespmem:$0x1E080] =	vst v63  }
0x49: {  	_ =	swait.ge [sflag:s18], $0x3E80  }
0x4a: {  	[sflag:s18] =	ssyncset.done $0x0  }
0x4b: {  	s31 =	sadd.s32 $0x2800, s30;
	[sflag:s18] =	ssyncadd.s32 $0xFFFFC180  }
0x4c: {  	[spmem:s2] =	stream.indirect.scatter.add.f32 [tilespmem:s20], [sflag:$0x2], $0x80, s31, s19, $0xb8;
	[tilespmem:$0x1E080] =	vst v63  }
0x4d: {  	_ =	swait.ge [sflag:s25], $0x3E80  }
0x4e: {  	[sflag:s25] =	ssyncset.done $0x0  }
.Ltmp0:
0x4f: {  	s31 =	sadd.s32 $0x1480, s30;
	[sflag:s25] =	ssyncadd.s32 $0xFFFFC180;
	(pc) =	sbr.rel @p1 .LBB2_2-.Ltmp0, $4  }
0x50: {  	[tilespmem:s22], [sflag:$0x1] =	stream.indirect.gather [hbm4b:s1+s19], $0x80, s31, s19, $0xb8;
	[tilespmem:$0x1E080] =	vst v63  }
0x51: {  	_ =	swait.ge [sflag:s18], $0x3E80  }
0x52: {  	[sflag:s18] =	ssyncset.done $0x0  }
0x53: {  	s30 =	sadd.s32 $0x2880, s30;
	[sflag:s18] =	ssyncadd.s32 $0xFFFFC180  }
0x54: {  	[spmem:s2] =	stream.indirect.scatter.add.f32 [tilespmem:s22], [sflag:$0x3], $0x80, s30, s19, $0xb8;
	[tilespmem:$0x1E080] =	vst v63  }
0x55: {  	_ =	swait.ge [sflag:s24], $0x3E80  }
0x56: {  	[sflag:s24] =	ssyncset.done $0x0  }
0x57: {  	[sflag:s24] =	ssyncadd.s32 $0xFFFFC180  }
0x58: {  	_ =	swait.ge [sflag:s25], $0x3E80  }
0x59: {  	[sflag:s25] =	ssyncset.done $0x0  }
0x5a: {  	[sflag:s25] =	ssyncadd.s32 $0xFFFFC180  }
0x5b: {  	[tilespmem:s4], [sflag:$0x4] =	stream.linear.gather [hbm4b:s9+s4], $0x1400, $0x38;
	[tilespmem:$0x1E080] =	vst v63  }
0x5c: {  	_ =	swait.ge [sflag:s26], $0x1400  }
0x5d: {  	[sflag:s26] =	ssyncset.done $0x0  }
0x5e: {  	[sflag:s26] =	ssyncadd.s32 $0xFFFFEC00  }
0x5f: {  	[tilespmem:s14], [sflag:$0x4] =	stream.linear.gather [hbm4b:s10+s4], $0x1400, $0x38;
	[tilespmem:$0x1E080] =	vst v63  }
0x60: {  	_ =	swait.ge [sflag:s26], $0x1400  }
0x61: {  	[sflag:s26] =	ssyncset.done $0x0  }
0x62: {  	[sflag:s26] =	ssyncadd.s32 $0xFFFFEC00  }
0x63: {  	[tilespmem:s20], [sflag:$0x1] =	stream.indirect.gather [hbm4b:s1+s19], $0x80, s4, s19, $0xb8;
	[tilespmem:$0x1E080] =	vst v63  }
0x64: {  	_ =	swait.ge [sflag:s18], $0x3E80  }
0x65: {  	[sflag:s18] =	ssyncset.done $0x0  }
0x66: {  	[sflag:s18] =	ssyncadd.s32 $0xFFFFC180  }
0x67: {  	[spmem:s2] =	stream.indirect.scatter.add.f32 [tilespmem:s20], [sflag:$0x2], $0x80, s14, s19, $0xb8;
	[tilespmem:$0x1E080] =	vst v63  }
0x68: {  	_ = 	snop  }
0x69: {  	[tilespmem:s22], [sflag:$0x1] =	stream.indirect.gather [hbm4b:s1+s19], $0x80, s21, s19, $0xb8;
	[tilespmem:$0x1E080] =	vst v63  }
0x6a: {  	_ =	swait.ge [sflag:s18], $0x3E80  }
0x6b: {  	[sflag:s18] =	ssyncset.done $0x0  }
0x6c: {  	[sflag:s18] =	ssyncadd.s32 $0xFFFFC180  }
0x6d: {  	[spmem:s2] =	stream.indirect.scatter.add.f32 [tilespmem:s22], [sflag:$0x3], $0x80, s23, s19, $0xb8;
	[tilespmem:$0x1E080] =	vst v63  }
0x6e: {  	_ =	swait.ge [sflag:s24], $0x3E80  }
0x6f: {  	[sflag:s24] =	ssyncset.done $0x0  }
0x70: {  	s29 =	simm.s32 $0x100;
	[sflag:s24] =	ssyncadd.s32 $0xFFFFC180  }
0x71: {  	[tilespmem:s20], [sflag:$0x1] =	stream.indirect.gather [hbm4b:s1+s19], $0x80, s29, s19, $0xb8;
	[tilespmem:$0x1E080] =	vst v63  }
0x72: {  	_ =	swait.ge [sflag:s18], $0x3E80  }
0x73: {  	[sflag:s18] =	ssyncset.done $0x0  }
0x74: {  	s29 =	simm.s32 $0x1500;
	[sflag:s18] =	ssyncadd.s32 $0xFFFFC180  }
0x75: {  	[spmem:s2] =	stream.indirect.scatter.add.f32 [tilespmem:s20], [sflag:$0x2], $0x80, s29, s19, $0xb8;
	[tilespmem:$0x1E080] =	vst v63  }
0x76: {  	_ =	swait.ge [sflag:s25], $0x3E80  }
0x77: {  	[sflag:s25] =	ssyncset.done $0x0  }
0x78: {  	s29 =	simm.s32 $0x180;
	[sflag:s25] =	ssyncadd.s32 $0xFFFFC180  }
0x79: {  	[tilespmem:s22], [sflag:$0x1] =	stream.indirect.gather [hbm4b:s1+s19], $0x80, s29, s19, $0xb8;
	[tilespmem:$0x1E080] =	vst v63  }
0x7a: {  	_ =	swait.ge [sflag:s18], $0x3E80  }
0x7b: {  	[sflag:s18] =	ssyncset.done $0x0  }
0x7c: {  	s30 =	simm.s32 $0x1580;
	s29 =	simm.s32 $0xFFFFB800;
	[sflag:s18] =	ssyncadd.s32 $0xFFFFC180  }
.LBB2_4:
0x7d: {  	[spmem:s2] =	stream.indirect.scatter.add.f32 [tilespmem:s22], [sflag:$0x3], $0x80, s30, s19, $0xb8;
	[tilespmem:$0x1E080] =	vst v63  }
0x7e: {  	s30 =	smov.u32 s29  }
0x7f: {  	p1 =	sne.s32 s29, $0xFFFFFC00;
	s29 =	sadd.s32 $0x400, s29;
	_ =	swait.ge [sflag:s24], $0x3E80  }
0x80: {  	s30 =	sshra.s32 s30, $0x2;
	[sflag:s24] =	ssyncset.done $0x0  }
0x81: {  	s31 =	sadd.s32 $0x1400, s30;
	[sflag:s24] =	ssyncadd.s32 $0xFFFFC180  }
0x82: {  	[tilespmem:s20], [sflag:$0x1] =	stream.indirect.gather [hbm4b:s1+s19], $0x80, s31, s19, $0xb8;
	[tilespmem:$0x1E080] =	vst v63  }
0x83: {  	_ =	swait.ge [sflag:s18], $0x3E80  }
0x84: {  	[sflag:s18] =	ssyncset.done $0x0  }
0x85: {  	s31 =	sadd.s32 $0x2800, s30;
	[sflag:s18] =	ssyncadd.s32 $0xFFFFC180  }
0x86: {  	[spmem:s2] =	stream.indirect.scatter.add.f32 [tilespmem:s20], [sflag:$0x2], $0x80, s31, s19, $0xb8;
	[tilespmem:$0x1E080] =	vst v63  }
0x87: {  	_ =	swait.ge [sflag:s25], $0x3E80  }
0x88: {  	[sflag:s25] =	ssyncset.done $0x0  }
.Ltmp1:
0x89: {  	s31 =	sadd.s32 $0x1480, s30;
	[sflag:s25] =	ssyncadd.s32 $0xFFFFC180;
	(pc) =	sbr.rel @p1 .LBB2_4-.Ltmp1, $4  }
0x8a: {  	[tilespmem:s22], [sflag:$0x1] =	stream.indirect.gather [hbm4b:s1+s19], $0x80, s31, s19, $0xb8;
	[tilespmem:$0x1E080] =	vst v63  }
0x8b: {  	_ =	swait.ge [sflag:s18], $0x3E80  }
0x8c: {  	[sflag:s18] =	ssyncset.done $0x0  }
0x8d: {  	s30 =	sadd.s32 $0x2880, s30;
	[sflag:s18] =	ssyncadd.s32 $0xFFFFC180  }
0x8e: {  	[spmem:s2] =	stream.indirect.scatter.add.f32 [tilespmem:s22], [sflag:$0x3], $0x80, s30, s19, $0xb8;
	[tilespmem:$0x1E080] =	vst v63  }
0x8f: {  	_ =	swait.ge [sflag:s24], $0x3E80  }
0x90: {  	[sflag:s24] =	ssyncset.done $0x0  }
0x91: {  	[sflag:s24] =	ssyncadd.s32 $0xFFFFC180  }
0x92: {  	_ =	swait.ge [sflag:s25], $0x3E80  }
0x93: {  	[sflag:s25] =	ssyncset.done $0x0  }
0x94: {  	[sflag:s25] =	ssyncadd.s32 $0xFFFFC180  }
0x95: {  	s29 =	simm.s32 @p0 $0x1FC4;
	[bflag:$0x0] =	sbarrier.arrive $0xFFFF  }
0x96: {  	[hbm:s12], [sflag:s29] =	dma.local @p0 [spmem:s15], $0x1900  }
0x97: {  	s29 =	simm.s32 @p0 $0x4  }
0x98: {  	s28 =	sadd.s32 $0x1, s28;
	_ =	swait.ge @p0 [sflag:s29], $0x1900  }
0x99: {  	p1 =	sne.s32 s28, s13;
	[sflag:s29] =	ssyncset.done @p0 $0x0  }
.Ltmp2:
0x9a: {  	[sflag:s29] =	ssyncadd.s32 @p0 $0xFFFFE700;
	s29 =	simm.s32 @!p0 $0x4;
	(pc) =	sbr.rel @p1 .LBB2_1-.Ltmp2, $4  }
0x9b: {  	[hbm:s11], [sflag:s16] =	dma.local @!p0 [spmem:s17], $0x2800  }
0x9c: {  	_ =	swait.ge @!p0 [sflag:s29], $0x2800  }
0x9d: {  	[sflag:s29] =	ssyncset.done @!p0 $0x0  }
0x9e: {  	[sflag:s29] =	ssyncadd.s32 @!p0 $0xFFFFD800  }
0x9f: {  	_ =	sfence.sel $0x180000  }
0xa0: {  	[bflag:$0x0] =	sbarrier.arrive $0xFFFF  }
0xa1: {  	p0 =	sne.s32 s3, $0x0;
	_ =	strace $0x90000047  }
0xa2: {  	s0 =	sadd.s32 @!p0 $0x100000, s0;
	[bflag:$0x2] =	sbarrier.arrive $0xFFFF  }
0xa3: {  	[sflag:s0] =	ssyncadd.tile.s32 @!p0 $0x1;
	_ =	shalt  }
.Lfunc_end2:
_tile_overlayer_lowered:
.L_overlay_start_2:
0xa4: {  	(tag) =	ssettag $0x2  }
0xa5: {  	s0 =	rddreg [dreg:$0x0];
	s2 =	stileid.u32  }
0xa6: {  	s1 =	rddreg [dreg:$0x1];
	p0 =	sne.s32 s2, $0x0  }
0xa7: {  	s3 =	rddreg [dreg:$0x2];
	[bflag:$0x3] =	sbarrier.arrive $0xFFFF;
	s2 =	simm.s32 @!p0 $0x1C04  }
0xa8: {  	[timem:s3], [sflag:s2] =	dma.local @!p0 [hbm:s0], s1  }
0xa9: {  	s0 =	simm.s32 @!p0 $0x4  }
0xaa: {  	_ =	swait.ge @!p0 [sflag:s0], s1  }
0xab: {  	s1 =	ssub.s32 @!p0 $0x0, s1;
	[sflag:s0] =	ssyncset.done @!p0 $0x0  }
0xac: {  	[sflag:s0] =	ssyncadd.s32 @!p0 s1  }
0xad: {  	[bflag:$0x3] =	sbarrier.arrive $0xFFFF  }
0xae: {  	_ =	shalt  }

</sc_bundles>
